<compile_context>
chip_gen: v7x
topology: tpu7x:2x2x1
jax: 0.10.2.dev20260603
libtpu: 0.0.44.dev20260713+nightly
codegen_flags: <defaults>
</compile_context>

<pallas_src>
import functools

import jax
import jax.numpy as jnp
from jax import lax
from jax.experimental import pallas as pl
from jax.experimental.pallas import tpu as pltpu
from jax.experimental.pallas import tpu_sc as plsc

B, H, W = 16, 128, 128
HW = H * W
K = 100
DR = 4.0
THR = 0.1
NCHUNKS = HW // 16

HIST_BASE = 63280
HIST_N = 1760
FIN_CAP = 272
SEL = 112
NEG_INF = float("-inf")


def _body(heat_hbm, off_hbm, wh_hbm, img_hbm, out_hbm,
          heat_pad, rmax_pad, cand_s, cand_i, hist,
          fin_s, fin_i, sel_s, sel_i,
          idx_ox, idx_oy, idx_bw, idx_bh,
          val_ox, val_oy, val_bw, val_bh,
          det_v, img_v, sem):
  wid = lax.axis_index("s") * 2 + lax.axis_index("c")

  @pl.when(wid < B)
  def _():
    b = wid
    iota = lax.iota(jnp.int32, 16)
    zeros_i = jnp.zeros((16,), jnp.int32)
    ones_i = jnp.ones((16,), jnp.int32)
    zeros_f = jnp.zeros((16,), jnp.float32)
    ninf = jnp.full((16,), NEG_INF, jnp.float32)

    pltpu.sync_copy(heat_hbm.at[pl.ds(b * HW, HW)], heat_pad.at[pl.ds(16, HW)])
    pltpu.sync_copy(img_hbm, img_v)

    for g in range(8):
      rmax_pad[pl.ds(g * 16, 16)] = ninf
      rmax_pad[pl.ds(W + HW + g * 16, 16)] = ninf
    for g in range(HIST_N // 16):
      hist[pl.ds(g * 16, 16)] = zeros_i
    for g in range(704 // 16):
      det_v[pl.ds(g * 16, 16)] = zeros_f
    for g in range(FIN_CAP // 16):
      fin_s[pl.ds(g * 16, 16)] = jnp.full((16,), -1.0, jnp.float32)
    for g in range(SEL // 16):
      sel_i[pl.ds(g * 16, 16)] = zeros_i
      sel_s[pl.ds(g * 16, 16)] = zeros_f

    def row_pass(c, _):
      base = 16 + c * 16
      xc = (c % 8) * 16 + iota
      mid = heat_pad[pl.ds(base, 16)]
      left = heat_pad[pl.ds(base - 1, 16)]
      right = heat_pad[pl.ds(base + 1, 16)]
      left = jnp.where(xc >= 1, left, ninf)
      right = jnp.where(xc <= W - 2, right, ninf)
      rmax_pad[pl.ds(W + c * 16, 16)] = jnp.maximum(mid, jnp.maximum(left, right))
      return 0
    lax.fori_loop(0, NCHUNKS, row_pass, 0)

    thr = jnp.full((16,), THR, jnp.float32)

    def col_pass(c, n_splat):
      base = W + c * 16
      mid = rmax_pad[pl.ds(base, 16)]
      top = rmax_pad[pl.ds(base - W, 16)]
      bot = rmax_pad[pl.ds(base + W, 16)]
      hmax = jnp.maximum(mid, jnp.maximum(top, bot))
      h = heat_pad[pl.ds(16 + c * 16, 16)]
      keep = (h == hmax) & (h > thr)
      prefix = plsc.cumsum(jnp.where(keep, ones_i, zeros_i))
      pos = n_splat + prefix - 1
      plsc.store_scatter(cand_s, [pos], h, mask=keep)
      plsc.store_scatter(cand_i, [pos], c * 16 + iota, mask=keep)
      return n_splat + plsc.all_reduce_population_count(keep)
    n_splat = lax.fori_loop(0, NCHUNKS, col_pass, zeros_i)
    n = lax.reduce_max_p.bind(n_splat, axes=(0,))

    def hist_pass(c, _):
      base = c * 16
      valid = (base + iota) < n_splat
      s = cand_s[pl.ds(base, 16)]
      bucket = lax.shift_right_logical(plsc.bitcast(s, jnp.int32), 14) - HIST_BASE
      plsc.addupdate_scatter(hist, [bucket], ones_i, mask=valid)
      return 0
    lax.fori_loop(0, (n + 15) // 16, hist_pass, 0)

    def scan_cond(state):
      v, total, _ = state
      return (v >= 0) & (total < K)

    def scan_step(state):
      v, total, blo = state
      chunk = hist[pl.ds(v * 16, 16)]
      ssum = lax.reduce_sum_p.bind(chunk, axes=(0,))

      def boundary():
        suffix = lax.rev(plsc.cumsum(lax.rev(chunk, (0,))), (0,))
        above = total + suffix - chunk
        mk = (above < K) & ((above + chunk) >= K)
        lane = lax.reduce_max_p.bind(jnp.where(mk, iota, zeros_i), axes=(0,))
        return (HIST_BASE + v * 16 + lane) << 14

      blo_new = lax.cond(total + ssum >= K, boundary, lambda: blo)
      return v - 1, total + ssum, blo_new

    _, _, blo_bits = lax.while_loop(
        scan_cond, scan_step, (HIST_N // 16 - 1, jnp.int32(0), jnp.int32(0)))
    blo = plsc.bitcast(jnp.full((16,), blo_bits, jnp.int32), jnp.float32)

    def collect(c, m_splat):
      base = c * 16
      valid = (base + iota) < n_splat
      s = cand_s[pl.ds(base, 16)]
      ii = cand_i[pl.ds(base, 16)]
      mk = valid & (s >= blo)
      prefix = plsc.cumsum(jnp.where(mk, ones_i, zeros_i))
      pos = m_splat + prefix - 1
      mk = mk & (pos < FIN_CAP)
      plsc.store_scatter(fin_s, [pos], s, mask=mk)
      plsc.store_scatter(fin_i, [pos], ii, mask=mk)
      return m_splat + plsc.all_reduce_population_count(mk)
    m_splat = lax.fori_loop(0, (n + 15) // 16, collect, zeros_i)
    m = lax.reduce_max_p.bind(m_splat, axes=(0,))
    mc = (m + 15) // 16
    nsel = jnp.minimum(m_splat, jnp.full((16,), K, jnp.int32))

    lane0 = iota == 0

    def rank_one(e, _):
      ev = jnp.full((16,), e, jnp.int32)
      se = plsc.load_gather(fin_s, [ev])
      ie = plsc.load_gather(fin_i, [ev])

      def cnt(c, r):
        fs = fin_s[pl.ds(c * 16, 16)]
        fi = fin_i[pl.ds(c * 16, 16)]
        beats = (fs > se) | ((fs == se) & (fi < ie))
        return r + plsc.all_reduce_population_count(beats)
      rank = lax.fori_loop(0, mc, cnt, zeros_i)
      mk = lane0 & (rank < K)
      plsc.store_scatter(sel_s, [rank], se, mask=mk)
      plsc.store_scatter(sel_i, [rank], ie, mask=mk)
      return 0
    lax.fori_loop(0, m, rank_one, 0)

    base_ox = b * 2 * HW
    for r in range(SEL // 16):
      si = sel_i[pl.ds(r * 16, 16)]
      idx_ox[pl.ds(r * 16, 16)] = si + base_ox
      idx_oy[pl.ds(r * 16, 16)] = si + (base_ox + HW)
      idx_bw[pl.ds(r * 16, 16)] = si + base_ox
      idx_bh[pl.ds(r * 16, 16)] = si + (base_ox + HW)

    c1 = pltpu.make_async_copy(off_hbm.at[idx_ox], val_ox, sem)
    c2 = pltpu.make_async_copy(off_hbm.at[idx_oy], val_oy, sem)
    c3 = pltpu.make_async_copy(wh_hbm.at[idx_bw], val_bw, sem)
    c4 = pltpu.make_async_copy(wh_hbm.at[idx_bh], val_bh, sem)
    c1.start(); c2.start(); c3.start(); c4.start()
    c1.wait(); c2.wait(); c3.wait(); c4.wait()

    img = plsc.load_gather(img_v, [jnp.full((16,), b, jnp.int32)])
    for r in range(SEL // 16):
      rv = r * 16 + iota
      mk = rv < nsel
      s = sel_s[pl.ds(r * 16, 16)]
      si = sel_i[pl.ds(r * 16, 16)]
      ox = val_ox[pl.ds(r * 16, 16)]
      oy = val_oy[pl.ds(r * 16, 16)]
      bw = val_bw[pl.ds(r * 16, 16)]
      bh = val_bh[pl.ds(r * 16, 16)]
      xs = lax.convert_element_type(si & (W - 1), jnp.float32) + ox
      ys = lax.convert_element_type(lax.shift_right_logical(si, 7), jnp.float32) + oy
      bw2 = bw * 0.5
      bh2 = bh * 0.5
      p7 = rv * 7
      plsc.store_scatter(det_v, [p7], img, mask=mk)
      plsc.store_scatter(det_v, [p7 + 1], (xs - bw2) * DR, mask=mk)
      plsc.store_scatter(det_v, [p7 + 2], (ys - bh2) * DR, mask=mk)
      plsc.store_scatter(det_v, [p7 + 3], (xs + bw2) * DR, mask=mk)
      plsc.store_scatter(det_v, [p7 + 4], (ys + bh2) * DR, mask=mk)
      plsc.store_scatter(det_v, [p7 + 5], s, mask=mk)

    pltpu.sync_copy(det_v, out_hbm.at[pl.ds(b * 704, 704)])


@jax.jit
def kernel(output_heatmap, output_bbox, output_offset, image_id):
  heat = output_heatmap.reshape(B * HW)
  off = output_offset.reshape(B * 2 * HW)
  wh = output_bbox.reshape(B * 2 * HW)
  img = image_id.astype(jnp.float32)

  mesh = plsc.VectorSubcoreMesh(
      core_axis_name="c", subcore_axis_name="s", num_cores=2, num_subcores=16)
  f = pl.kernel(
      _body,
      out_type=jax.ShapeDtypeStruct((B * 704,), jnp.float32),
      mesh=mesh,
      compiler_params=pltpu.CompilerParams(needs_layout_passes=False),
      scratch_types=[
          pltpu.VMEM((16 + HW + 16,), jnp.float32),
          pltpu.VMEM((W + HW + W,), jnp.float32),
          pltpu.VMEM((HW + 16,), jnp.float32),
          pltpu.VMEM((HW + 16,), jnp.int32),
          pltpu.VMEM((HIST_N,), jnp.int32),
          pltpu.VMEM((FIN_CAP + 16,), jnp.float32),
          pltpu.VMEM((FIN_CAP + 16,), jnp.int32),
          pltpu.VMEM((SEL,), jnp.float32),
          pltpu.VMEM((SEL,), jnp.int32),
          pltpu.VMEM((SEL,), jnp.int32),
          pltpu.VMEM((SEL,), jnp.int32),
          pltpu.VMEM((SEL,), jnp.int32),
          pltpu.VMEM((SEL,), jnp.int32),
          pltpu.VMEM((SEL,), jnp.float32),
          pltpu.VMEM((SEL,), jnp.float32),
          pltpu.VMEM((SEL,), jnp.float32),
          pltpu.VMEM((SEL,), jnp.float32),
          pltpu.VMEM((704,), jnp.float32),
          pltpu.VMEM((16,), jnp.float32),
          pltpu.SemaphoreType.DMA,
      ],
  )
  out = f(heat, off, wh, img)
  return out.reshape(B, 704)[:, :700].reshape(B, K, 7)

# --- scband reference (transcript-rebuilt; emitter-appended) ---
"""Pipeline reference for scband-ro-imodel-22823456211274 (READ-ONLY COPY).

The authoritative reference and input builder live on the scoring server;
editing this copy changes nothing except your own understanding.
"""

import jax, jax.numpy as jnp
import numpy as np

CFG = {"down_ratio": 4, "max_detections": 100, "score_threshold": 0.1, "num_classes": 1}


def _peak_nms(heat):
    # 3x3 max-pool with stride 1, SAME padding; keep only local maxima (CenterNet pseudo-NMS)
    hmax = jax.lax.reduce_window(heat, -jnp.inf, jax.lax.max,
                                 window_dimensions=(1, 1, 3, 3),
                                 window_strides=(1, 1, 1, 1),
                                 padding="SAME")
    keep = (hmax == heat).astype(heat.dtype)
    return heat * keep


def get_bounding_box_prediction(cfg, heat, off, wh, image_id):
    K = cfg["max_detections"]
    dr = float(cfg["down_ratio"])
    B, C, H, W = heat.shape
    heat = _peak_nms(heat)
    scores_flat = heat.reshape(B, C * H * W)
    topk_scores, topk_inds = jax.lax.top_k(scores_flat, K)
    spatial_inds = topk_inds % (H * W)
    clses = (topk_inds // (H * W)).astype(jnp.float32)
    ys = (spatial_inds // W).astype(jnp.float32)
    xs = (spatial_inds % W).astype(jnp.float32)
    off_flat = off.reshape(B, 2, H * W)
    ox = jnp.take_along_axis(off_flat[:, 0, :], spatial_inds, axis=1)
    oy = jnp.take_along_axis(off_flat[:, 1, :], spatial_inds, axis=1)
    wh_flat = wh.reshape(B, 2, H * W)
    bw = jnp.take_along_axis(wh_flat[:, 0, :], spatial_inds, axis=1)
    bh = jnp.take_along_axis(wh_flat[:, 1, :], spatial_inds, axis=1)
    xs = xs + ox
    ys = ys + oy
    x1 = (xs - bw / 2.0) * dr
    y1 = (ys - bh / 2.0) * dr
    x2 = (xs + bw / 2.0) * dr
    y2 = (ys + bh / 2.0) * dr
    img = jnp.broadcast_to(image_id[:, None].astype(jnp.float32), (B, K))
    det = jnp.stack([img, x1, y1, x2, y2, topk_scores, clses], axis=-1)
    mask = (topk_scores > cfg["score_threshold"]).astype(det.dtype)
    det = det * mask[..., None]
    return det


def setup_inputs(seed: int = 0) -> dict:
    key = jax.random.key(seed)
    k1, k2, k3 = jax.random.split(key, 3)
    B, C, H, W = 16, 1, 128, 128
    output_heatmap = jax.random.uniform(k1, (B, C, H, W), dtype=jnp.float32)
    output_bbox = jax.random.uniform(k2, (B, 2, H, W), dtype=jnp.float32) * 32.0
    output_offset = jax.random.uniform(k3, (B, 2, H, W), dtype=jnp.float32)
    image_id = jnp.arange(B, dtype=jnp.int64)
    return {"output_heatmap": output_heatmap, "output_bbox": output_bbox,
            "output_offset": output_offset, "image_id": image_id}


def reference(output_heatmap, output_bbox, output_offset, image_id):
    # RoIModel.forward: runs decoding under no_grad on detached tensors
    heat = jax.lax.stop_gradient(output_heatmap)
    off = jax.lax.stop_gradient(output_offset)
    wh = jax.lax.stop_gradient(output_bbox)
    detections = get_bounding_box_prediction(CFG, heat, off, wh, image_id)
    return detections

if __name__ == "__main__":
    import jax
    _d = setup_inputs()
    print(jax.jit(kernel)(*tuple(_d.values())))

</pallas_src>

<mosaic_0001>
#map = affine_map<(d0, d1) -> (0)>
module attributes {stable_mosaic.version = 14 : i64} {
  func.func @_body(%arg0: i32, %arg1: i32, %arg2: memref<262144xf32, #tpu.memory_space<hbm>>, %arg3: memref<524288xf32, #tpu.memory_space<hbm>>, %arg4: memref<524288xf32, #tpu.memory_space<hbm>>, %arg5: memref<16xf32, #tpu.memory_space<hbm>>, %arg6: memref<11264xf32, #tpu.memory_space<hbm>>, %arg7: memref<16416xf32, #tpu.memory_space<vmem>>, %arg8: memref<16640xf32, #tpu.memory_space<vmem>>, %arg9: memref<16400xf32, #tpu.memory_space<vmem>>, %arg10: memref<16400xi32, #tpu.memory_space<vmem>>, %arg11: memref<1760xi32, #tpu.memory_space<vmem>>, %arg12: memref<288xf32, #tpu.memory_space<vmem>>, %arg13: memref<288xi32, #tpu.memory_space<vmem>>, %arg14: memref<112xf32, #tpu.memory_space<vmem>>, %arg15: memref<112xi32, #tpu.memory_space<vmem>>, %arg16: memref<112xi32, #tpu.memory_space<vmem>>, %arg17: memref<112xi32, #tpu.memory_space<vmem>>, %arg18: memref<112xi32, #tpu.memory_space<vmem>>, %arg19: memref<112xi32, #tpu.memory_space<vmem>>, %arg20: memref<112xf32, #tpu.memory_space<vmem>>, %arg21: memref<112xf32, #tpu.memory_space<vmem>>, %arg22: memref<112xf32, #tpu.memory_space<vmem>>, %arg23: memref<112xf32, #tpu.memory_space<vmem>>, %arg24: memref<704xf32, #tpu.memory_space<vmem>>, %arg25: memref<16xf32, #tpu.memory_space<vmem>>, %arg26: memref<!tpu.dma_semaphore, #tpu.memory_space<semaphore_mem>>) attributes {dimension_semantics = [#tpu.dimension_semantics<core_parallel>, #tpu.dimension_semantics<subcore_parallel>], iteration_bounds = array<i64: 2, 16>, scalar_prefetch = 0 : i64, scratch_operands = 20 : i64, tpu.core_type = #tpu.core_type<sc_vector_subcore>, window_params = [{transform_indices = #map}, {transform_indices = #map}, {transform_indices = #map}, {transform_indices = #map}, {transform_indices = #map}]} {
    %mul3A = arith.constant 2 : i32
    %mul3A_0 = arith.muli %arg1, %mul3A : i32
    %add3A = arith.addi %mul3A_0, %arg0 : i32
    %lt3A = arith.constant 16 : i32
    %lt3A_1 = arith.cmpi slt, %add3A, %lt3A : i32
    %convert_element_type3A = arith.extui %lt3A_1 : i1 to i32
    %cond3A = arith.constant 0 : i32
    %cond3A_2 = arith.cmpi ne, %convert_element_type3A, %cond3A : i32
    scf.if %cond3A_2 {
      %iota3A = tpu.iota {dimensions = array<i32: 0>} : vector<16xi32>
      %broadcast_in_dim3A = arith.constant 0 : i32
      %broadcast_in_dim3A_3 = vector.broadcast %broadcast_in_dim3A : i32 to vector<16xi32>
      %broadcast_in_dim3A_4 = arith.constant 1 : i32
      %broadcast_in_dim3A_5 = vector.broadcast %broadcast_in_dim3A_4 : i32 to vector<16xi32>
      %broadcast_in_dim3A_6 = arith.constant 0.000000e+00 : f32
      %broadcast_in_dim3A_7 = vector.broadcast %broadcast_in_dim3A_6 : f32 to vector<16xf32>
      %broadcast_in_dim3A_8 = arith.constant 0xFF800000 : f32
      %broadcast_in_dim3A_9 = vector.broadcast %broadcast_in_dim3A_8 : f32 to vector<16xf32>
      %mul3A_10 = arith.constant 16384 : i32
      %mul3A_11 = arith.muli %add3A, %mul3A_10 : i32
      "tpu.region"() ({
        %run_scoped3A = tpu.sem_alloc : memref<!tpu.dma_semaphore, #tpu.memory_space<semaphore_mem>>
        %dma_start3A_1224 = arith.constant 16 : i32
        %dma_start3A_1225 = tpu.memref_slice %arg7[%dma_start3A_1224] : memref<16416xf32, #tpu.memory_space<vmem>> -> memref<16384xf32, #tpu.memory_space<vmem>>
        %dma_start3A_1226 = tpu.memref_slice %arg2[%mul3A_11] : memref<262144xf32, #tpu.memory_space<hbm>> -> memref<16384xf32, #tpu.memory_space<hbm>>
        %dma_start3A_1227 = arith.constant 16 : i32
        %dma_start3A_1228 = tpu.memref_slice %arg7[%dma_start3A_1227] : memref<16416xf32, #tpu.memory_space<vmem>> -> memref<16384xf32, #tpu.memory_space<vmem>>
        %dma_start3A_1229 = tpu.memref_slice %arg2[%mul3A_11] : memref<262144xf32, #tpu.memory_space<hbm>> -> memref<16384xf32, #tpu.memory_space<hbm>>
        tpu.enqueue_dma source(%dma_start3A_1229 : memref<16384xf32, #tpu.memory_space<hbm>>) target(%dma_start3A_1228 : memref<16384xf32, #tpu.memory_space<vmem>>) target_semaphore(%run_scoped3A : memref<!tpu.dma_semaphore, #tpu.memory_space<semaphore_mem>>)
        %dma_wait3A_1230 = arith.constant 16 : i32
        %dma_wait3A_1231 = tpu.memref_slice %arg7[%dma_wait3A_1230] : memref<16416xf32, #tpu.memory_space<vmem>> -> memref<16384xf32, #tpu.memory_space<vmem>>
        %dma_wait3A_1232 = tpu.memref_slice %arg2[%mul3A_11] : memref<262144xf32, #tpu.memory_space<hbm>> -> memref<16384xf32, #tpu.memory_space<hbm>>
        %dma_wait3A_1233 = arith.constant 16 : i32
        %dma_wait3A_1234 = tpu.memref_slice %arg7[%dma_wait3A_1233] : memref<16416xf32, #tpu.memory_space<vmem>> -> memref<16384xf32, #tpu.memory_space<vmem>>
        %dma_wait3A_1235 = tpu.memref_slice %arg2[%mul3A_11] : memref<262144xf32, #tpu.memory_space<hbm>> -> memref<16384xf32, #tpu.memory_space<hbm>>
        tpu.wait_dma2 semaphore(%run_scoped3A : memref<!tpu.dma_semaphore, #tpu.memory_space<semaphore_mem>>) src(%dma_wait3A_1235 : memref<16384xf32, #tpu.memory_space<hbm>>) dst(%dma_wait3A_1234 : memref<16384xf32, #tpu.memory_space<vmem>>)
        tpu.yield
      }) : () -> ()
      "tpu.region"() ({
        %run_scoped3A = tpu.sem_alloc : memref<!tpu.dma_semaphore, #tpu.memory_space<semaphore_mem>>
        tpu.enqueue_dma source(%arg5 : memref<16xf32, #tpu.memory_space<hbm>>) target(%arg25 : memref<16xf32, #tpu.memory_space<vmem>>) target_semaphore(%run_scoped3A : memref<!tpu.dma_semaphore, #tpu.memory_space<semaphore_mem>>)
        tpu.wait_dma2 semaphore(%run_scoped3A : memref<!tpu.dma_semaphore, #tpu.memory_space<semaphore_mem>>) src(%arg5 : memref<16xf32, #tpu.memory_space<hbm>>) dst(%arg25 : memref<16xf32, #tpu.memory_space<vmem>>)
        tpu.yield
      }) : () -> ()
      %swap3A = arith.constant 0 : index
      %swap3A_12 = tpu.vector_load %arg8[%swap3A] {strides = array<i32>} : memref<16640xf32, #tpu.memory_space<vmem>>, vector<16xf32>,
      tpu.vector_store %arg8[%swap3A], %broadcast_in_dim3A_9 {strides = array<i32>} : memref<16640xf32, #tpu.memory_space<vmem>>, vector<16xf32>,
      %swap3A_13 = arith.constant 16512 : index
      %swap3A_14 = tpu.vector_load %arg8[%swap3A_13] {strides = array<i32>} : memref<16640xf32, #tpu.memory_space<vmem>>, vector<16xf32>,
      tpu.vector_store %arg8[%swap3A_13], %broadcast_in_dim3A_9 {strides = array<i32>} : memref<16640xf32, #tpu.memory_space<vmem>>, vector<16xf32>,
      %swap3A_15 = arith.constant 16 : index
      %swap3A_16 = tpu.vector_load %arg8[%swap3A_15] {strides = array<i32>} : memref<16640xf32, #tpu.memory_space<vmem>>, vector<16xf32>,
      tpu.vector_store %arg8[%swap3A_15], %broadcast_in_dim3A_9 {strides = array<i32>} : memref<16640xf32, #tpu.memory_space<vmem>>, vector<16xf32>,
      %swap3A_17 = arith.constant 16528 : index
      %swap3A_18 = tpu.vector_load %arg8[%swap3A_17] {strides = array<i32>} : memref<16640xf32, #tpu.memory_space<vmem>>, vector<16xf32>,
      tpu.vector_store %arg8[%swap3A_17], %broadcast_in_dim3A_9 {strides = array<i32>} : memref<16640xf32, #tpu.memory_space<vmem>>, vector<16xf32>,
      %swap3A_19 = arith.constant 32 : index
      %swap3A_20 = tpu.vector_load %arg8[%swap3A_19] {strides = array<i32>} : memref<16640xf32, #tpu.memory_space<vmem>>, vector<16xf32>,
      tpu.vector_store %arg8[%swap3A_19], %broadcast_in_dim3A_9 {strides = array<i32>} : memref<16640xf32, #tpu.memory_space<vmem>>, vector<16xf32>,
      %swap3A_21 = arith.constant 16544 : index
      %swap3A_22 = tpu.vector_load %arg8[%swap3A_21] {strides = array<i32>} : memref<16640xf32, #tpu.memory_space<vmem>>, vector<16xf32>,
      tpu.vector_store %arg8[%swap3A_21], %broadcast_in_dim3A_9 {strides = array<i32>} : memref<16640xf32, #tpu.memory_space<vmem>>, vector<16xf32>,
      %swap3A_23 = arith.constant 48 : index
      %swap3A_24 = tpu.vector_load %arg8[%swap3A_23] {strides = array<i32>} : memref<16640xf32, #tpu.memory_space<vmem>>, vector<16xf32>,
      tpu.vector_store %arg8[%swap3A_23], %broadcast_in_dim3A_9 {strides = array<i32>} : memref<16640xf32, #tpu.memory_space<vmem>>, vector<16xf32>,
      %swap3A_25 = arith.constant 16560 : index
      %swap3A_26 = tpu.vector_load %arg8[%swap3A_25] {strides = array<i32>} : memref<16640xf32, #tpu.memory_space<vmem>>, vector<16xf32>,
      tpu.vector_store %arg8[%swap3A_25], %broadcast_in_dim3A_9 {strides = array<i32>} : memref<16640xf32, #tpu.memory_space<vmem>>, vector<16xf32>,
      %swap3A_27 = arith.constant 64 : index
      %swap3A_28 = tpu.vector_load %arg8[%swap3A_27] {strides = array<i32>} : memref<16640xf32, #tpu.memory_space<vmem>>, vector<16xf32>,
      tpu.vector_store %arg8[%swap3A_27], %broadcast_in_dim3A_9 {strides = array<i32>} : memref<16640xf32, #tpu.memory_space<vmem>>, vector<16xf32>,
      %swap3A_29 = arith.constant 16576 : index
      %swap3A_30 = tpu.vector_load %arg8[%swap3A_29] {strides = array<i32>} : memref<16640xf32, #tpu.memory_space<vmem>>, vector<16xf32>,
      tpu.vector_store %arg8[%swap3A_29], %broadcast_in_dim3A_9 {strides = array<i32>} : memref<16640xf32, #tpu.memory_space<vmem>>, vector<16xf32>,
      %swap3A_31 = arith.constant 80 : index
      %swap3A_32 = tpu.vector_load %arg8[%swap3A_31] {strides = array<i32>} : memref<16640xf32, #tpu.memory_space<vmem>>, vector<16xf32>,
      tpu.vector_store %arg8[%swap3A_31], %broadcast_in_dim3A_9 {strides = array<i32>} : memref<16640xf32, #tpu.memory_space<vmem>>, vector<16xf32>,
      %swap3A_33 = arith.constant 16592 : index
      %swap3A_34 = tpu.vector_load %arg8[%swap3A_33] {strides = array<i32>} : memref<16640xf32, #tpu.memory_space<vmem>>, vector<16xf32>,
      tpu.vector_store %arg8[%swap3A_33], %broadcast_in_dim3A_9 {strides = array<i32>} : memref<16640xf32, #tpu.memory_space<vmem>>, vector<16xf32>,
      %swap3A_35 = arith.constant 96 : index
      %swap3A_36 = tpu.vector_load %arg8[%swap3A_35] {strides = array<i32>} : memref<16640xf32, #tpu.memory_space<vmem>>, vector<16xf32>,
      tpu.vector_store %arg8[%swap3A_35], %broadcast_in_dim3A_9 {strides = array<i32>} : memref<16640xf32, #tpu.memory_space<vmem>>, vector<16xf32>,
      %swap3A_37 = arith.constant 16608 : index
      %swap3A_38 = tpu.vector_load %arg8[%swap3A_37] {strides = array<i32>} : memref<16640xf32, #tpu.memory_space<vmem>>, vector<16xf32>,
      tpu.vector_store %arg8[%swap3A_37], %broadcast_in_dim3A_9 {strides = array<i32>} : memref<16640xf32, #tpu.memory_space<vmem>>, vector<16xf32>,
      %swap3A_39 = arith.constant 112 : index
      %swap3A_40 = tpu.vector_load %arg8[%swap3A_39] {strides = array<i32>} : memref<16640xf32, #tpu.memory_space<vmem>>, vector<16xf32>,
      tpu.vector_store %arg8[%swap3A_39], %broadcast_in_dim3A_9 {strides = array<i32>} : memref<16640xf32, #tpu.memory_space<vmem>>, vector<16xf32>,
      %swap3A_41 = arith.constant 16624 : index
      %swap3A_42 = tpu.vector_load %arg8[%swap3A_41] {strides = array<i32>} : memref<16640xf32, #tpu.memory_space<vmem>>, vector<16xf32>,
      tpu.vector_store %arg8[%swap3A_41], %broadcast_in_dim3A_9 {strides = array<i32>} : memref<16640xf32, #tpu.memory_space<vmem>>, vector<16xf32>,
      %swap3A_43 = arith.constant 0 : index
      %swap3A_44 = tpu.vector_load %arg11[%swap3A_43] {strides = array<i32>} : memref<1760xi32, #tpu.memory_space<vmem>>, vector<16xi32>,
      tpu.vector_store %arg11[%swap3A_43], %broadcast_in_dim3A_3 {strides = array<i32>} : memref<1760xi32, #tpu.memory_space<vmem>>, vector<16xi32>,
      %swap3A_45 = arith.constant 16 : index
      %swap3A_46 = tpu.vector_load %arg11[%swap3A_45] {strides = array<i32>} : memref<1760xi32, #tpu.memory_space<vmem>>, vector<16xi32>,
      tpu.vector_store %arg11[%swap3A_45], %broadcast_in_dim3A_3 {strides = array<i32>} : memref<1760xi32, #tpu.memory_space<vmem>>, vector<16xi32>,
      %swap3A_47 = arith.constant 32 : index
      %swap3A_48 = tpu.vector_load %arg11[%swap3A_47] {strides = array<i32>} : memref<1760xi32, #tpu.memory_space<vmem>>, vector<16xi32>,
      tpu.vector_store %arg11[%swap3A_47], %broadcast_in_dim3A_3 {strides = array<i32>} : memref<1760xi32, #tpu.memory_space<vmem>>, vector<16xi32>,
      %swap3A_49 = arith.constant 48 : index
      %swap3A_50 = tpu.vector_load %arg11[%swap3A_49] {strides = array<i32>} : memref<1760xi32, #tpu.memory_space<vmem>>, vector<16xi32>,
      tpu.vector_store %arg11[%swap3A_49], %broadcast_in_dim3A_3 {strides = array<i32>} : memref<1760xi32, #tpu.memory_space<vmem>>, vector<16xi32>,
      %swap3A_51 = arith.constant 64 : index
      %swap3A_52 = tpu.vector_load %arg11[%swap3A_51] {strides = array<i32>} : memref<1760xi32, #tpu.memory_space<vmem>>, vector<16xi32>,
      tpu.vector_store %arg11[%swap3A_51], %broadcast_in_dim3A_3 {strides = array<i32>} : memref<1760xi32, #tpu.memory_space<vmem>>, vector<16xi32>,
      %swap3A_53 = arith.constant 80 : index
      %swap3A_54 = tpu.vector_load %arg11[%swap3A_53] {strides = array<i32>} : memref<1760xi32, #tpu.memory_space<vmem>>, vector<16xi32>,
      tpu.vector_store %arg11[%swap3A_53], %broadcast_in_dim3A_3 {strides = array<i32>} : memref<1760xi32, #tpu.memory_space<vmem>>, vector<16xi32>,
      %swap3A_55 = arith.constant 96 : index
      %swap3A_56 = tpu.vector_load %arg11[%swap3A_55] {strides = array<i32>} : memref<1760xi32, #tpu.memory_space<vmem>>, vector<16xi32>,
      tpu.vector_store %arg11[%swap3A_55], %broadcast_in_dim3A_3 {strides = array<i32>} : memref<1760xi32, #tpu.memory_space<vmem>>, vector<16xi32>,
      %swap3A_57 = arith.constant 112 : index
      %swap3A_58 = tpu.vector_load %arg11[%swap3A_57] {strides = array<i32>} : memref<1760xi32, #tpu.memory_space<vmem>>, vector<16xi32>,
      tpu.vector_store %arg11[%swap3A_57], %broadcast_in_dim3A_3 {strides = array<i32>} : memref<1760xi32, #tpu.memory_space<vmem>>, vector<16xi32>,
      %swap3A_59 = arith.constant 128 : index
      %swap3A_60 = tpu.vector_load %arg11[%swap3A_59] {strides = array<i32>} : memref<1760xi32, #tpu.memory_space<vmem>>, vector<16xi32>,
      tpu.vector_store %arg11[%swap3A_59], %broadcast_in_dim3A_3 {strides = array<i32>} : memref<1760xi32, #tpu.memory_space<vmem>>, vector<16xi32>,
      %swap3A_61 = arith.constant 144 : index
      %swap3A_62 = tpu.vector_load %arg11[%swap3A_61] {strides = array<i32>} : memref<1760xi32, #tpu.memory_space<vmem>>, vector<16xi32>,
      tpu.vector_store %arg11[%swap3A_61], %broadcast_in_dim3A_3 {strides = array<i32>} : memref<1760xi32, #tpu.memory_space<vmem>>, vector<16xi32>,
      %swap3A_63 = arith.constant 160 : index
      %swap3A_64 = tpu.vector_load %arg11[%swap3A_63] {strides = array<i32>} : memref<1760xi32, #tpu.memory_space<vmem>>, vector<16xi32>,
      tpu.vector_store %arg11[%swap3A_63], %broadcast_in_dim3A_3 {strides = array<i32>} : memref<1760xi32, #tpu.memory_space<vmem>>, vector<16xi32>,
      %swap3A_65 = arith.constant 176 : index
      %swap3A_66 = tpu.vector_load %arg11[%swap3A_65] {strides = array<i32>} : memref<1760xi32, #tpu.memory_space<vmem>>, vector<16xi32>,
      tpu.vector_store %arg11[%swap3A_65], %broadcast_in_dim3A_3 {strides = array<i32>} : memref<1760xi32, #tpu.memory_space<vmem>>, vector<16xi32>,
      %swap3A_67 = arith.constant 192 : index
      %swap3A_68 = tpu.vector_load %arg11[%swap3A_67] {strides = array<i32>} : memref<1760xi32, #tpu.memory_space<vmem>>, vector<16xi32>,
      tpu.vector_store %arg11[%swap3A_67], %broadcast_in_dim3A_3 {strides = array<i32>} : memref<1760xi32, #tpu.memory_space<vmem>>, vector<16xi32>,
      %swap3A_69 = arith.constant 208 : index
      %swap3A_70 = tpu.vector_load %arg11[%swap3A_69] {strides = array<i32>} : memref<1760xi32, #tpu.memory_space<vmem>>, vector<16xi32>,
      tpu.vector_store %arg11[%swap3A_69], %broadcast_in_dim3A_3 {strides = array<i32>} : memref<1760xi32, #tpu.memory_space<vmem>>, vector<16xi32>,
      %swap3A_71 = arith.constant 224 : index
      %swap3A_72 = tpu.vector_load %arg11[%swap3A_71] {strides = array<i32>} : memref<1760xi32, #tpu.memory_space<vmem>>, vector<16xi32>,
      tpu.vector_store %arg11[%swap3A_71], %broadcast_in_dim3A_3 {strides = array<i32>} : memref<1760xi32, #tpu.memory_space<vmem>>, vector<16xi32>,
      %swap3A_73 = arith.constant 240 : index
      %swap3A_74 = tpu.vector_load %arg11[%swap3A_73] {strides = array<i32>} : memref<1760xi32, #tpu.memory_space<vmem>>, vector<16xi32>,
      tpu.vector_store %arg11[%swap3A_73], %broadcast_in_dim3A_3 {strides = array<i32>} : memref<1760xi32, #tpu.memory_space<vmem>>, vector<16xi32>,
      %swap3A_75 = arith.constant 256 : index
      %swap3A_76 = tpu.vector_load %arg11[%swap3A_75] {strides = array<i32>} : memref<1760xi32, #tpu.memory_space<vmem>>, vector<16xi32>,
      tpu.vector_store %arg11[%swap3A_75], %broadcast_in_dim3A_3 {strides = array<i32>} : memref<1760xi32, #tpu.memory_space<vmem>>, vector<16xi32>,
      %swap3A_77 = arith.constant 272 : index
      %swap3A_78 = tpu.vector_load %arg11[%swap3A_77] {strides = array<i32>} : memref<1760xi32, #tpu.memory_space<vmem>>, vector<16xi32>,
      tpu.vector_store %arg11[%swap3A_77], %broadcast_in_dim3A_3 {strides = array<i32>} : memref<1760xi32, #tpu.memory_space<vmem>>, vector<16xi32>,
      %swap3A_79 = arith.constant 288 : index
      %swap3A_80 = tpu.vector_load %arg11[%swap3A_79] {strides = array<i32>} : memref<1760xi32, #tpu.memory_space<vmem>>, vector<16xi32>,
      tpu.vector_store %arg11[%swap3A_79], %broadcast_in_dim3A_3 {strides = array<i32>} : memref<1760xi32, #tpu.memory_space<vmem>>, vector<16xi32>,
      %swap3A_81 = arith.constant 304 : index
      %swap3A_82 = tpu.vector_load %arg11[%swap3A_81] {strides = array<i32>} : memref<1760xi32, #tpu.memory_space<vmem>>, vector<16xi32>,
      tpu.vector_store %arg11[%swap3A_81], %broadcast_in_dim3A_3 {strides = array<i32>} : memref<1760xi32, #tpu.memory_space<vmem>>, vector<16xi32>,
      %swap3A_83 = arith.constant 320 : index
      %swap3A_84 = tpu.vector_load %arg11[%swap3A_83] {strides = array<i32>} : memref<1760xi32, #tpu.memory_space<vmem>>, vector<16xi32>,
      tpu.vector_store %arg11[%swap3A_83], %broadcast_in_dim3A_3 {strides = array<i32>} : memref<1760xi32, #tpu.memory_space<vmem>>, vector<16xi32>,
      %swap3A_85 = arith.constant 336 : index
      %swap3A_86 = tpu.vector_load %arg11[%swap3A_85] {strides = array<i32>} : memref<1760xi32, #tpu.memory_space<vmem>>, vector<16xi32>,
      tpu.vector_store %arg11[%swap3A_85], %broadcast_in_dim3A_3 {strides = array<i32>} : memref<1760xi32, #tpu.memory_space<vmem>>, vector<16xi32>,
      %swap3A_87 = arith.constant 352 : index
      %swap3A_88 = tpu.vector_load %arg11[%swap3A_87] {strides = array<i32>} : memref<1760xi32, #tpu.memory_space<vmem>>, vector<16xi32>,
      tpu.vector_store %arg11[%swap3A_87], %broadcast_in_dim3A_3 {strides = array<i32>} : memref<1760xi32, #tpu.memory_space<vmem>>, vector<16xi32>,
      %swap3A_89 = arith.constant 368 : index
      %swap3A_90 = tpu.vector_load %arg11[%swap3A_89] {strides = array<i32>} : memref<1760xi32, #tpu.memory_space<vmem>>, vector<16xi32>,
      tpu.vector_store %arg11[%swap3A_89], %broadcast_in_dim3A_3 {strides = array<i32>} : memref<1760xi32, #tpu.memory_space<vmem>>, vector<16xi32>,
      %swap3A_91 = arith.constant 384 : index
      %swap3A_92 = tpu.vector_load %arg11[%swap3A_91] {strides = array<i32>} : memref<1760xi32, #tpu.memory_space<vmem>>, vector<16xi32>,
      tpu.vector_store %arg11[%swap3A_91], %broadcast_in_dim3A_3 {strides = array<i32>} : memref<1760xi32, #tpu.memory_space<vmem>>, vector<16xi32>,
      %swap3A_93 = arith.constant 400 : index
      %swap3A_94 = tpu.vector_load %arg11[%swap3A_93] {strides = array<i32>} : memref<1760xi32, #tpu.memory_space<vmem>>, vector<16xi32>,
      tpu.vector_store %arg11[%swap3A_93], %broadcast_in_dim3A_3 {strides = array<i32>} : memref<1760xi32, #tpu.memory_space<vmem>>, vector<16xi32>,
      %swap3A_95 = arith.constant 416 : index
      %swap3A_96 = tpu.vector_load %arg11[%swap3A_95] {strides = array<i32>} : memref<1760xi32, #tpu.memory_space<vmem>>, vector<16xi32>,
      tpu.vector_store %arg11[%swap3A_95], %broadcast_in_dim3A_3 {strides = array<i32>} : memref<1760xi32, #tpu.memory_space<vmem>>, vector<16xi32>,
      %swap3A_97 = arith.constant 432 : index
      %swap3A_98 = tpu.vector_load %arg11[%swap3A_97] {strides = array<i32>} : memref<1760xi32, #tpu.memory_space<vmem>>, vector<16xi32>,
      tpu.vector_store %arg11[%swap3A_97], %broadcast_in_dim3A_3 {strides = array<i32>} : memref<1760xi32, #tpu.memory_space<vmem>>, vector<16xi32>,
      %swap3A_99 = arith.constant 448 : index
      %swap3A_100 = tpu.vector_load %arg11[%swap3A_99] {strides = array<i32>} : memref<1760xi32, #tpu.memory_space<vmem>>, vector<16xi32>,
      tpu.vector_store %arg11[%swap3A_99], %broadcast_in_dim3A_3 {strides = array<i32>} : memref<1760xi32, #tpu.memory_space<vmem>>, vector<16xi32>,
      %swap3A_101 = arith.constant 464 : index
      %swap3A_102 = tpu.vector_load %arg11[%swap3A_101] {strides = array<i32>} : memref<1760xi32, #tpu.memory_space<vmem>>, vector<16xi32>,
      tpu.vector_store %arg11[%swap3A_101], %broadcast_in_dim3A_3 {strides = array<i32>} : memref<1760xi32, #tpu.memory_space<vmem>>, vector<16xi32>,
      %swap3A_103 = arith.constant 480 : index
      %swap3A_104 = tpu.vector_load %arg11[%swap3A_103] {strides = array<i32>} : memref<1760xi32, #tpu.memory_space<vmem>>, vector<16xi32>,
      tpu.vector_store %arg11[%swap3A_103], %broadcast_in_dim3A_3 {strides = array<i32>} : memref<1760xi32, #tpu.memory_space<vmem>>, vector<16xi32>,
      %swap3A_105 = arith.constant 496 : index
      %swap3A_106 = tpu.vector_load %arg11[%swap3A_105] {strides = array<i32>} : memref<1760xi32, #tpu.memory_space<vmem>>, vector<16xi32>,
      tpu.vector_store %arg11[%swap3A_105], %broadcast_in_dim3A_3 {strides = array<i32>} : memref<1760xi32, #tpu.memory_space<vmem>>, vector<16xi32>,
      %swap3A_107 = arith.constant 512 : index
      %swap3A_108 = tpu.vector_load %arg11[%swap3A_107] {strides = array<i32>} : memref<1760xi32, #tpu.memory_space<vmem>>, vector<16xi32>,
      tpu.vector_store %arg11[%swap3A_107], %broadcast_in_dim3A_3 {strides = array<i32>} : memref<1760xi32, #tpu.memory_space<vmem>>, vector<16xi32>,
      %swap3A_109 = arith.constant 528 : index
      %swap3A_110 = tpu.vector_load %arg11[%swap3A_109] {strides = array<i32>} : memref<1760xi32, #tpu.memory_space<vmem>>, vector<16xi32>,
      tpu.vector_store %arg11[%swap3A_109], %broadcast_in_dim3A_3 {strides = array<i32>} : memref<1760xi32, #tpu.memory_space<vmem>>, vector<16xi32>,
      %swap3A_111 = arith.constant 544 : index
      %swap3A_112 = tpu.vector_load %arg11[%swap3A_111] {strides = array<i32>} : memref<1760xi32, #tpu.memory_space<vmem>>, vector<16xi32>,
      tpu.vector_store %arg11[%swap3A_111], %broadcast_in_dim3A_3 {strides = array<i32>} : memref<1760xi32, #tpu.memory_space<vmem>>, vector<16xi32>,
      %swap3A_113 = arith.constant 560 : index
      %swap3A_114 = tpu.vector_load %arg11[%swap3A_113] {strides = array<i32>} : memref<1760xi32, #tpu.memory_space<vmem>>, vector<16xi32>,
      tpu.vector_store %arg11[%swap3A_113], %broadcast_in_dim3A_3 {strides = array<i32>} : memref<1760xi32, #tpu.memory_space<vmem>>, vector<16xi32>,
      %swap3A_115 = arith.constant 576 : index
      %swap3A_116 = tpu.vector_load %arg11[%swap3A_115] {strides = array<i32>} : memref<1760xi32, #tpu.memory_space<vmem>>, vector<16xi32>,
      tpu.vector_store %arg11[%swap3A_115], %broadcast_in_dim3A_3 {strides = array<i32>} : memref<1760xi32, #tpu.memory_space<vmem>>, vector<16xi32>,
      %swap3A_117 = arith.constant 592 : index
      %swap3A_118 = tpu.vector_load %arg11[%swap3A_117] {strides = array<i32>} : memref<1760xi32, #tpu.memory_space<vmem>>, vector<16xi32>,
      tpu.vector_store %arg11[%swap3A_117], %broadcast_in_dim3A_3 {strides = array<i32>} : memref<1760xi32, #tpu.memory_space<vmem>>, vector<16xi32>,
      %swap3A_119 = arith.constant 608 : index
      %swap3A_120 = tpu.vector_load %arg11[%swap3A_119] {strides = array<i32>} : memref<1760xi32, #tpu.memory_space<vmem>>, vector<16xi32>,
      tpu.vector_store %arg11[%swap3A_119], %broadcast_in_dim3A_3 {strides = array<i32>} : memref<1760xi32, #tpu.memory_space<vmem>>, vector<16xi32>,
      %swap3A_121 = arith.constant 624 : index
      %swap3A_122 = tpu.vector_load %arg11[%swap3A_121] {strides = array<i32>} : memref<1760xi32, #tpu.memory_space<vmem>>, vector<16xi32>,
      tpu.vector_store %arg11[%swap3A_121], %broadcast_in_dim3A_3 {strides = array<i32>} : memref<1760xi32, #tpu.memory_space<vmem>>, vector<16xi32>,
      %swap3A_123 = arith.constant 640 : index
      %swap3A_124 = tpu.vector_load %arg11[%swap3A_123] {strides = array<i32>} : memref<1760xi32, #tpu.memory_space<vmem>>, vector<16xi32>,
      tpu.vector_store %arg11[%swap3A_123], %broadcast_in_dim3A_3 {strides = array<i32>} : memref<1760xi32, #tpu.memory_space<vmem>>, vector<16xi32>,
      %swap3A_125 = arith.constant 656 : index
      %swap3A_126 = tpu.vector_load %arg11[%swap3A_125] {strides = array<i32>} : memref<1760xi32, #tpu.memory_space<vmem>>, vector<16xi32>,
      tpu.vector_store %arg11[%swap3A_125], %broadcast_in_dim3A_3 {strides = array<i32>} : memref<1760xi32, #tpu.memory_space<vmem>>, vector<16xi32>,
      %swap3A_127 = arith.constant 672 : index
      %swap3A_128 = tpu.vector_load %arg11[%swap3A_127] {strides = array<i32>} : memref<1760xi32, #tpu.memory_space<vmem>>, vector<16xi32>,
      tpu.vector_store %arg11[%swap3A_127], %broadcast_in_dim3A_3 {strides = array<i32>} : memref<1760xi32, #tpu.memory_space<vmem>>, vector<16xi32>,
      %swap3A_129 = arith.constant 688 : index
      %swap3A_130 = tpu.vector_load %arg11[%swap3A_129] {strides = array<i32>} : memref<1760xi32, #tpu.memory_space<vmem>>, vector<16xi32>,
      tpu.vector_store %arg11[%swap3A_129], %broadcast_in_dim3A_3 {strides = array<i32>} : memref<1760xi32, #tpu.memory_space<vmem>>, vector<16xi32>,
      %swap3A_131 = arith.constant 704 : index
      %swap3A_132 = tpu.vector_load %arg11[%swap3A_131] {strides = array<i32>} : memref<1760xi32, #tpu.memory_space<vmem>>, vector<16xi32>,
      tpu.vector_store %arg11[%swap3A_131], %broadcast_in_dim3A_3 {strides = array<i32>} : memref<1760xi32, #tpu.memory_space<vmem>>, vector<16xi32>,
      %swap3A_133 = arith.constant 720 : index
      %swap3A_134 = tpu.vector_load %arg11[%swap3A_133] {strides = array<i32>} : memref<1760xi32, #tpu.memory_space<vmem>>, vector<16xi32>,
      tpu.vector_store %arg11[%swap3A_133], %broadcast_in_dim3A_3 {strides = array<i32>} : memref<1760xi32, #tpu.memory_space<vmem>>, vector<16xi32>,
      %swap3A_135 = arith.constant 736 : index
      %swap3A_136 = tpu.vector_load %arg11[%swap3A_135] {strides = array<i32>} : memref<1760xi32, #tpu.memory_space<vmem>>, vector<16xi32>,
      tpu.vector_store %arg11[%swap3A_135], %broadcast_in_dim3A_3 {strides = array<i32>} : memref<1760xi32, #tpu.memory_space<vmem>>, vector<16xi32>,
      %swap3A_137 = arith.constant 752 : index
      %swap3A_138 = tpu.vector_load %arg11[%swap3A_137] {strides = array<i32>} : memref<1760xi32, #tpu.memory_space<vmem>>, vector<16xi32>,
      tpu.vector_store %arg11[%swap3A_137], %broadcast_in_dim3A_3 {strides = array<i32>} : memref<1760xi32, #tpu.memory_space<vmem>>, vector<16xi32>,
      %swap3A_139 = arith.constant 768 : index
      %swap3A_140 = tpu.vector_load %arg11[%swap3A_139] {strides = array<i32>} : memref<1760xi32, #tpu.memory_space<vmem>>, vector<16xi32>,
      tpu.vector_store %arg11[%swap3A_139], %broadcast_in_dim3A_3 {strides = array<i32>} : memref<1760xi32, #tpu.memory_space<vmem>>, vector<16xi32>,
      %swap3A_141 = arith.constant 784 : index
      %swap3A_142 = tpu.vector_load %arg11[%swap3A_141] {strides = array<i32>} : memref<1760xi32, #tpu.memory_space<vmem>>, vector<16xi32>,
      tpu.vector_store %arg11[%swap3A_141], %broadcast_in_dim3A_3 {strides = array<i32>} : memref<1760xi32, #tpu.memory_space<vmem>>, vector<16xi32>,
      %swap3A_143 = arith.constant 800 : index
      %swap3A_144 = tpu.vector_load %arg11[%swap3A_143] {strides = array<i32>} : memref<1760xi32, #tpu.memory_space<vmem>>, vector<16xi32>,
      tpu.vector_store %arg11[%swap3A_143], %broadcast_in_dim3A_3 {strides = array<i32>} : memref<1760xi32, #tpu.memory_space<vmem>>, vector<16xi32>,
      %swap3A_145 = arith.constant 816 : index
      %swap3A_146 = tpu.vector_load %arg11[%swap3A_145] {strides = array<i32>} : memref<1760xi32, #tpu.memory_space<vmem>>, vector<16xi32>,
      tpu.vector_store %arg11[%swap3A_145], %broadcast_in_dim3A_3 {strides = array<i32>} : memref<1760xi32, #tpu.memory_space<vmem>>, vector<16xi32>,
      %swap3A_147 = arith.constant 832 : index
      %swap3A_148 = tpu.vector_load %arg11[%swap3A_147] {strides = array<i32>} : memref<1760xi32, #tpu.memory_space<vmem>>, vector<16xi32>,
      tpu.vector_store %arg11[%swap3A_147], %broadcast_in_dim3A_3 {strides = array<i32>} : memref<1760xi32, #tpu.memory_space<vmem>>, vector<16xi32>,
      %swap3A_149 = arith.constant 848 : index
      %swap3A_150 = tpu.vector_load %arg11[%swap3A_149] {strides = array<i32>} : memref<1760xi32, #tpu.memory_space<vmem>>, vector<16xi32>,
      tpu.vector_store %arg11[%swap3A_149], %broadcast_in_dim3A_3 {strides = array<i32>} : memref<1760xi32, #tpu.memory_space<vmem>>, vector<16xi32>,
      %swap3A_151 = arith.constant 864 : index
      %swap3A_152 = tpu.vector_load %arg11[%swap3A_151] {strides = array<i32>} : memref<1760xi32, #tpu.memory_space<vmem>>, vector<16xi32>,
      tpu.vector_store %arg11[%swap3A_151], %broadcast_in_dim3A_3 {strides = array<i32>} : memref<1760xi32, #tpu.memory_space<vmem>>, vector<16xi32>,
      %swap3A_153 = arith.constant 880 : index
      %swap3A_154 = tpu.vector_load %arg11[%swap3A_153] {strides = array<i32>} : memref<1760xi32, #tpu.memory_space<vmem>>, vector<16xi32>,
      tpu.vector_store %arg11[%swap3A_153], %broadcast_in_dim3A_3 {strides = array<i32>} : memref<1760xi32, #tpu.memory_space<vmem>>, vector<16xi32>,
      %swap3A_155 = arith.constant 896 : index
      %swap3A_156 = tpu.vector_load %arg11[%swap3A_155] {strides = array<i32>} : memref<1760xi32, #tpu.memory_space<vmem>>, vector<16xi32>,
      tpu.vector_store %arg11[%swap3A_155], %broadcast_in_dim3A_3 {strides = array<i32>} : memref<1760xi32, #tpu.memory_space<vmem>>, vector<16xi32>,
      %swap3A_157 = arith.constant 912 : index
      %swap3A_158 = tpu.vector_load %arg11[%swap3A_157] {strides = array<i32>} : memref<1760xi32, #tpu.memory_space<vmem>>, vector<16xi32>,
      tpu.vector_store %arg11[%swap3A_157], %broadcast_in_dim3A_3 {strides = array<i32>} : memref<1760xi32, #tpu.memory_space<vmem>>, vector<16xi32>,
      %swap3A_159 = arith.constant 928 : index
      %swap3A_160 = tpu.vector_load %arg11[%swap3A_159] {strides = array<i32>} : memref<1760xi32, #tpu.memory_space<vmem>>, vector<16xi32>,
      tpu.vector_store %arg11[%swap3A_159], %broadcast_in_dim3A_3 {strides = array<i32>} : memref<1760xi32, #tpu.memory_space<vmem>>, vector<16xi32>,
      %swap3A_161 = arith.constant 944 : index
      %swap3A_162 = tpu.vector_load %arg11[%swap3A_161] {strides = array<i32>} : memref<1760xi32, #tpu.memory_space<vmem>>, vector<16xi32>,
      tpu.vector_store %arg11[%swap3A_161], %broadcast_in_dim3A_3 {strides = array<i32>} : memref<1760xi32, #tpu.memory_space<vmem>>, vector<16xi32>,
      %swap3A_163 = arith.constant 960 : index
      %swap3A_164 = tpu.vector_load %arg11[%swap3A_163] {strides = array<i32>} : memref<1760xi32, #tpu.memory_space<vmem>>, vector<16xi32>,
      tpu.vector_store %arg11[%swap3A_163], %broadcast_in_dim3A_3 {strides = array<i32>} : memref<1760xi32, #tpu.memory_space<vmem>>, vector<16xi32>,
      %swap3A_165 = arith.constant 976 : index
      %swap3A_166 = tpu.vector_load %arg11[%swap3A_165] {strides = array<i32>} : memref<1760xi32, #tpu.memory_space<vmem>>, vector<16xi32>,
      tpu.vector_store %arg11[%swap3A_165], %broadcast_in_dim3A_3 {strides = array<i32>} : memref<1760xi32, #tpu.memory_space<vmem>>, vector<16xi32>,
      %swap3A_167 = arith.constant 992 : index
      %swap3A_168 = tpu.vector_load %arg11[%swap3A_167] {strides = array<i32>} : memref<1760xi32, #tpu.memory_space<vmem>>, vector<16xi32>,
      tpu.vector_store %arg11[%swap3A_167], %broadcast_in_dim3A_3 {strides = array<i32>} : memref<1760xi32, #tpu.memory_space<vmem>>, vector<16xi32>,
      %swap3A_169 = arith.constant 1008 : index
      %swap3A_170 = tpu.vector_load %arg11[%swap3A_169] {strides = array<i32>} : memref<1760xi32, #tpu.memory_space<vmem>>, vector<16xi32>,
      tpu.vector_store %arg11[%swap3A_169], %broadcast_in_dim3A_3 {strides = array<i32>} : memref<1760xi32, #tpu.memory_space<vmem>>, vector<16xi32>,
      %swap3A_171 = arith.constant 1024 : index
      %swap3A_172 = tpu.vector_load %arg11[%swap3A_171] {strides = array<i32>} : memref<1760xi32, #tpu.memory_space<vmem>>, vector<16xi32>,
      tpu.vector_store %arg11[%swap3A_171], %broadcast_in_dim3A_3 {strides = array<i32>} : memref<1760xi32, #tpu.memory_space<vmem>>, vector<16xi32>,
      %swap3A_173 = arith.constant 1040 : index
      %swap3A_174 = tpu.vector_load %arg11[%swap3A_173] {strides = array<i32>} : memref<1760xi32, #tpu.memory_space<vmem>>, vector<16xi32>,
      tpu.vector_store %arg11[%swap3A_173], %broadcast_in_dim3A_3 {strides = array<i32>} : memref<1760xi32, #tpu.memory_space<vmem>>, vector<16xi32>,
      %swap3A_175 = arith.constant 1056 : index
      %swap3A_176 = tpu.vector_load %arg11[%swap3A_175] {strides = array<i32>} : memref<1760xi32, #tpu.memory_space<vmem>>, vector<16xi32>,
      tpu.vector_store %arg11[%swap3A_175], %broadcast_in_dim3A_3 {strides = array<i32>} : memref<1760xi32, #tpu.memory_space<vmem>>, vector<16xi32>,
      %swap3A_177 = arith.constant 1072 : index
      %swap3A_178 = tpu.vector_load %arg11[%swap3A_177] {strides = array<i32>} : memref<1760xi32, #tpu.memory_space<vmem>>, vector<16xi32>,
      tpu.vector_store %arg11[%swap3A_177], %broadcast_in_dim3A_3 {strides = array<i32>} : memref<1760xi32, #tpu.memory_space<vmem>>, vector<16xi32>,
      %swap3A_179 = arith.constant 1088 : index
      %swap3A_180 = tpu.vector_load %arg11[%swap3A_179] {strides = array<i32>} : memref<1760xi32, #tpu.memory_space<vmem>>, vector<16xi32>,
      tpu.vector_store %arg11[%swap3A_179], %broadcast_in_dim3A_3 {strides = array<i32>} : memref<1760xi32, #tpu.memory_space<vmem>>, vector<16xi32>,
      %swap3A_181 = arith.constant 1104 : index
      %swap3A_182 = tpu.vector_load %arg11[%swap3A_181] {strides = array<i32>} : memref<1760xi32, #tpu.memory_space<vmem>>, vector<16xi32>,
      tpu.vector_store %arg11[%swap3A_181], %broadcast_in_dim3A_3 {strides = array<i32>} : memref<1760xi32, #tpu.memory_space<vmem>>, vector<16xi32>,
      %swap3A_183 = arith.constant 1120 : index
      %swap3A_184 = tpu.vector_load %arg11[%swap3A_183] {strides = array<i32>} : memref<1760xi32, #tpu.memory_space<vmem>>, vector<16xi32>,
      tpu.vector_store %arg11[%swap3A_183], %broadcast_in_dim3A_3 {strides = array<i32>} : memref<1760xi32, #tpu.memory_space<vmem>>, vector<16xi32>,
      %swap3A_185 = arith.constant 1136 : index
      %swap3A_186 = tpu.vector_load %arg11[%swap3A_185] {strides = array<i32>} : memref<1760xi32, #tpu.memory_space<vmem>>, vector<16xi32>,
      tpu.vector_store %arg11[%swap3A_185], %broadcast_in_dim3A_3 {strides = array<i32>} : memref<1760xi32, #tpu.memory_space<vmem>>, vector<16xi32>,
      %swap3A_187 = arith.constant 1152 : index
      %swap3A_188 = tpu.vector_load %arg11[%swap3A_187] {strides = array<i32>} : memref<1760xi32, #tpu.memory_space<vmem>>, vector<16xi32>,
      tpu.vector_store %arg11[%swap3A_187], %broadcast_in_dim3A_3 {strides = array<i32>} : memref<1760xi32, #tpu.memory_space<vmem>>, vector<16xi32>,
      %swap3A_189 = arith.constant 1168 : index
      %swap3A_190 = tpu.vector_load %arg11[%swap3A_189] {strides = array<i32>} : memref<1760xi32, #tpu.memory_space<vmem>>, vector<16xi32>,
      tpu.vector_store %arg11[%swap3A_189], %broadcast_in_dim3A_3 {strides = array<i32>} : memref<1760xi32, #tpu.memory_space<vmem>>, vector<16xi32>,
      %swap3A_191 = arith.constant 1184 : index
      %swap3A_192 = tpu.vector_load %arg11[%swap3A_191] {strides = array<i32>} : memref<1760xi32, #tpu.memory_space<vmem>>, vector<16xi32>,
      tpu.vector_store %arg11[%swap3A_191], %broadcast_in_dim3A_3 {strides = array<i32>} : memref<1760xi32, #tpu.memory_space<vmem>>, vector<16xi32>,
      %swap3A_193 = arith.constant 1200 : index
      %swap3A_194 = tpu.vector_load %arg11[%swap3A_193] {strides = array<i32>} : memref<1760xi32, #tpu.memory_space<vmem>>, vector<16xi32>,
      tpu.vector_store %arg11[%swap3A_193], %broadcast_in_dim3A_3 {strides = array<i32>} : memref<1760xi32, #tpu.memory_space<vmem>>, vector<16xi32>,
      %swap3A_195 = arith.constant 1216 : index
      %swap3A_196 = tpu.vector_load %arg11[%swap3A_195] {strides = array<i32>} : memref<1760xi32, #tpu.memory_space<vmem>>, vector<16xi32>,
      tpu.vector_store %arg11[%swap3A_195], %broadcast_in_dim3A_3 {strides = array<i32>} : memref<1760xi32, #tpu.memory_space<vmem>>, vector<16xi32>,
      %swap3A_197 = arith.constant 1232 : index
      %swap3A_198 = tpu.vector_load %arg11[%swap3A_197] {strides = array<i32>} : memref<1760xi32, #tpu.memory_space<vmem>>, vector<16xi32>,
      tpu.vector_store %arg11[%swap3A_197], %broadcast_in_dim3A_3 {strides = array<i32>} : memref<1760xi32, #tpu.memory_space<vmem>>, vector<16xi32>,
      %swap3A_199 = arith.constant 1248 : index
      %swap3A_200 = tpu.vector_load %arg11[%swap3A_199] {strides = array<i32>} : memref<1760xi32, #tpu.memory_space<vmem>>, vector<16xi32>,
      tpu.vector_store %arg11[%swap3A_199], %broadcast_in_dim3A_3 {strides = array<i32>} : memref<1760xi32, #tpu.memory_space<vmem>>, vector<16xi32>,
      %swap3A_201 = arith.constant 1264 : index
      %swap3A_202 = tpu.vector_load %arg11[%swap3A_201] {strides = array<i32>} : memref<1760xi32, #tpu.memory_space<vmem>>, vector<16xi32>,
      tpu.vector_store %arg11[%swap3A_201], %broadcast_in_dim3A_3 {strides = array<i32>} : memref<1760xi32, #tpu.memory_space<vmem>>, vector<16xi32>,
      %swap3A_203 = arith.constant 1280 : index
      %swap3A_204 = tpu.vector_load %arg11[%swap3A_203] {strides = array<i32>} : memref<1760xi32, #tpu.memory_space<vmem>>, vector<16xi32>,
      tpu.vector_store %arg11[%swap3A_203], %broadcast_in_dim3A_3 {strides = array<i32>} : memref<1760xi32, #tpu.memory_space<vmem>>, vector<16xi32>,
      %swap3A_205 = arith.constant 1296 : index
      %swap3A_206 = tpu.vector_load %arg11[%swap3A_205] {strides = array<i32>} : memref<1760xi32, #tpu.memory_space<vmem>>, vector<16xi32>,
      tpu.vector_store %arg11[%swap3A_205], %broadcast_in_dim3A_3 {strides = array<i32>} : memref<1760xi32, #tpu.memory_space<vmem>>, vector<16xi32>,
      %swap3A_207 = arith.constant 1312 : index
      %swap3A_208 = tpu.vector_load %arg11[%swap3A_207] {strides = array<i32>} : memref<1760xi32, #tpu.memory_space<vmem>>, vector<16xi32>,
      tpu.vector_store %arg11[%swap3A_207], %broadcast_in_dim3A_3 {strides = array<i32>} : memref<1760xi32, #tpu.memory_space<vmem>>, vector<16xi32>,
      %swap3A_209 = arith.constant 1328 : index
      %swap3A_210 = tpu.vector_load %arg11[%swap3A_209] {strides = array<i32>} : memref<1760xi32, #tpu.memory_space<vmem>>, vector<16xi32>,
      tpu.vector_store %arg11[%swap3A_209], %broadcast_in_dim3A_3 {strides = array<i32>} : memref<1760xi32, #tpu.memory_space<vmem>>, vector<16xi32>,
      %swap3A_211 = arith.constant 1344 : index
      %swap3A_212 = tpu.vector_load %arg11[%swap3A_211] {strides = array<i32>} : memref<1760xi32, #tpu.memory_space<vmem>>, vector<16xi32>,
      tpu.vector_store %arg11[%swap3A_211], %broadcast_in_dim3A_3 {strides = array<i32>} : memref<1760xi32, #tpu.memory_space<vmem>>, vector<16xi32>,
      %swap3A_213 = arith.constant 1360 : index
      %swap3A_214 = tpu.vector_load %arg11[%swap3A_213] {strides = array<i32>} : memref<1760xi32, #tpu.memory_space<vmem>>, vector<16xi32>,
      tpu.vector_store %arg11[%swap3A_213], %broadcast_in_dim3A_3 {strides = array<i32>} : memref<1760xi32, #tpu.memory_space<vmem>>, vector<16xi32>,
      %swap3A_215 = arith.constant 1376 : index
      %swap3A_216 = tpu.vector_load %arg11[%swap3A_215] {strides = array<i32>} : memref<1760xi32, #tpu.memory_space<vmem>>, vector<16xi32>,
      tpu.vector_store %arg11[%swap3A_215], %broadcast_in_dim3A_3 {strides = array<i32>} : memref<1760xi32, #tpu.memory_space<vmem>>, vector<16xi32>,
      %swap3A_217 = arith.constant 1392 : index
      %swap3A_218 = tpu.vector_load %arg11[%swap3A_217] {strides = array<i32>} : memref<1760xi32, #tpu.memory_space<vmem>>, vector<16xi32>,
      tpu.vector_store %arg11[%swap3A_217], %broadcast_in_dim3A_3 {strides = array<i32>} : memref<1760xi32, #tpu.memory_space<vmem>>, vector<16xi32>,
      %swap3A_219 = arith.constant 1408 : index
      %swap3A_220 = tpu.vector_load %arg11[%swap3A_219] {strides = array<i32>} : memref<1760xi32, #tpu.memory_space<vmem>>, vector<16xi32>,
      tpu.vector_store %arg11[%swap3A_219], %broadcast_in_dim3A_3 {strides = array<i32>} : memref<1760xi32, #tpu.memory_space<vmem>>, vector<16xi32>,
      %swap3A_221 = arith.constant 1424 : index
      %swap3A_222 = tpu.vector_load %arg11[%swap3A_221] {strides = array<i32>} : memref<1760xi32, #tpu.memory_space<vmem>>, vector<16xi32>,
      tpu.vector_store %arg11[%swap3A_221], %broadcast_in_dim3A_3 {strides = array<i32>} : memref<1760xi32, #tpu.memory_space<vmem>>, vector<16xi32>,
      %swap3A_223 = arith.constant 1440 : index
      %swap3A_224 = tpu.vector_load %arg11[%swap3A_223] {strides = array<i32>} : memref<1760xi32, #tpu.memory_space<vmem>>, vector<16xi32>,
      tpu.vector_store %arg11[%swap3A_223], %broadcast_in_dim3A_3 {strides = array<i32>} : memref<1760xi32, #tpu.memory_space<vmem>>, vector<16xi32>,
      %swap3A_225 = arith.constant 1456 : index
      %swap3A_226 = tpu.vector_load %arg11[%swap3A_225] {strides = array<i32>} : memref<1760xi32, #tpu.memory_space<vmem>>, vector<16xi32>,
      tpu.vector_store %arg11[%swap3A_225], %broadcast_in_dim3A_3 {strides = array<i32>} : memref<1760xi32, #tpu.memory_space<vmem>>, vector<16xi32>,
      %swap3A_227 = arith.constant 1472 : index
      %swap3A_228 = tpu.vector_load %arg11[%swap3A_227] {strides = array<i32>} : memref<1760xi32, #tpu.memory_space<vmem>>, vector<16xi32>,
      tpu.vector_store %arg11[%swap3A_227], %broadcast_in_dim3A_3 {strides = array<i32>} : memref<1760xi32, #tpu.memory_space<vmem>>, vector<16xi32>,
      %swap3A_229 = arith.constant 1488 : index
      %swap3A_230 = tpu.vector_load %arg11[%swap3A_229] {strides = array<i32>} : memref<1760xi32, #tpu.memory_space<vmem>>, vector<16xi32>,
      tpu.vector_store %arg11[%swap3A_229], %broadcast_in_dim3A_3 {strides = array<i32>} : memref<1760xi32, #tpu.memory_space<vmem>>, vector<16xi32>,
      %swap3A_231 = arith.constant 1504 : index
      %swap3A_232 = tpu.vector_load %arg11[%swap3A_231] {strides = array<i32>} : memref<1760xi32, #tpu.memory_space<vmem>>, vector<16xi32>,
      tpu.vector_store %arg11[%swap3A_231], %broadcast_in_dim3A_3 {strides = array<i32>} : memref<1760xi32, #tpu.memory_space<vmem>>, vector<16xi32>,
      %swap3A_233 = arith.constant 1520 : index
      %swap3A_234 = tpu.vector_load %arg11[%swap3A_233] {strides = array<i32>} : memref<1760xi32, #tpu.memory_space<vmem>>, vector<16xi32>,
      tpu.vector_store %arg11[%swap3A_233], %broadcast_in_dim3A_3 {strides = array<i32>} : memref<1760xi32, #tpu.memory_space<vmem>>, vector<16xi32>,
      %swap3A_235 = arith.constant 1536 : index
      %swap3A_236 = tpu.vector_load %arg11[%swap3A_235] {strides = array<i32>} : memref<1760xi32, #tpu.memory_space<vmem>>, vector<16xi32>,
      tpu.vector_store %arg11[%swap3A_235], %broadcast_in_dim3A_3 {strides = array<i32>} : memref<1760xi32, #tpu.memory_space<vmem>>, vector<16xi32>,
      %swap3A_237 = arith.constant 1552 : index
      %swap3A_238 = tpu.vector_load %arg11[%swap3A_237] {strides = array<i32>} : memref<1760xi32, #tpu.memory_space<vmem>>, vector<16xi32>,
      tpu.vector_store %arg11[%swap3A_237], %broadcast_in_dim3A_3 {strides = array<i32>} : memref<1760xi32, #tpu.memory_space<vmem>>, vector<16xi32>,
      %swap3A_239 = arith.constant 1568 : index
      %swap3A_240 = tpu.vector_load %arg11[%swap3A_239] {strides = array<i32>} : memref<1760xi32, #tpu.memory_space<vmem>>, vector<16xi32>,
      tpu.vector_store %arg11[%swap3A_239], %broadcast_in_dim3A_3 {strides = array<i32>} : memref<1760xi32, #tpu.memory_space<vmem>>, vector<16xi32>,
      %swap3A_241 = arith.constant 1584 : index
      %swap3A_242 = tpu.vector_load %arg11[%swap3A_241] {strides = array<i32>} : memref<1760xi32, #tpu.memory_space<vmem>>, vector<16xi32>,
      tpu.vector_store %arg11[%swap3A_241], %broadcast_in_dim3A_3 {strides = array<i32>} : memref<1760xi32, #tpu.memory_space<vmem>>, vector<16xi32>,
      %swap3A_243 = arith.constant 1600 : index
      %swap3A_244 = tpu.vector_load %arg11[%swap3A_243] {strides = array<i32>} : memref<1760xi32, #tpu.memory_space<vmem>>, vector<16xi32>,
      tpu.vector_store %arg11[%swap3A_243], %broadcast_in_dim3A_3 {strides = array<i32>} : memref<1760xi32, #tpu.memory_space<vmem>>, vector<16xi32>,
      %swap3A_245 = arith.constant 1616 : index
      %swap3A_246 = tpu.vector_load %arg11[%swap3A_245] {strides = array<i32>} : memref<1760xi32, #tpu.memory_space<vmem>>, vector<16xi32>,
      tpu.vector_store %arg11[%swap3A_245], %broadcast_in_dim3A_3 {strides = array<i32>} : memref<1760xi32, #tpu.memory_space<vmem>>, vector<16xi32>,
      %swap3A_247 = arith.constant 1632 : index
      %swap3A_248 = tpu.vector_load %arg11[%swap3A_247] {strides = array<i32>} : memref<1760xi32, #tpu.memory_space<vmem>>, vector<16xi32>,
      tpu.vector_store %arg11[%swap3A_247], %broadcast_in_dim3A_3 {strides = array<i32>} : memref<1760xi32, #tpu.memory_space<vmem>>, vector<16xi32>,
      %swap3A_249 = arith.constant 1648 : index
      %swap3A_250 = tpu.vector_load %arg11[%swap3A_249] {strides = array<i32>} : memref<1760xi32, #tpu.memory_space<vmem>>, vector<16xi32>,
      tpu.vector_store %arg11[%swap3A_249], %broadcast_in_dim3A_3 {strides = array<i32>} : memref<1760xi32, #tpu.memory_space<vmem>>, vector<16xi32>,
      %swap3A_251 = arith.constant 1664 : index
      %swap3A_252 = tpu.vector_load %arg11[%swap3A_251] {strides = array<i32>} : memref<1760xi32, #tpu.memory_space<vmem>>, vector<16xi32>,
      tpu.vector_store %arg11[%swap3A_251], %broadcast_in_dim3A_3 {strides = array<i32>} : memref<1760xi32, #tpu.memory_space<vmem>>, vector<16xi32>,
      %swap3A_253 = arith.constant 1680 : index
      %swap3A_254 = tpu.vector_load %arg11[%swap3A_253] {strides = array<i32>} : memref<1760xi32, #tpu.memory_space<vmem>>, vector<16xi32>,
      tpu.vector_store %arg11[%swap3A_253], %broadcast_in_dim3A_3 {strides = array<i32>} : memref<1760xi32, #tpu.memory_space<vmem>>, vector<16xi32>,
      %swap3A_255 = arith.constant 1696 : index
      %swap3A_256 = tpu.vector_load %arg11[%swap3A_255] {strides = array<i32>} : memref<1760xi32, #tpu.memory_space<vmem>>, vector<16xi32>,
      tpu.vector_store %arg11[%swap3A_255], %broadcast_in_dim3A_3 {strides = array<i32>} : memref<1760xi32, #tpu.memory_space<vmem>>, vector<16xi32>,
      %swap3A_257 = arith.constant 1712 : index
      %swap3A_258 = tpu.vector_load %arg11[%swap3A_257] {strides = array<i32>} : memref<1760xi32, #tpu.memory_space<vmem>>, vector<16xi32>,
      tpu.vector_store %arg11[%swap3A_257], %broadcast_in_dim3A_3 {strides = array<i32>} : memref<1760xi32, #tpu.memory_space<vmem>>, vector<16xi32>,
      %swap3A_259 = arith.constant 1728 : index
      %swap3A_260 = tpu.vector_load %arg11[%swap3A_259] {strides = array<i32>} : memref<1760xi32, #tpu.memory_space<vmem>>, vector<16xi32>,
      tpu.vector_store %arg11[%swap3A_259], %broadcast_in_dim3A_3 {strides = array<i32>} : memref<1760xi32, #tpu.memory_space<vmem>>, vector<16xi32>,
      %swap3A_261 = arith.constant 1744 : index
      %swap3A_262 = tpu.vector_load %arg11[%swap3A_261] {strides = array<i32>} : memref<1760xi32, #tpu.memory_space<vmem>>, vector<16xi32>,
      tpu.vector_store %arg11[%swap3A_261], %broadcast_in_dim3A_3 {strides = array<i32>} : memref<1760xi32, #tpu.memory_space<vmem>>, vector<16xi32>,
      %swap3A_263 = arith.constant 0 : index
      %swap3A_264 = tpu.vector_load %arg24[%swap3A_263] {strides = array<i32>} : memref<704xf32, #tpu.memory_space<vmem>>, vector<16xf32>,
      tpu.vector_store %arg24[%swap3A_263], %broadcast_in_dim3A_7 {strides = array<i32>} : memref<704xf32, #tpu.memory_space<vmem>>, vector<16xf32>,
      %swap3A_265 = arith.constant 16 : index
      %swap3A_266 = tpu.vector_load %arg24[%swap3A_265] {strides = array<i32>} : memref<704xf32, #tpu.memory_space<vmem>>, vector<16xf32>,
      tpu.vector_store %arg24[%swap3A_265], %broadcast_in_dim3A_7 {strides = array<i32>} : memref<704xf32, #tpu.memory_space<vmem>>, vector<16xf32>,
      %swap3A_267 = arith.constant 32 : index
      %swap3A_268 = tpu.vector_load %arg24[%swap3A_267] {strides = array<i32>} : memref<704xf32, #tpu.memory_space<vmem>>, vector<16xf32>,
      tpu.vector_store %arg24[%swap3A_267], %broadcast_in_dim3A_7 {strides = array<i32>} : memref<704xf32, #tpu.memory_space<vmem>>, vector<16xf32>,
      %swap3A_269 = arith.constant 48 : index
      %swap3A_270 = tpu.vector_load %arg24[%swap3A_269] {strides = array<i32>} : memref<704xf32, #tpu.memory_space<vmem>>, vector<16xf32>,
      tpu.vector_store %arg24[%swap3A_269], %broadcast_in_dim3A_7 {strides = array<i32>} : memref<704xf32, #tpu.memory_space<vmem>>, vector<16xf32>,
      %swap3A_271 = arith.constant 64 : index
      %swap3A_272 = tpu.vector_load %arg24[%swap3A_271] {strides = array<i32>} : memref<704xf32, #tpu.memory_space<vmem>>, vector<16xf32>,
      tpu.vector_store %arg24[%swap3A_271], %broadcast_in_dim3A_7 {strides = array<i32>} : memref<704xf32, #tpu.memory_space<vmem>>, vector<16xf32>,
      %swap3A_273 = arith.constant 80 : index
      %swap3A_274 = tpu.vector_load %arg24[%swap3A_273] {strides = array<i32>} : memref<704xf32, #tpu.memory_space<vmem>>, vector<16xf32>,
      tpu.vector_store %arg24[%swap3A_273], %broadcast_in_dim3A_7 {strides = array<i32>} : memref<704xf32, #tpu.memory_space<vmem>>, vector<16xf32>,
      %swap3A_275 = arith.constant 96 : index
      %swap3A_276 = tpu.vector_load %arg24[%swap3A_275] {strides = array<i32>} : memref<704xf32, #tpu.memory_space<vmem>>, vector<16xf32>,
      tpu.vector_store %arg24[%swap3A_275], %broadcast_in_dim3A_7 {strides = array<i32>} : memref<704xf32, #tpu.memory_space<vmem>>, vector<16xf32>,
      %swap3A_277 = arith.constant 112 : index
      %swap3A_278 = tpu.vector_load %arg24[%swap3A_277] {strides = array<i32>} : memref<704xf32, #tpu.memory_space<vmem>>, vector<16xf32>,
      tpu.vector_store %arg24[%swap3A_277], %broadcast_in_dim3A_7 {strides = array<i32>} : memref<704xf32, #tpu.memory_space<vmem>>, vector<16xf32>,
      %swap3A_279 = arith.constant 128 : index
      %swap3A_280 = tpu.vector_load %arg24[%swap3A_279] {strides = array<i32>} : memref<704xf32, #tpu.memory_space<vmem>>, vector<16xf32>,
      tpu.vector_store %arg24[%swap3A_279], %broadcast_in_dim3A_7 {strides = array<i32>} : memref<704xf32, #tpu.memory_space<vmem>>, vector<16xf32>,
      %swap3A_281 = arith.constant 144 : index
      %swap3A_282 = tpu.vector_load %arg24[%swap3A_281] {strides = array<i32>} : memref<704xf32, #tpu.memory_space<vmem>>, vector<16xf32>,
      tpu.vector_store %arg24[%swap3A_281], %broadcast_in_dim3A_7 {strides = array<i32>} : memref<704xf32, #tpu.memory_space<vmem>>, vector<16xf32>,
      %swap3A_283 = arith.constant 160 : index
      %swap3A_284 = tpu.vector_load %arg24[%swap3A_283] {strides = array<i32>} : memref<704xf32, #tpu.memory_space<vmem>>, vector<16xf32>,
      tpu.vector_store %arg24[%swap3A_283], %broadcast_in_dim3A_7 {strides = array<i32>} : memref<704xf32, #tpu.memory_space<vmem>>, vector<16xf32>,
      %swap3A_285 = arith.constant 176 : index
      %swap3A_286 = tpu.vector_load %arg24[%swap3A_285] {strides = array<i32>} : memref<704xf32, #tpu.memory_space<vmem>>, vector<16xf32>,
      tpu.vector_store %arg24[%swap3A_285], %broadcast_in_dim3A_7 {strides = array<i32>} : memref<704xf32, #tpu.memory_space<vmem>>, vector<16xf32>,
      %swap3A_287 = arith.constant 192 : index
      %swap3A_288 = tpu.vector_load %arg24[%swap3A_287] {strides = array<i32>} : memref<704xf32, #tpu.memory_space<vmem>>, vector<16xf32>,
      tpu.vector_store %arg24[%swap3A_287], %broadcast_in_dim3A_7 {strides = array<i32>} : memref<704xf32, #tpu.memory_space<vmem>>, vector<16xf32>,
      %swap3A_289 = arith.constant 208 : index
      %swap3A_290 = tpu.vector_load %arg24[%swap3A_289] {strides = array<i32>} : memref<704xf32, #tpu.memory_space<vmem>>, vector<16xf32>,
      tpu.vector_store %arg24[%swap3A_289], %broadcast_in_dim3A_7 {strides = array<i32>} : memref<704xf32, #tpu.memory_space<vmem>>, vector<16xf32>,
      %swap3A_291 = arith.constant 224 : index
      %swap3A_292 = tpu.vector_load %arg24[%swap3A_291] {strides = array<i32>} : memref<704xf32, #tpu.memory_space<vmem>>, vector<16xf32>,
      tpu.vector_store %arg24[%swap3A_291], %broadcast_in_dim3A_7 {strides = array<i32>} : memref<704xf32, #tpu.memory_space<vmem>>, vector<16xf32>,
      %swap3A_293 = arith.constant 240 : index
      %swap3A_294 = tpu.vector_load %arg24[%swap3A_293] {strides = array<i32>} : memref<704xf32, #tpu.memory_space<vmem>>, vector<16xf32>,
      tpu.vector_store %arg24[%swap3A_293], %broadcast_in_dim3A_7 {strides = array<i32>} : memref<704xf32, #tpu.memory_space<vmem>>, vector<16xf32>,
      %swap3A_295 = arith.constant 256 : index
      %swap3A_296 = tpu.vector_load %arg24[%swap3A_295] {strides = array<i32>} : memref<704xf32, #tpu.memory_space<vmem>>, vector<16xf32>,
      tpu.vector_store %arg24[%swap3A_295], %broadcast_in_dim3A_7 {strides = array<i32>} : memref<704xf32, #tpu.memory_space<vmem>>, vector<16xf32>,
      %swap3A_297 = arith.constant 272 : index
      %swap3A_298 = tpu.vector_load %arg24[%swap3A_297] {strides = array<i32>} : memref<704xf32, #tpu.memory_space<vmem>>, vector<16xf32>,
      tpu.vector_store %arg24[%swap3A_297], %broadcast_in_dim3A_7 {strides = array<i32>} : memref<704xf32, #tpu.memory_space<vmem>>, vector<16xf32>,
      %swap3A_299 = arith.constant 288 : index
      %swap3A_300 = tpu.vector_load %arg24[%swap3A_299] {strides = array<i32>} : memref<704xf32, #tpu.memory_space<vmem>>, vector<16xf32>,
      tpu.vector_store %arg24[%swap3A_299], %broadcast_in_dim3A_7 {strides = array<i32>} : memref<704xf32, #tpu.memory_space<vmem>>, vector<16xf32>,
      %swap3A_301 = arith.constant 304 : index
      %swap3A_302 = tpu.vector_load %arg24[%swap3A_301] {strides = array<i32>} : memref<704xf32, #tpu.memory_space<vmem>>, vector<16xf32>,
      tpu.vector_store %arg24[%swap3A_301], %broadcast_in_dim3A_7 {strides = array<i32>} : memref<704xf32, #tpu.memory_space<vmem>>, vector<16xf32>,
      %swap3A_303 = arith.constant 320 : index
      %swap3A_304 = tpu.vector_load %arg24[%swap3A_303] {strides = array<i32>} : memref<704xf32, #tpu.memory_space<vmem>>, vector<16xf32>,
      tpu.vector_store %arg24[%swap3A_303], %broadcast_in_dim3A_7 {strides = array<i32>} : memref<704xf32, #tpu.memory_space<vmem>>, vector<16xf32>,
      %swap3A_305 = arith.constant 336 : index
      %swap3A_306 = tpu.vector_load %arg24[%swap3A_305] {strides = array<i32>} : memref<704xf32, #tpu.memory_space<vmem>>, vector<16xf32>,
      tpu.vector_store %arg24[%swap3A_305], %broadcast_in_dim3A_7 {strides = array<i32>} : memref<704xf32, #tpu.memory_space<vmem>>, vector<16xf32>,
      %swap3A_307 = arith.constant 352 : index
      %swap3A_308 = tpu.vector_load %arg24[%swap3A_307] {strides = array<i32>} : memref<704xf32, #tpu.memory_space<vmem>>, vector<16xf32>,
      tpu.vector_store %arg24[%swap3A_307], %broadcast_in_dim3A_7 {strides = array<i32>} : memref<704xf32, #tpu.memory_space<vmem>>, vector<16xf32>,
      %swap3A_309 = arith.constant 368 : index
      %swap3A_310 = tpu.vector_load %arg24[%swap3A_309] {strides = array<i32>} : memref<704xf32, #tpu.memory_space<vmem>>, vector<16xf32>,
      tpu.vector_store %arg24[%swap3A_309], %broadcast_in_dim3A_7 {strides = array<i32>} : memref<704xf32, #tpu.memory_space<vmem>>, vector<16xf32>,
      %swap3A_311 = arith.constant 384 : index
      %swap3A_312 = tpu.vector_load %arg24[%swap3A_311] {strides = array<i32>} : memref<704xf32, #tpu.memory_space<vmem>>, vector<16xf32>,
      tpu.vector_store %arg24[%swap3A_311], %broadcast_in_dim3A_7 {strides = array<i32>} : memref<704xf32, #tpu.memory_space<vmem>>, vector<16xf32>,
      %swap3A_313 = arith.constant 400 : index
      %swap3A_314 = tpu.vector_load %arg24[%swap3A_313] {strides = array<i32>} : memref<704xf32, #tpu.memory_space<vmem>>, vector<16xf32>,
      tpu.vector_store %arg24[%swap3A_313], %broadcast_in_dim3A_7 {strides = array<i32>} : memref<704xf32, #tpu.memory_space<vmem>>, vector<16xf32>,
      %swap3A_315 = arith.constant 416 : index
      %swap3A_316 = tpu.vector_load %arg24[%swap3A_315] {strides = array<i32>} : memref<704xf32, #tpu.memory_space<vmem>>, vector<16xf32>,
      tpu.vector_store %arg24[%swap3A_315], %broadcast_in_dim3A_7 {strides = array<i32>} : memref<704xf32, #tpu.memory_space<vmem>>, vector<16xf32>,
      %swap3A_317 = arith.constant 432 : index
      %swap3A_318 = tpu.vector_load %arg24[%swap3A_317] {strides = array<i32>} : memref<704xf32, #tpu.memory_space<vmem>>, vector<16xf32>,
      tpu.vector_store %arg24[%swap3A_317], %broadcast_in_dim3A_7 {strides = array<i32>} : memref<704xf32, #tpu.memory_space<vmem>>, vector<16xf32>,
      %swap3A_319 = arith.constant 448 : index
      %swap3A_320 = tpu.vector_load %arg24[%swap3A_319] {strides = array<i32>} : memref<704xf32, #tpu.memory_space<vmem>>, vector<16xf32>,
      tpu.vector_store %arg24[%swap3A_319], %broadcast_in_dim3A_7 {strides = array<i32>} : memref<704xf32, #tpu.memory_space<vmem>>, vector<16xf32>,
      %swap3A_321 = arith.constant 464 : index
      %swap3A_322 = tpu.vector_load %arg24[%swap3A_321] {strides = array<i32>} : memref<704xf32, #tpu.memory_space<vmem>>, vector<16xf32>,
      tpu.vector_store %arg24[%swap3A_321], %broadcast_in_dim3A_7 {strides = array<i32>} : memref<704xf32, #tpu.memory_space<vmem>>, vector<16xf32>,
      %swap3A_323 = arith.constant 480 : index
      %swap3A_324 = tpu.vector_load %arg24[%swap3A_323] {strides = array<i32>} : memref<704xf32, #tpu.memory_space<vmem>>, vector<16xf32>,
      tpu.vector_store %arg24[%swap3A_323], %broadcast_in_dim3A_7 {strides = array<i32>} : memref<704xf32, #tpu.memory_space<vmem>>, vector<16xf32>,
      %swap3A_325 = arith.constant 496 : index
      %swap3A_326 = tpu.vector_load %arg24[%swap3A_325] {strides = array<i32>} : memref<704xf32, #tpu.memory_space<vmem>>, vector<16xf32>,
      tpu.vector_store %arg24[%swap3A_325], %broadcast_in_dim3A_7 {strides = array<i32>} : memref<704xf32, #tpu.memory_space<vmem>>, vector<16xf32>,
      %swap3A_327 = arith.constant 512 : index
      %swap3A_328 = tpu.vector_load %arg24[%swap3A_327] {strides = array<i32>} : memref<704xf32, #tpu.memory_space<vmem>>, vector<16xf32>,
      tpu.vector_store %arg24[%swap3A_327], %broadcast_in_dim3A_7 {strides = array<i32>} : memref<704xf32, #tpu.memory_space<vmem>>, vector<16xf32>,
      %swap3A_329 = arith.constant 528 : index
      %swap3A_330 = tpu.vector_load %arg24[%swap3A_329] {strides = array<i32>} : memref<704xf32, #tpu.memory_space<vmem>>, vector<16xf32>,
      tpu.vector_store %arg24[%swap3A_329], %broadcast_in_dim3A_7 {strides = array<i32>} : memref<704xf32, #tpu.memory_space<vmem>>, vector<16xf32>,
      %swap3A_331 = arith.constant 544 : index
      %swap3A_332 = tpu.vector_load %arg24[%swap3A_331] {strides = array<i32>} : memref<704xf32, #tpu.memory_space<vmem>>, vector<16xf32>,
      tpu.vector_store %arg24[%swap3A_331], %broadcast_in_dim3A_7 {strides = array<i32>} : memref<704xf32, #tpu.memory_space<vmem>>, vector<16xf32>,
      %swap3A_333 = arith.constant 560 : index
      %swap3A_334 = tpu.vector_load %arg24[%swap3A_333] {strides = array<i32>} : memref<704xf32, #tpu.memory_space<vmem>>, vector<16xf32>,
      tpu.vector_store %arg24[%swap3A_333], %broadcast_in_dim3A_7 {strides = array<i32>} : memref<704xf32, #tpu.memory_space<vmem>>, vector<16xf32>,
      %swap3A_335 = arith.constant 576 : index
      %swap3A_336 = tpu.vector_load %arg24[%swap3A_335] {strides = array<i32>} : memref<704xf32, #tpu.memory_space<vmem>>, vector<16xf32>,
      tpu.vector_store %arg24[%swap3A_335], %broadcast_in_dim3A_7 {strides = array<i32>} : memref<704xf32, #tpu.memory_space<vmem>>, vector<16xf32>,
      %swap3A_337 = arith.constant 592 : index
      %swap3A_338 = tpu.vector_load %arg24[%swap3A_337] {strides = array<i32>} : memref<704xf32, #tpu.memory_space<vmem>>, vector<16xf32>,
      tpu.vector_store %arg24[%swap3A_337], %broadcast_in_dim3A_7 {strides = array<i32>} : memref<704xf32, #tpu.memory_space<vmem>>, vector<16xf32>,
      %swap3A_339 = arith.constant 608 : index
      %swap3A_340 = tpu.vector_load %arg24[%swap3A_339] {strides = array<i32>} : memref<704xf32, #tpu.memory_space<vmem>>, vector<16xf32>,
      tpu.vector_store %arg24[%swap3A_339], %broadcast_in_dim3A_7 {strides = array<i32>} : memref<704xf32, #tpu.memory_space<vmem>>, vector<16xf32>,
      %swap3A_341 = arith.constant 624 : index
      %swap3A_342 = tpu.vector_load %arg24[%swap3A_341] {strides = array<i32>} : memref<704xf32, #tpu.memory_space<vmem>>, vector<16xf32>,
      tpu.vector_store %arg24[%swap3A_341], %broadcast_in_dim3A_7 {strides = array<i32>} : memref<704xf32, #tpu.memory_space<vmem>>, vector<16xf32>,
      %swap3A_343 = arith.constant 640 : index
      %swap3A_344 = tpu.vector_load %arg24[%swap3A_343] {strides = array<i32>} : memref<704xf32, #tpu.memory_space<vmem>>, vector<16xf32>,
      tpu.vector_store %arg24[%swap3A_343], %broadcast_in_dim3A_7 {strides = array<i32>} : memref<704xf32, #tpu.memory_space<vmem>>, vector<16xf32>,
      %swap3A_345 = arith.constant 656 : index
      %swap3A_346 = tpu.vector_load %arg24[%swap3A_345] {strides = array<i32>} : memref<704xf32, #tpu.memory_space<vmem>>, vector<16xf32>,
      tpu.vector_store %arg24[%swap3A_345], %broadcast_in_dim3A_7 {strides = array<i32>} : memref<704xf32, #tpu.memory_space<vmem>>, vector<16xf32>,
      %swap3A_347 = arith.constant 672 : index
      %swap3A_348 = tpu.vector_load %arg24[%swap3A_347] {strides = array<i32>} : memref<704xf32, #tpu.memory_space<vmem>>, vector<16xf32>,
      tpu.vector_store %arg24[%swap3A_347], %broadcast_in_dim3A_7 {strides = array<i32>} : memref<704xf32, #tpu.memory_space<vmem>>, vector<16xf32>,
      %swap3A_349 = arith.constant 688 : index
      %swap3A_350 = tpu.vector_load %arg24[%swap3A_349] {strides = array<i32>} : memref<704xf32, #tpu.memory_space<vmem>>, vector<16xf32>,
      tpu.vector_store %arg24[%swap3A_349], %broadcast_in_dim3A_7 {strides = array<i32>} : memref<704xf32, #tpu.memory_space<vmem>>, vector<16xf32>,
      %broadcast_in_dim3A_351 = arith.constant -1.000000e+00 : f32
      %broadcast_in_dim3A_352 = vector.broadcast %broadcast_in_dim3A_351 : f32 to vector<16xf32>
      %swap3A_353 = arith.constant 0 : index
      %swap3A_354 = tpu.vector_load %arg12[%swap3A_353] {strides = array<i32>} : memref<288xf32, #tpu.memory_space<vmem>>, vector<16xf32>,
      tpu.vector_store %arg12[%swap3A_353], %broadcast_in_dim3A_352 {strides = array<i32>} : memref<288xf32, #tpu.memory_space<vmem>>, vector<16xf32>,
      %broadcast_in_dim3A_355 = arith.constant -1.000000e+00 : f32
      %broadcast_in_dim3A_356 = vector.broadcast %broadcast_in_dim3A_355 : f32 to vector<16xf32>
      %swap3A_357 = arith.constant 16 : index
      %swap3A_358 = tpu.vector_load %arg12[%swap3A_357] {strides = array<i32>} : memref<288xf32, #tpu.memory_space<vmem>>, vector<16xf32>,
      tpu.vector_store %arg12[%swap3A_357], %broadcast_in_dim3A_356 {strides = array<i32>} : memref<288xf32, #tpu.memory_space<vmem>>, vector<16xf32>,
      %broadcast_in_dim3A_359 = arith.constant -1.000000e+00 : f32
      %broadcast_in_dim3A_360 = vector.broadcast %broadcast_in_dim3A_359 : f32 to vector<16xf32>
      %swap3A_361 = arith.constant 32 : index
      %swap3A_362 = tpu.vector_load %arg12[%swap3A_361] {strides = array<i32>} : memref<288xf32, #tpu.memory_space<vmem>>, vector<16xf32>,
      tpu.vector_store %arg12[%swap3A_361], %broadcast_in_dim3A_360 {strides = array<i32>} : memref<288xf32, #tpu.memory_space<vmem>>, vector<16xf32>,
      %broadcast_in_dim3A_363 = arith.constant -1.000000e+00 : f32
      %broadcast_in_dim3A_364 = vector.broadcast %broadcast_in_dim3A_363 : f32 to vector<16xf32>
      %swap3A_365 = arith.constant 48 : index
      %swap3A_366 = tpu.vector_load %arg12[%swap3A_365] {strides = array<i32>} : memref<288xf32, #tpu.memory_space<vmem>>, vector<16xf32>,
      tpu.vector_store %arg12[%swap3A_365], %broadcast_in_dim3A_364 {strides = array<i32>} : memref<288xf32, #tpu.memory_space<vmem>>, vector<16xf32>,
      %broadcast_in_dim3A_367 = arith.constant -1.000000e+00 : f32
      %broadcast_in_dim3A_368 = vector.broadcast %broadcast_in_dim3A_367 : f32 to vector<16xf32>
      %swap3A_369 = arith.constant 64 : index
      %swap3A_370 = tpu.vector_load %arg12[%swap3A_369] {strides = array<i32>} : memref<288xf32, #tpu.memory_space<vmem>>, vector<16xf32>,
      tpu.vector_store %arg12[%swap3A_369], %broadcast_in_dim3A_368 {strides = array<i32>} : memref<288xf32, #tpu.memory_space<vmem>>, vector<16xf32>,
      %broadcast_in_dim3A_371 = arith.constant -1.000000e+00 : f32
      %broadcast_in_dim3A_372 = vector.broadcast %broadcast_in_dim3A_371 : f32 to vector<16xf32>
      %swap3A_373 = arith.constant 80 : index
      %swap3A_374 = tpu.vector_load %arg12[%swap3A_373] {strides = array<i32>} : memref<288xf32, #tpu.memory_space<vmem>>, vector<16xf32>,
      tpu.vector_store %arg12[%swap3A_373], %broadcast_in_dim3A_372 {strides = array<i32>} : memref<288xf32, #tpu.memory_space<vmem>>, vector<16xf32>,
      %broadcast_in_dim3A_375 = arith.constant -1.000000e+00 : f32
      %broadcast_in_dim3A_376 = vector.broadcast %broadcast_in_dim3A_375 : f32 to vector<16xf32>
      %swap3A_377 = arith.constant 96 : index
      %swap3A_378 = tpu.vector_load %arg12[%swap3A_377] {strides = array<i32>} : memref<288xf32, #tpu.memory_space<vmem>>, vector<16xf32>,
      tpu.vector_store %arg12[%swap3A_377], %broadcast_in_dim3A_376 {strides = array<i32>} : memref<288xf32, #tpu.memory_space<vmem>>, vector<16xf32>,
      %broadcast_in_dim3A_379 = arith.constant -1.000000e+00 : f32
      %broadcast_in_dim3A_380 = vector.broadcast %broadcast_in_dim3A_379 : f32 to vector<16xf32>
      %swap3A_381 = arith.constant 112 : index
      %swap3A_382 = tpu.vector_load %arg12[%swap3A_381] {strides = array<i32>} : memref<288xf32, #tpu.memory_space<vmem>>, vector<16xf32>,
      tpu.vector_store %arg12[%swap3A_381], %broadcast_in_dim3A_380 {strides = array<i32>} : memref<288xf32, #tpu.memory_space<vmem>>, vector<16xf32>,
      %broadcast_in_dim3A_383 = arith.constant -1.000000e+00 : f32
      %broadcast_in_dim3A_384 = vector.broadcast %broadcast_in_dim3A_383 : f32 to vector<16xf32>
      %swap3A_385 = arith.constant 128 : index
      %swap3A_386 = tpu.vector_load %arg12[%swap3A_385] {strides = array<i32>} : memref<288xf32, #tpu.memory_space<vmem>>, vector<16xf32>,
      tpu.vector_store %arg12[%swap3A_385], %broadcast_in_dim3A_384 {strides = array<i32>} : memref<288xf32, #tpu.memory_space<vmem>>, vector<16xf32>,
      %broadcast_in_dim3A_387 = arith.constant -1.000000e+00 : f32
      %broadcast_in_dim3A_388 = vector.broadcast %broadcast_in_dim3A_387 : f32 to vector<16xf32>
      %swap3A_389 = arith.constant 144 : index
      %swap3A_390 = tpu.vector_load %arg12[%swap3A_389] {strides = array<i32>} : memref<288xf32, #tpu.memory_space<vmem>>, vector<16xf32>,
      tpu.vector_store %arg12[%swap3A_389], %broadcast_in_dim3A_388 {strides = array<i32>} : memref<288xf32, #tpu.memory_space<vmem>>, vector<16xf32>,
      %broadcast_in_dim3A_391 = arith.constant -1.000000e+00 : f32
      %broadcast_in_dim3A_392 = vector.broadcast %broadcast_in_dim3A_391 : f32 to vector<16xf32>
      %swap3A_393 = arith.constant 160 : index
      %swap3A_394 = tpu.vector_load %arg12[%swap3A_393] {strides = array<i32>} : memref<288xf32, #tpu.memory_space<vmem>>, vector<16xf32>,
      tpu.vector_store %arg12[%swap3A_393], %broadcast_in_dim3A_392 {strides = array<i32>} : memref<288xf32, #tpu.memory_space<vmem>>, vector<16xf32>,
      %broadcast_in_dim3A_395 = arith.constant -1.000000e+00 : f32
      %broadcast_in_dim3A_396 = vector.broadcast %broadcast_in_dim3A_395 : f32 to vector<16xf32>
      %swap3A_397 = arith.constant 176 : index
      %swap3A_398 = tpu.vector_load %arg12[%swap3A_397] {strides = array<i32>} : memref<288xf32, #tpu.memory_space<vmem>>, vector<16xf32>,
      tpu.vector_store %arg12[%swap3A_397], %broadcast_in_dim3A_396 {strides = array<i32>} : memref<288xf32, #tpu.memory_space<vmem>>, vector<16xf32>,
      %broadcast_in_dim3A_399 = arith.constant -1.000000e+00 : f32
      %broadcast_in_dim3A_400 = vector.broadcast %broadcast_in_dim3A_399 : f32 to vector<16xf32>
      %swap3A_401 = arith.constant 192 : index
      %swap3A_402 = tpu.vector_load %arg12[%swap3A_401] {strides = array<i32>} : memref<288xf32, #tpu.memory_space<vmem>>, vector<16xf32>,
      tpu.vector_store %arg12[%swap3A_401], %broadcast_in_dim3A_400 {strides = array<i32>} : memref<288xf32, #tpu.memory_space<vmem>>, vector<16xf32>,
      %broadcast_in_dim3A_403 = arith.constant -1.000000e+00 : f32
      %broadcast_in_dim3A_404 = vector.broadcast %broadcast_in_dim3A_403 : f32 to vector<16xf32>
      %swap3A_405 = arith.constant 208 : index
      %swap3A_406 = tpu.vector_load %arg12[%swap3A_405] {strides = array<i32>} : memref<288xf32, #tpu.memory_space<vmem>>, vector<16xf32>,
      tpu.vector_store %arg12[%swap3A_405], %broadcast_in_dim3A_404 {strides = array<i32>} : memref<288xf32, #tpu.memory_space<vmem>>, vector<16xf32>,
      %broadcast_in_dim3A_407 = arith.constant -1.000000e+00 : f32
      %broadcast_in_dim3A_408 = vector.broadcast %broadcast_in_dim3A_407 : f32 to vector<16xf32>
      %swap3A_409 = arith.constant 224 : index
      %swap3A_410 = tpu.vector_load %arg12[%swap3A_409] {strides = array<i32>} : memref<288xf32, #tpu.memory_space<vmem>>, vector<16xf32>,
      tpu.vector_store %arg12[%swap3A_409], %broadcast_in_dim3A_408 {strides = array<i32>} : memref<288xf32, #tpu.memory_space<vmem>>, vector<16xf32>,
      %broadcast_in_dim3A_411 = arith.constant -1.000000e+00 : f32
      %broadcast_in_dim3A_412 = vector.broadcast %broadcast_in_dim3A_411 : f32 to vector<16xf32>
      %swap3A_413 = arith.constant 240 : index
      %swap3A_414 = tpu.vector_load %arg12[%swap3A_413] {strides = array<i32>} : memref<288xf32, #tpu.memory_space<vmem>>, vector<16xf32>,
      tpu.vector_store %arg12[%swap3A_413], %broadcast_in_dim3A_412 {strides = array<i32>} : memref<288xf32, #tpu.memory_space<vmem>>, vector<16xf32>,
      %broadcast_in_dim3A_415 = arith.constant -1.000000e+00 : f32
      %broadcast_in_dim3A_416 = vector.broadcast %broadcast_in_dim3A_415 : f32 to vector<16xf32>
      %swap3A_417 = arith.constant 256 : index
      %swap3A_418 = tpu.vector_load %arg12[%swap3A_417] {strides = array<i32>} : memref<288xf32, #tpu.memory_space<vmem>>, vector<16xf32>,
      tpu.vector_store %arg12[%swap3A_417], %broadcast_in_dim3A_416 {strides = array<i32>} : memref<288xf32, #tpu.memory_space<vmem>>, vector<16xf32>,
      %swap3A_419 = arith.constant 0 : index
      %swap3A_420 = tpu.vector_load %arg15[%swap3A_419] {strides = array<i32>} : memref<112xi32, #tpu.memory_space<vmem>>, vector<16xi32>,
      tpu.vector_store %arg15[%swap3A_419], %broadcast_in_dim3A_3 {strides = array<i32>} : memref<112xi32, #tpu.memory_space<vmem>>, vector<16xi32>,
      %swap3A_421 = arith.constant 0 : index
      %swap3A_422 = tpu.vector_load %arg14[%swap3A_421] {strides = array<i32>} : memref<112xf32, #tpu.memory_space<vmem>>, vector<16xf32>,
      tpu.vector_store %arg14[%swap3A_421], %broadcast_in_dim3A_7 {strides = array<i32>} : memref<112xf32, #tpu.memory_space<vmem>>, vector<16xf32>,
      %swap3A_423 = arith.constant 16 : index
      %swap3A_424 = tpu.vector_load %arg15[%swap3A_423] {strides = array<i32>} : memref<112xi32, #tpu.memory_space<vmem>>, vector<16xi32>,
      tpu.vector_store %arg15[%swap3A_423], %broadcast_in_dim3A_3 {strides = array<i32>} : memref<112xi32, #tpu.memory_space<vmem>>, vector<16xi32>,
      %swap3A_425 = arith.constant 16 : index
      %swap3A_426 = tpu.vector_load %arg14[%swap3A_425] {strides = array<i32>} : memref<112xf32, #tpu.memory_space<vmem>>, vector<16xf32>,
      tpu.vector_store %arg14[%swap3A_425], %broadcast_in_dim3A_7 {strides = array<i32>} : memref<112xf32, #tpu.memory_space<vmem>>, vector<16xf32>,
      %swap3A_427 = arith.constant 32 : index
      %swap3A_428 = tpu.vector_load %arg15[%swap3A_427] {strides = array<i32>} : memref<112xi32, #tpu.memory_space<vmem>>, vector<16xi32>,
      tpu.vector_store %arg15[%swap3A_427], %broadcast_in_dim3A_3 {strides = array<i32>} : memref<112xi32, #tpu.memory_space<vmem>>, vector<16xi32>,
      %swap3A_429 = arith.constant 32 : index
      %swap3A_430 = tpu.vector_load %arg14[%swap3A_429] {strides = array<i32>} : memref<112xf32, #tpu.memory_space<vmem>>, vector<16xf32>,
      tpu.vector_store %arg14[%swap3A_429], %broadcast_in_dim3A_7 {strides = array<i32>} : memref<112xf32, #tpu.memory_space<vmem>>, vector<16xf32>,
      %swap3A_431 = arith.constant 48 : index
      %swap3A_432 = tpu.vector_load %arg15[%swap3A_431] {strides = array<i32>} : memref<112xi32, #tpu.memory_space<vmem>>, vector<16xi32>,
      tpu.vector_store %arg15[%swap3A_431], %broadcast_in_dim3A_3 {strides = array<i32>} : memref<112xi32, #tpu.memory_space<vmem>>, vector<16xi32>,
      %swap3A_433 = arith.constant 48 : index
      %swap3A_434 = tpu.vector_load %arg14[%swap3A_433] {strides = array<i32>} : memref<112xf32, #tpu.memory_space<vmem>>, vector<16xf32>,
      tpu.vector_store %arg14[%swap3A_433], %broadcast_in_dim3A_7 {strides = array<i32>} : memref<112xf32, #tpu.memory_space<vmem>>, vector<16xf32>,
      %swap3A_435 = arith.constant 64 : index
      %swap3A_436 = tpu.vector_load %arg15[%swap3A_435] {strides = array<i32>} : memref<112xi32, #tpu.memory_space<vmem>>, vector<16xi32>,
      tpu.vector_store %arg15[%swap3A_435], %broadcast_in_dim3A_3 {strides = array<i32>} : memref<112xi32, #tpu.memory_space<vmem>>, vector<16xi32>,
      %swap3A_437 = arith.constant 64 : index
      %swap3A_438 = tpu.vector_load %arg14[%swap3A_437] {strides = array<i32>} : memref<112xf32, #tpu.memory_space<vmem>>, vector<16xf32>,
      tpu.vector_store %arg14[%swap3A_437], %broadcast_in_dim3A_7 {strides = array<i32>} : memref<112xf32, #tpu.memory_space<vmem>>, vector<16xf32>,
      %swap3A_439 = arith.constant 80 : index
      %swap3A_440 = tpu.vector_load %arg15[%swap3A_439] {strides = array<i32>} : memref<112xi32, #tpu.memory_space<vmem>>, vector<16xi32>,
      tpu.vector_store %arg15[%swap3A_439], %broadcast_in_dim3A_3 {strides = array<i32>} : memref<112xi32, #tpu.memory_space<vmem>>, vector<16xi32>,
      %swap3A_441 = arith.constant 80 : index
      %swap3A_442 = tpu.vector_load %arg14[%swap3A_441] {strides = array<i32>} : memref<112xf32, #tpu.memory_space<vmem>>, vector<16xf32>,
      tpu.vector_store %arg14[%swap3A_441], %broadcast_in_dim3A_7 {strides = array<i32>} : memref<112xf32, #tpu.memory_space<vmem>>, vector<16xf32>,
      %swap3A_443 = arith.constant 96 : index
      %swap3A_444 = tpu.vector_load %arg15[%swap3A_443] {strides = array<i32>} : memref<112xi32, #tpu.memory_space<vmem>>, vector<16xi32>,
      tpu.vector_store %arg15[%swap3A_443], %broadcast_in_dim3A_3 {strides = array<i32>} : memref<112xi32, #tpu.memory_space<vmem>>, vector<16xi32>,
      %swap3A_445 = arith.constant 96 : index
      %swap3A_446 = tpu.vector_load %arg14[%swap3A_445] {strides = array<i32>} : memref<112xf32, #tpu.memory_space<vmem>>, vector<16xf32>,
      tpu.vector_store %arg14[%swap3A_445], %broadcast_in_dim3A_7 {strides = array<i32>} : memref<112xf32, #tpu.memory_space<vmem>>, vector<16xf32>,
      %scan3A = arith.constant 0 : i32
      %scan3A_447 = arith.constant 0 : i32
      %scan3A_448 = arith.constant 1024 : i32
      %scan3A_449 = arith.addi %scan3A_447, %scan3A_448 : i32
      %scan3A_450 = arith.constant 1 : i32
      %scan3A_451 = scf.for %scan3A_1224 = %scan3A_447 to %scan3A_449 step %scan3A_450 iter_args(%scan3A_1225 = %scan3A) -> (i32)  : i32 {
        %mul3A_1226 = arith.constant 16 : i32
        %mul3A_1227 = arith.muli %scan3A_1224, %mul3A_1226 : i32
        %add3A_1228 = arith.constant 16 : i32
        %add3A_1229 = arith.addi %add3A_1228, %mul3A_1227 : i32
        %jit3A_1230 = arith.constant 8 : i32
        %eq3A_1231 = arith.constant 0 : i32
        %eq3A_1232 = arith.cmpi eq, %jit3A_1230, %eq3A_1231 : i32
        %jit3A_1233 = arith.constant 1 : i32
        %select_n3A_1234 = arith.select %eq3A_1232, %jit3A_1233, %jit3A_1230 : i32
        %rem3A_1235 = arith.remsi %scan3A_1224, %select_n3A_1234 : i32
        %ne3A_1236 = arith.constant 0 : i32
        %ne3A_1237 = arith.cmpi ne, %rem3A_1235, %ne3A_1236 : i32
        %lt3A_1238 = arith.constant 0 : i32
        %lt3A_1239 = arith.cmpi slt, %rem3A_1235, %lt3A_1238 : i32
        %lt3A_1240 = arith.constant 0 : i32
        %lt3A_1241 = arith.cmpi slt, %select_n3A_1234, %lt3A_1240 : i32
        %ne3A_1242 = arith.xori %lt3A_1239, %lt3A_1241 : i1
        %and3A_1243 = arith.andi %ne3A_1242, %ne3A_1237 : i1
        %add3A_1244 = arith.addi %rem3A_1235, %select_n3A_1234 : i32
        %select_n3A_1245 = arith.select %and3A_1243, %add3A_1244, %rem3A_1235 : i32
        %mul3A_1246 = arith.constant 16 : i32
        %mul3A_1247 = arith.muli %select_n3A_1245, %mul3A_1246 : i32
        %add3A_1248 = vector.broadcast %mul3A_1247 : i32 to vector<16xi32>
        %add3A_1249 = arith.addi %add3A_1248, %iota3A : vector<16xi32>
        %get3A_1250 = arith.index_cast %add3A_1229 : i32 to index
        %get3A_1251 = tpu.vector_load %arg7[%get3A_1250] {strides = array<i32>} : memref<16416xf32, #tpu.memory_space<vmem>>, vector<16xf32>,
        %sub3A_1252 = arith.constant 1 : i32
        %sub3A_1253 = arith.subi %add3A_1229, %sub3A_1252 : i32
        %get3A_1254 = arith.index_cast %sub3A_1253 : i32 to index
        %get3A_1255 = tpu.vector_load %arg7[%get3A_1254] {strides = array<i32>} : memref<16416xf32, #tpu.memory_space<vmem>>, vector<16xf32>,
        %add3A_1256 = arith.constant 1 : i32
        %add3A_1257 = arith.addi %add3A_1229, %add3A_1256 : i32
        %get3A_1258 = arith.index_cast %add3A_1257 : i32 to index
        %get3A_1259 = tpu.vector_load %arg7[%get3A_1258] {strides = array<i32>} : memref<16416xf32, #tpu.memory_space<vmem>>, vector<16xf32>,
        %ge3A = arith.constant 1 : i32
        %ge3A_1260 = vector.broadcast %ge3A : i32 to vector<16xi32>
        %ge3A_1261 = arith.cmpi sge, %add3A_1249, %ge3A_1260 : vector<16xi32>
        %select_n3A_1262 = arith.select %ge3A_1261, %get3A_1255, %broadcast_in_dim3A_9 : vector<16xi1>, vector<16xf32>
        %le3A = arith.constant 126 : i32
        %le3A_1263 = vector.broadcast %le3A : i32 to vector<16xi32>
        %le3A_1264 = arith.cmpi sle, %add3A_1249, %le3A_1263 : vector<16xi32>
        %select_n3A_1265 = arith.select %le3A_1264, %get3A_1259, %broadcast_in_dim3A_9 : vector<16xi1>, vector<16xf32>
        %max3A = arith.maximumf %select_n3A_1262, %select_n3A_1265 : vector<16xf32>
        %max3A_1266 = arith.maximumf %get3A_1251, %max3A : vector<16xf32>
        %mul3A_1267 = arith.constant 16 : i32
        %mul3A_1268 = arith.muli %scan3A_1224, %mul3A_1267 : i32
        %add3A_1269 = arith.constant 128 : i32
        %add3A_1270 = arith.addi %add3A_1269, %mul3A_1268 : i32
        %swap3A_1271 = arith.index_cast %add3A_1270 : i32 to index
        %swap3A_1272 = tpu.vector_load %arg8[%swap3A_1271] {strides = array<i32>} : memref<16640xf32, #tpu.memory_space<vmem>>, vector<16xf32>,
        tpu.vector_store %arg8[%swap3A_1271], %max3A_1266 {strides = array<i32>} : memref<16640xf32, #tpu.memory_space<vmem>>, vector<16xf32>,
        %scan3A_1273 = arith.constant 0 : i32
        scf.yield %scan3A_1273 : i32
      }
      %scan3A_452 = arith.constant 1024 : i32
      %broadcast_in_dim3A_453 = arith.constant 1.000000e-01 : f32
      %broadcast_in_dim3A_454 = vector.broadcast %broadcast_in_dim3A_453 : f32 to vector<16xf32>
      %scan3A_455 = arith.constant 0 : i32
      %scan3A_456 = arith.constant 1024 : i32
      %scan3A_457 = arith.addi %scan3A_455, %scan3A_456 : i32
      %scan3A_458 = arith.constant 1 : i32
      %scan3A_459 = scf.for %scan3A_1224 = %scan3A_455 to %scan3A_457 step %scan3A_458 iter_args(%scan3A_1225 = %broadcast_in_dim3A_3) -> (vector<16xi32>)  : i32 {
        %mul3A_1226 = arith.constant 16 : i32
        %mul3A_1227 = arith.muli %scan3A_1224, %mul3A_1226 : i32
        %add3A_1228 = arith.constant 128 : i32
        %add3A_1229 = arith.addi %add3A_1228, %mul3A_1227 : i32
        %get3A_1230 = arith.index_cast %add3A_1229 : i32 to index
        %get3A_1231 = tpu.vector_load %arg8[%get3A_1230] {strides = array<i32>} : memref<16640xf32, #tpu.memory_space<vmem>>, vector<16xf32>,
        %sub3A_1232 = arith.constant 128 : i32
        %sub3A_1233 = arith.subi %add3A_1229, %sub3A_1232 : i32
        %get3A_1234 = arith.index_cast %sub3A_1233 : i32 to index
        %get3A_1235 = tpu.vector_load %arg8[%get3A_1234] {strides = array<i32>} : memref<16640xf32, #tpu.memory_space<vmem>>, vector<16xf32>,
        %add3A_1236 = arith.constant 128 : i32
        %add3A_1237 = arith.addi %add3A_1229, %add3A_1236 : i32
        %get3A_1238 = arith.index_cast %add3A_1237 : i32 to index
        %get3A_1239 = tpu.vector_load %arg8[%get3A_1238] {strides = array<i32>} : memref<16640xf32, #tpu.memory_space<vmem>>, vector<16xf32>,
        %max3A = arith.maximumf %get3A_1235, %get3A_1239 : vector<16xf32>
        %max3A_1240 = arith.maximumf %get3A_1231, %max3A : vector<16xf32>
        %mul3A_1241 = arith.constant 16 : i32
        %mul3A_1242 = arith.muli %scan3A_1224, %mul3A_1241 : i32
        %add3A_1243 = arith.constant 16 : i32
        %add3A_1244 = arith.addi %add3A_1243, %mul3A_1242 : i32
        %get3A_1245 = arith.index_cast %add3A_1244 : i32 to index
        %get3A_1246 = tpu.vector_load %arg7[%get3A_1245] {strides = array<i32>} : memref<16416xf32, #tpu.memory_space<vmem>>, vector<16xf32>,
        %eq3A_1247 = arith.cmpf oeq, %get3A_1246, %max3A_1240 : vector<16xf32>
        %gt3A = arith.cmpf ogt, %get3A_1246, %broadcast_in_dim3A_454 : vector<16xf32>
        %and3A_1248 = arith.andi %eq3A_1247, %gt3A : vector<16xi1>
        %select_n3A_1249 = arith.select %and3A_1248, %broadcast_in_dim3A_5, %broadcast_in_dim3A_3 : vector<16xi1>, vector<16xi32>
        %broadcast_in_dim3A_1250 = arith.constant true
        %broadcast_in_dim3A_1251 = vector.broadcast %broadcast_in_dim3A_1250 : i1 to vector<16xi1>
        %masked_cumsum3A = tpu.scan <sum>, %select_n3A_1249 masked %broadcast_in_dim3A_1251 : vector<16xi32>, vector<16xi1> -> vector<16xi32>
        %add3A_1252 = arith.addi %scan3A_1225, %masked_cumsum3A : vector<16xi32>
        %sub3A_1253 = arith.constant 1 : i32
        %sub3A_1254 = vector.broadcast %sub3A_1253 : i32 to vector<16xi32>
        %sub3A_1255 = arith.subi %add3A_1252, %sub3A_1254 : vector<16xi32>
        tpu.vector_store_idx %arg9[%sub3A_1255], %get3A_1246 masked %and3A_1248 : memref<16400xf32, #tpu.memory_space<vmem>>[vector<16xi32>], vector<16xf32>, vector<16xi1>
        %mul3A_1256 = arith.constant 16 : i32
        %mul3A_1257 = arith.muli %scan3A_1224, %mul3A_1256 : i32
        %add3A_1258 = vector.broadcast %mul3A_1257 : i32 to vector<16xi32>
        %add3A_1259 = arith.addi %add3A_1258, %iota3A : vector<16xi32>
        tpu.vector_store_idx %arg10[%sub3A_1255], %add3A_1259 masked %and3A_1248 : memref<16400xi32, #tpu.memory_space<vmem>>[vector<16xi32>], vector<16xi32>, vector<16xi1>
        %all_reduce_population_count3A = tpu.all_reduce %and3A_1248 {dim = 0 : i64, kind = #tpu.reduction_kind<sum>} : vector<16xi1> -> vector<16xi32>
        %add3A_1260 = arith.addi %scan3A_1225, %all_reduce_population_count3A : vector<16xi32>
        scf.yield %add3A_1260 : vector<16xi32>
      }
      %scan3A_460 = arith.constant 1024 : i32
      %reduce_max3A = arith.constant true
      %reduce_max3A_461 = vector.broadcast %reduce_max3A : i1 to vector<16xi1>
      %reduce_max3A_462 = arith.constant -2147483648 : i32
      %reduce_max3A_463 = vector.broadcast %reduce_max3A_462 : i32 to vector<16xi32>
      %reduce_max3A_464 = arith.xori %scan3A_459, %reduce_max3A_463 : vector<16xi32>
      %reduce_max3A_465 = tpu.scan <max>, %reduce_max3A_464 masked %reduce_max3A_461 : vector<16xi32>, vector<16xi1> -> vector<16xi32>
      %reduce_max3A_466 = arith.xori %reduce_max3A_465, %reduce_max3A_463 : vector<16xi32>
      %reduce_max3A_467 = vector.extract %reduce_max3A_466[15] : i32 from vector<16xi32>
      %add3A_468 = arith.constant 15 : i32
      %add3A_469 = arith.addi %reduce_max3A_467, %add3A_468 : i32
      %jit3A = arith.constant 16 : i32
      %div3A = arith.divsi %add3A_469, %jit3A : i32
      %sign3A = arith.constant 0 : i32
      %sign3A_470 = arith.cmpi sgt, %add3A_469, %sign3A : i32
      %sign3A_471 = arith.extui %sign3A_470 : i1 to i32
      %sign3A_472 = arith.constant 0 : i32
      %sign3A_473 = arith.cmpi slt, %add3A_469, %sign3A_472 : i32
      %sign3A_474 = arith.extui %sign3A_473 : i1 to i32
      %sign3A_475 = arith.subi %sign3A_471, %sign3A_474 : i32
      %sign3A_476 = arith.constant 0 : i32
      %sign3A_477 = arith.cmpi sgt, %jit3A, %sign3A_476 : i32
      %sign3A_478 = arith.extui %sign3A_477 : i1 to i32
      %sign3A_479 = arith.constant 0 : i32
      %sign3A_480 = arith.cmpi slt, %jit3A, %sign3A_479 : i32
      %sign3A_481 = arith.extui %sign3A_480 : i1 to i32
      %sign3A_482 = arith.subi %sign3A_478, %sign3A_481 : i32
      %ne3A = arith.cmpi ne, %sign3A_475, %sign3A_482 : i32
      %rem3A = arith.remsi %add3A_469, %jit3A : i32
      %ne3A_483 = arith.constant 0 : i32
      %ne3A_484 = arith.cmpi ne, %rem3A, %ne3A_483 : i32
      %and3A = arith.andi %ne3A, %ne3A_484 : i1
      %sub3A = arith.constant 1 : i32
      %sub3A_485 = arith.subi %div3A, %sub3A : i32
      %select_n3A = arith.select %and3A, %sub3A_485, %div3A : i32
      %while3A = arith.constant 0 : i32
      %while3A_486 = arith.constant 0 : i32
      %while3A_487 = arith.subi %select_n3A, %while3A : i32
      %while3A_488 = arith.addi %while3A, %while3A_487 : i32
      %while3A_489 = arith.constant 1 : i32
      %while3A_490 = arith.divsi %while3A_487, %while3A_489 : i32
      %while3A_491 = arith.muli %while3A_490, %while3A_489 : i32
      %while3A_492 = arith.addi %while3A, %while3A_491 : i32
      %while3A_493 = arith.constant 1 : i32
      %while3A_494 = scf.for %while3A_1224 = %while3A to %while3A_492 step %while3A_493 iter_args(%while3A_1225 = %while3A_486) -> (i32)  : i32 {
        %mul3A_1226 = arith.constant 16 : i32
        %mul3A_1227 = arith.muli %while3A_1224, %mul3A_1226 : i32
        %add3A_1228 = vector.broadcast %mul3A_1227 : i32 to vector<16xi32>
        %add3A_1229 = arith.addi %add3A_1228, %iota3A : vector<16xi32>
        %lt3A_1230 = arith.cmpi slt, %add3A_1229, %scan3A_459 : vector<16xi32>
        %get3A_1231 = arith.index_cast %mul3A_1227 : i32 to index
        %get3A_1232 = tpu.vector_load %arg9[%get3A_1231] {strides = array<i32>} : memref<16400xf32, #tpu.memory_space<vmem>>, vector<16xf32>,
        %bitcast3A_1233 = vector.bitcast %get3A_1232 : vector<16xf32> to vector<16xi32>
        %shift_right_logical3A_1234 = arith.constant 14 : i32
        %shift_right_logical3A_1235 = vector.broadcast %shift_right_logical3A_1234 : i32 to vector<16xi32>
        %shift_right_logical3A_1236 = arith.shrui %bitcast3A_1233, %shift_right_logical3A_1235 : vector<16xi32>
        %sub3A_1237 = arith.constant 63280 : i32
        %sub3A_1238 = vector.broadcast %sub3A_1237 : i32 to vector<16xi32>
        %sub3A_1239 = arith.subi %shift_right_logical3A_1236, %sub3A_1238 : vector<16xi32>
        tpu.vector_store_idx %arg11[%sub3A_1239], %broadcast_in_dim3A_5 masked %lt3A_1230 {add = true} : memref<1760xi32, #tpu.memory_space<vmem>>[vector<16xi32>], vector<16xi32>, vector<16xi1>
        %while3A_1240 = arith.constant 0 : i32
        scf.yield %while3A_1240 : i32
      }
      %while3A_495 = arith.constant 1 : i32
      %while3A_496 = scf.for %while3A_1224 = %while3A_492 to %while3A_488 step %while3A_495 iter_args(%while3A_1225 = %while3A_494) -> (i32)  : i32 {
        %mul3A_1226 = arith.constant 16 : i32
        %mul3A_1227 = arith.muli %while3A_1224, %mul3A_1226 : i32
        %add3A_1228 = vector.broadcast %mul3A_1227 : i32 to vector<16xi32>
        %add3A_1229 = arith.addi %add3A_1228, %iota3A : vector<16xi32>
        %lt3A_1230 = arith.cmpi slt, %add3A_1229, %scan3A_459 : vector<16xi32>
        %get3A_1231 = arith.index_cast %mul3A_1227 : i32 to index
        %get3A_1232 = tpu.vector_load %arg9[%get3A_1231] {strides = array<i32>} : memref<16400xf32, #tpu.memory_space<vmem>>, vector<16xf32>,
        %bitcast3A_1233 = vector.bitcast %get3A_1232 : vector<16xf32> to vector<16xi32>
        %shift_right_logical3A_1234 = arith.constant 14 : i32
        %shift_right_logical3A_1235 = vector.broadcast %shift_right_logical3A_1234 : i32 to vector<16xi32>
        %shift_right_logical3A_1236 = arith.shrui %bitcast3A_1233, %shift_right_logical3A_1235 : vector<16xi32>
        %sub3A_1237 = arith.constant 63280 : i32
        %sub3A_1238 = vector.broadcast %sub3A_1237 : i32 to vector<16xi32>
        %sub3A_1239 = arith.subi %shift_right_logical3A_1236, %sub3A_1238 : vector<16xi32>
        tpu.vector_store_idx %arg11[%sub3A_1239], %broadcast_in_dim3A_5 masked %lt3A_1230 {add = true} : memref<1760xi32, #tpu.memory_space<vmem>>[vector<16xi32>], vector<16xi32>, vector<16xi1>
        %while3A_1240 = arith.constant 0 : i32
        scf.yield %while3A_1240 : i32
      }
      %while3A_497 = arith.constant 109 : i32
      %while3A_498 = arith.constant 0 : i32
      %while3A_499 = arith.constant 0 : i32
      %while3A_500:3 = scf.while (%while3A_1224 = %while3A_497, %while3A_1225 = %while3A_498, %while3A_1226 = %while3A_499) : (i32, i32, i32) -> (i32, i32, i32) {
        %ge3A = arith.constant 0 : i32
        %ge3A_1227 = arith.cmpi sge, %while3A_1224, %ge3A : i32
        %lt3A_1228 = arith.constant 100 : i32
        %lt3A_1229 = arith.cmpi slt, %while3A_1225, %lt3A_1228 : i32
        %and3A_1230 = arith.andi %ge3A_1227, %lt3A_1229 : i1
        scf.condition(%and3A_1230) %while3A_1224, %while3A_1225, %while3A_1226 : i32, i32, i32
      } do {
      ^bb0(%while3A_1224: i32, %while3A_1225: i32, %while3A_1226: i32):
        %mul3A_1227 = arith.constant 16 : i32
        %mul3A_1228 = arith.muli %while3A_1224, %mul3A_1227 : i32
        %get3A_1229 = arith.index_cast %mul3A_1228 : i32 to index
        %get3A_1230 = tpu.vector_load %arg11[%get3A_1229] {strides = array<i32>} : memref<1760xi32, #tpu.memory_space<vmem>>, vector<16xi32>,
        %reduce_sum3A = arith.constant true
        %reduce_sum3A_1231 = vector.broadcast %reduce_sum3A : i1 to vector<16xi1>
        %reduce_sum3A_1232 = tpu.scan <sum>, %get3A_1230 masked %reduce_sum3A_1231 : vector<16xi32>, vector<16xi1> -> vector<16xi32>
        %reduce_sum3A_1233 = vector.extract %reduce_sum3A_1232[15] : i32 from vector<16xi32>
        %add3A_1234 = arith.addi %while3A_1225, %reduce_sum3A_1233 : i32
        %ge3A = arith.constant 100 : i32
        %ge3A_1235 = arith.cmpi sge, %add3A_1234, %ge3A : i32
        %convert_element_type3A_1236 = arith.extui %ge3A_1235 : i1 to i32
        %cond3A_1237 = arith.constant 0 : i32
        %cond3A_1238 = arith.cmpi ne, %convert_element_type3A_1236, %cond3A_1237 : i32
        %cond3A_1239 = scf.if %cond3A_1238 -> (i32) {
          %rev3A = arith.constant 15 : i32
          %rev3A_1243 = vector.broadcast %rev3A : i32 to vector<16xi32>
          %rev3A_1244 = tpu.iota {dimensions = array<i32: 0>} : vector<16xi32>
          %rev3A_1245 = arith.subi %rev3A_1243, %rev3A_1244 : vector<16xi32>
          %rev3A_1246 = tpu.dynamic_gather %get3A_1230[%rev3A_1245] in [0] : vector<16xi32>, vector<16xi32> -> vector<16xi32>
          %broadcast_in_dim3A_1247 = arith.constant true
          %broadcast_in_dim3A_1248 = vector.broadcast %broadcast_in_dim3A_1247 : i1 to vector<16xi1>
          %masked_cumsum3A = tpu.scan <sum>, %rev3A_1246 masked %broadcast_in_dim3A_1248 : vector<16xi32>, vector<16xi1> -> vector<16xi32>
          %rev3A_1249 = arith.constant 15 : i32
          %rev3A_1250 = vector.broadcast %rev3A_1249 : i32 to vector<16xi32>
          %rev3A_1251 = tpu.iota {dimensions = array<i32: 0>} : vector<16xi32>
          %rev3A_1252 = arith.subi %rev3A_1250, %rev3A_1251 : vector<16xi32>
          %rev3A_1253 = tpu.dynamic_gather %masked_cumsum3A[%rev3A_1252] in [0] : vector<16xi32>, vector<16xi32> -> vector<16xi32>
          %add3A_1254 = vector.broadcast %while3A_1225 : i32 to vector<16xi32>
          %add3A_1255 = arith.addi %add3A_1254, %rev3A_1253 : vector<16xi32>
          %sub3A_1256 = arith.subi %add3A_1255, %get3A_1230 : vector<16xi32>
          %lt3A_1257 = arith.constant 100 : i32
          %lt3A_1258 = vector.broadcast %lt3A_1257 : i32 to vector<16xi32>
          %lt3A_1259 = arith.cmpi slt, %sub3A_1256, %lt3A_1258 : vector<16xi32>
          %add3A_1260 = arith.addi %sub3A_1256, %get3A_1230 : vector<16xi32>
          %ge3A_1261 = arith.constant 100 : i32
          %ge3A_1262 = vector.broadcast %ge3A_1261 : i32 to vector<16xi32>
          %ge3A_1263 = arith.cmpi sge, %add3A_1260, %ge3A_1262 : vector<16xi32>
          %and3A_1264 = arith.andi %lt3A_1259, %ge3A_1263 : vector<16xi1>
          %select_n3A_1265 = arith.select %and3A_1264, %iota3A, %broadcast_in_dim3A_3 : vector<16xi1>, vector<16xi32>
          %reduce_max3A_1266 = arith.constant true
          %reduce_max3A_1267 = vector.broadcast %reduce_max3A_1266 : i1 to vector<16xi1>
          %reduce_max3A_1268 = arith.constant -2147483648 : i32
          %reduce_max3A_1269 = vector.broadcast %reduce_max3A_1268 : i32 to vector<16xi32>
          %reduce_max3A_1270 = arith.xori %select_n3A_1265, %reduce_max3A_1269 : vector<16xi32>
          %reduce_max3A_1271 = tpu.scan <max>, %reduce_max3A_1270 masked %reduce_max3A_1267 : vector<16xi32>, vector<16xi1> -> vector<16xi32>
          %reduce_max3A_1272 = arith.xori %reduce_max3A_1271, %reduce_max3A_1269 : vector<16xi32>
          %reduce_max3A_1273 = vector.extract %reduce_max3A_1272[15] : i32 from vector<16xi32>
          %mul3A_1274 = arith.constant 16 : i32
          %mul3A_1275 = arith.muli %while3A_1224, %mul3A_1274 : i32
          %add3A_1276 = arith.constant 63280 : i32
          %add3A_1277 = arith.addi %add3A_1276, %mul3A_1275 : i32
          %add3A_1278 = arith.addi %add3A_1277, %reduce_max3A_1273 : i32
          %shift_left3A = arith.constant 14 : i32
          %shift_left3A_1279 = arith.shli %add3A_1278, %shift_left3A : i32
          scf.yield %shift_left3A_1279 : i32
        } else {
          scf.yield %while3A_1226 : i32
        }
        %sub3A_1240 = arith.constant 1 : i32
        %sub3A_1241 = arith.subi %while3A_1224, %sub3A_1240 : i32
        %add3A_1242 = arith.addi %while3A_1225, %reduce_sum3A_1233 : i32
        scf.yield %sub3A_1241, %add3A_1242, %cond3A_1239 : i32, i32, i32
      }
      %broadcast_in_dim3A_501 = vector.broadcast %while3A_500#2 : i32 to vector<16xi32>
      %bitcast3A = vector.bitcast %broadcast_in_dim3A_501 : vector<16xi32> to vector<16xf32>
      %add3A_502 = arith.constant 15 : i32
      %add3A_503 = arith.addi %reduce_max3A_467, %add3A_502 : i32
      %jit3A_504 = arith.constant 16 : i32
      %div3A_505 = arith.divsi %add3A_503, %jit3A_504 : i32
      %sign3A_506 = arith.constant 0 : i32
      %sign3A_507 = arith.cmpi sgt, %add3A_503, %sign3A_506 : i32
      %sign3A_508 = arith.extui %sign3A_507 : i1 to i32
      %sign3A_509 = arith.constant 0 : i32
      %sign3A_510 = arith.cmpi slt, %add3A_503, %sign3A_509 : i32
      %sign3A_511 = arith.extui %sign3A_510 : i1 to i32
      %sign3A_512 = arith.subi %sign3A_508, %sign3A_511 : i32
      %sign3A_513 = arith.constant 0 : i32
      %sign3A_514 = arith.cmpi sgt, %jit3A_504, %sign3A_513 : i32
      %sign3A_515 = arith.extui %sign3A_514 : i1 to i32
      %sign3A_516 = arith.constant 0 : i32
      %sign3A_517 = arith.cmpi slt, %jit3A_504, %sign3A_516 : i32
      %sign3A_518 = arith.extui %sign3A_517 : i1 to i32
      %sign3A_519 = arith.subi %sign3A_515, %sign3A_518 : i32
      %ne3A_520 = arith.cmpi ne, %sign3A_512, %sign3A_519 : i32
      %rem3A_521 = arith.remsi %add3A_503, %jit3A_504 : i32
      %ne3A_522 = arith.constant 0 : i32
      %ne3A_523 = arith.cmpi ne, %rem3A_521, %ne3A_522 : i32
      %and3A_524 = arith.andi %ne3A_520, %ne3A_523 : i1
      %sub3A_525 = arith.constant 1 : i32
      %sub3A_526 = arith.subi %div3A_505, %sub3A_525 : i32
      %select_n3A_527 = arith.select %and3A_524, %sub3A_526, %div3A_505 : i32
      %while3A_528 = arith.constant 0 : i32
      %while3A_529 = arith.subi %select_n3A_527, %while3A_528 : i32
      %while3A_530 = arith.addi %while3A_528, %while3A_529 : i32
      %while3A_531 = arith.constant 1 : i32
      %while3A_532 = arith.divsi %while3A_529, %while3A_531 : i32
      %while3A_533 = arith.muli %while3A_532, %while3A_531 : i32
      %while3A_534 = arith.addi %while3A_528, %while3A_533 : i32
      %while3A_535 = arith.constant 1 : i32
      %while3A_536 = scf.for %while3A_1224 = %while3A_528 to %while3A_534 step %while3A_535 iter_args(%while3A_1225 = %broadcast_in_dim3A_3) -> (vector<16xi32>)  : i32 {
        %mul3A_1226 = arith.constant 16 : i32
        %mul3A_1227 = arith.muli %while3A_1224, %mul3A_1226 : i32
        %add3A_1228 = vector.broadcast %mul3A_1227 : i32 to vector<16xi32>
        %add3A_1229 = arith.addi %add3A_1228, %iota3A : vector<16xi32>
        %lt3A_1230 = arith.cmpi slt, %add3A_1229, %scan3A_459 : vector<16xi32>
        %get3A_1231 = arith.index_cast %mul3A_1227 : i32 to index
        %get3A_1232 = tpu.vector_load %arg9[%get3A_1231] {strides = array<i32>} : memref<16400xf32, #tpu.memory_space<vmem>>, vector<16xf32>,
        %get3A_1233 = arith.index_cast %mul3A_1227 : i32 to index
        %get3A_1234 = tpu.vector_load %arg10[%get3A_1233] {strides = array<i32>} : memref<16400xi32, #tpu.memory_space<vmem>>, vector<16xi32>,
        %ge3A = arith.cmpf oge, %get3A_1232, %bitcast3A : vector<16xf32>
        %and3A_1235 = arith.andi %lt3A_1230, %ge3A : vector<16xi1>
        %select_n3A_1236 = arith.select %and3A_1235, %broadcast_in_dim3A_5, %broadcast_in_dim3A_3 : vector<16xi1>, vector<16xi32>
        %broadcast_in_dim3A_1237 = arith.constant true
        %broadcast_in_dim3A_1238 = vector.broadcast %broadcast_in_dim3A_1237 : i1 to vector<16xi1>
        %masked_cumsum3A = tpu.scan <sum>, %select_n3A_1236 masked %broadcast_in_dim3A_1238 : vector<16xi32>, vector<16xi1> -> vector<16xi32>
        %add3A_1239 = arith.addi %while3A_1225, %masked_cumsum3A : vector<16xi32>
        %sub3A_1240 = arith.constant 1 : i32
        %sub3A_1241 = vector.broadcast %sub3A_1240 : i32 to vector<16xi32>
        %sub3A_1242 = arith.subi %add3A_1239, %sub3A_1241 : vector<16xi32>
        %lt3A_1243 = arith.constant 272 : i32
        %lt3A_1244 = vector.broadcast %lt3A_1243 : i32 to vector<16xi32>
        %lt3A_1245 = arith.cmpi slt, %sub3A_1242, %lt3A_1244 : vector<16xi32>
        %and3A_1246 = arith.andi %and3A_1235, %lt3A_1245 : vector<16xi1>
        tpu.vector_store_idx %arg12[%sub3A_1242], %get3A_1232 masked %and3A_1246 : memref<288xf32, #tpu.memory_space<vmem>>[vector<16xi32>], vector<16xf32>, vector<16xi1>
        tpu.vector_store_idx %arg13[%sub3A_1242], %get3A_1234 masked %and3A_1246 : memref<288xi32, #tpu.memory_space<vmem>>[vector<16xi32>], vector<16xi32>, vector<16xi1>
        %all_reduce_population_count3A = tpu.all_reduce %and3A_1246 {dim = 0 : i64, kind = #tpu.reduction_kind<sum>} : vector<16xi1> -> vector<16xi32>
        %add3A_1247 = arith.addi %while3A_1225, %all_reduce_population_count3A : vector<16xi32>
        scf.yield %add3A_1247 : vector<16xi32>
      }
      %while3A_537 = arith.constant 1 : i32
      %while3A_538 = scf.for %while3A_1224 = %while3A_534 to %while3A_530 step %while3A_537 iter_args(%while3A_1225 = %while3A_536) -> (vector<16xi32>)  : i32 {
        %mul3A_1226 = arith.constant 16 : i32
        %mul3A_1227 = arith.muli %while3A_1224, %mul3A_1226 : i32
        %add3A_1228 = vector.broadcast %mul3A_1227 : i32 to vector<16xi32>
        %add3A_1229 = arith.addi %add3A_1228, %iota3A : vector<16xi32>
        %lt3A_1230 = arith.cmpi slt, %add3A_1229, %scan3A_459 : vector<16xi32>
        %get3A_1231 = arith.index_cast %mul3A_1227 : i32 to index
        %get3A_1232 = tpu.vector_load %arg9[%get3A_1231] {strides = array<i32>} : memref<16400xf32, #tpu.memory_space<vmem>>, vector<16xf32>,
        %get3A_1233 = arith.index_cast %mul3A_1227 : i32 to index
        %get3A_1234 = tpu.vector_load %arg10[%get3A_1233] {strides = array<i32>} : memref<16400xi32, #tpu.memory_space<vmem>>, vector<16xi32>,
        %ge3A = arith.cmpf oge, %get3A_1232, %bitcast3A : vector<16xf32>
        %and3A_1235 = arith.andi %lt3A_1230, %ge3A : vector<16xi1>
        %select_n3A_1236 = arith.select %and3A_1235, %broadcast_in_dim3A_5, %broadcast_in_dim3A_3 : vector<16xi1>, vector<16xi32>
        %broadcast_in_dim3A_1237 = arith.constant true
        %broadcast_in_dim3A_1238 = vector.broadcast %broadcast_in_dim3A_1237 : i1 to vector<16xi1>
        %masked_cumsum3A = tpu.scan <sum>, %select_n3A_1236 masked %broadcast_in_dim3A_1238 : vector<16xi32>, vector<16xi1> -> vector<16xi32>
        %add3A_1239 = arith.addi %while3A_1225, %masked_cumsum3A : vector<16xi32>
        %sub3A_1240 = arith.constant 1 : i32
        %sub3A_1241 = vector.broadcast %sub3A_1240 : i32 to vector<16xi32>
        %sub3A_1242 = arith.subi %add3A_1239, %sub3A_1241 : vector<16xi32>
        %lt3A_1243 = arith.constant 272 : i32
        %lt3A_1244 = vector.broadcast %lt3A_1243 : i32 to vector<16xi32>
        %lt3A_1245 = arith.cmpi slt, %sub3A_1242, %lt3A_1244 : vector<16xi32>
        %and3A_1246 = arith.andi %and3A_1235, %lt3A_1245 : vector<16xi1>
        tpu.vector_store_idx %arg12[%sub3A_1242], %get3A_1232 masked %and3A_1246 : memref<288xf32, #tpu.memory_space<vmem>>[vector<16xi32>], vector<16xf32>, vector<16xi1>
        tpu.vector_store_idx %arg13[%sub3A_1242], %get3A_1234 masked %and3A_1246 : memref<288xi32, #tpu.memory_space<vmem>>[vector<16xi32>], vector<16xi32>, vector<16xi1>
        %all_reduce_population_count3A = tpu.all_reduce %and3A_1246 {dim = 0 : i64, kind = #tpu.reduction_kind<sum>} : vector<16xi1> -> vector<16xi32>
        %add3A_1247 = arith.addi %while3A_1225, %all_reduce_population_count3A : vector<16xi32>
        scf.yield %add3A_1247 : vector<16xi32>
      }
      %reduce_max3A_539 = arith.constant true
      %reduce_max3A_540 = vector.broadcast %reduce_max3A_539 : i1 to vector<16xi1>
      %reduce_max3A_541 = arith.constant -2147483648 : i32
      %reduce_max3A_542 = vector.broadcast %reduce_max3A_541 : i32 to vector<16xi32>
      %reduce_max3A_543 = arith.xori %while3A_538, %reduce_max3A_542 : vector<16xi32>
      %reduce_max3A_544 = tpu.scan <max>, %reduce_max3A_543 masked %reduce_max3A_540 : vector<16xi32>, vector<16xi1> -> vector<16xi32>
      %reduce_max3A_545 = arith.xori %reduce_max3A_544, %reduce_max3A_542 : vector<16xi32>
      %reduce_max3A_546 = vector.extract %reduce_max3A_545[15] : i32 from vector<16xi32>
      %add3A_547 = arith.constant 15 : i32
      %add3A_548 = arith.addi %reduce_max3A_546, %add3A_547 : i32
      %jit3A_549 = arith.constant 16 : i32
      %div3A_550 = arith.divsi %add3A_548, %jit3A_549 : i32
      %sign3A_551 = arith.constant 0 : i32
      %sign3A_552 = arith.cmpi sgt, %add3A_548, %sign3A_551 : i32
      %sign3A_553 = arith.extui %sign3A_552 : i1 to i32
      %sign3A_554 = arith.constant 0 : i32
      %sign3A_555 = arith.cmpi slt, %add3A_548, %sign3A_554 : i32
      %sign3A_556 = arith.extui %sign3A_555 : i1 to i32
      %sign3A_557 = arith.subi %sign3A_553, %sign3A_556 : i32
      %sign3A_558 = arith.constant 0 : i32
      %sign3A_559 = arith.cmpi sgt, %jit3A_549, %sign3A_558 : i32
      %sign3A_560 = arith.extui %sign3A_559 : i1 to i32
      %sign3A_561 = arith.constant 0 : i32
      %sign3A_562 = arith.cmpi slt, %jit3A_549, %sign3A_561 : i32
      %sign3A_563 = arith.extui %sign3A_562 : i1 to i32
      %sign3A_564 = arith.subi %sign3A_560, %sign3A_563 : i32
      %ne3A_565 = arith.cmpi ne, %sign3A_557, %sign3A_564 : i32
      %rem3A_566 = arith.remsi %add3A_548, %jit3A_549 : i32
      %ne3A_567 = arith.constant 0 : i32
      %ne3A_568 = arith.cmpi ne, %rem3A_566, %ne3A_567 : i32
      %and3A_569 = arith.andi %ne3A_565, %ne3A_568 : i1
      %sub3A_570 = arith.constant 1 : i32
      %sub3A_571 = arith.subi %div3A_550, %sub3A_570 : i32
      %select_n3A_572 = arith.select %and3A_569, %sub3A_571, %div3A_550 : i32
      %broadcast_in_dim3A_573 = arith.constant 100 : i32
      %broadcast_in_dim3A_574 = vector.broadcast %broadcast_in_dim3A_573 : i32 to vector<16xi32>
      %min3A = arith.minsi %while3A_538, %broadcast_in_dim3A_574 : vector<16xi32>
      %eq3A = arith.constant 0 : i32
      %eq3A_575 = vector.broadcast %eq3A : i32 to vector<16xi32>
      %eq3A_576 = arith.cmpi eq, %iota3A, %eq3A_575 : vector<16xi32>
      %while3A_577 = arith.constant 0 : i32
      %while3A_578 = arith.constant 0 : i32
      %while3A_579 = arith.subi %reduce_max3A_546, %while3A_577 : i32
      %while3A_580 = arith.addi %while3A_577, %while3A_579 : i32
      %while3A_581 = arith.constant 1 : i32
      %while3A_582 = arith.divsi %while3A_579, %while3A_581 : i32
      %while3A_583 = arith.muli %while3A_582, %while3A_581 : i32
      %while3A_584 = arith.addi %while3A_577, %while3A_583 : i32
      %while3A_585 = arith.constant 1 : i32
      %while3A_586 = scf.for %while3A_1224 = %while3A_577 to %while3A_584 step %while3A_585 iter_args(%while3A_1225 = %while3A_578) -> (i32)  : i32 {
        %broadcast_in_dim3A_1226 = vector.broadcast %while3A_1224 : i32 to vector<16xi32>
        %gather3A_1227 = tpu.vector_load_idx %arg12[%broadcast_in_dim3A_1226] : memref<288xf32, #tpu.memory_space<vmem>>[vector<16xi32>], vector<16xf32>,
        %gather3A_1228 = tpu.vector_load_idx %arg13[%broadcast_in_dim3A_1226] : memref<288xi32, #tpu.memory_space<vmem>>[vector<16xi32>], vector<16xi32>,
        %while3A_1229 = arith.constant 0 : i32
        %while3A_1230 = arith.subi %select_n3A_572, %while3A_1229 : i32
        %while3A_1231 = arith.addi %while3A_1229, %while3A_1230 : i32
        %while3A_1232 = arith.constant 1 : i32
        %while3A_1233 = arith.divsi %while3A_1230, %while3A_1232 : i32
        %while3A_1234 = arith.muli %while3A_1233, %while3A_1232 : i32
        %while3A_1235 = arith.addi %while3A_1229, %while3A_1234 : i32
        %while3A_1236 = arith.constant 1 : i32
        %while3A_1237 = scf.for %while3A_1245 = %while3A_1229 to %while3A_1235 step %while3A_1236 iter_args(%while3A_1246 = %broadcast_in_dim3A_3) -> (vector<16xi32>)  : i32 {
          %mul3A_1247 = arith.constant 16 : i32
          %mul3A_1248 = arith.muli %while3A_1245, %mul3A_1247 : i32
          %get3A_1249 = arith.index_cast %mul3A_1248 : i32 to index
          %get3A_1250 = tpu.vector_load %arg12[%get3A_1249] {strides = array<i32>} : memref<288xf32, #tpu.memory_space<vmem>>, vector<16xf32>,
          %mul3A_1251 = arith.constant 16 : i32
          %mul3A_1252 = arith.muli %while3A_1245, %mul3A_1251 : i32
          %get3A_1253 = arith.index_cast %mul3A_1252 : i32 to index
          %get3A_1254 = tpu.vector_load %arg13[%get3A_1253] {strides = array<i32>} : memref<288xi32, #tpu.memory_space<vmem>>, vector<16xi32>,
          %gt3A = arith.cmpf ogt, %get3A_1250, %gather3A_1227 : vector<16xf32>
          %eq3A_1255 = arith.cmpf oeq, %get3A_1250, %gather3A_1227 : vector<16xf32>
          %lt3A_1256 = arith.cmpi slt, %get3A_1254, %gather3A_1228 : vector<16xi32>
          %and3A_1257 = arith.andi %eq3A_1255, %lt3A_1256 : vector<16xi1>
          %or3A = arith.ori %gt3A, %and3A_1257 : vector<16xi1>
          %all_reduce_population_count3A = tpu.all_reduce %or3A {dim = 0 : i64, kind = #tpu.reduction_kind<sum>} : vector<16xi1> -> vector<16xi32>
          %add3A_1258 = arith.addi %while3A_1246, %all_reduce_population_count3A : vector<16xi32>
          scf.yield %add3A_1258 : vector<16xi32>
        }
        %while3A_1238 = arith.constant 1 : i32
        %while3A_1239 = scf.for %while3A_1245 = %while3A_1235 to %while3A_1231 step %while3A_1238 iter_args(%while3A_1246 = %while3A_1237) -> (vector<16xi32>)  : i32 {
          %mul3A_1247 = arith.constant 16 : i32
          %mul3A_1248 = arith.muli %while3A_1245, %mul3A_1247 : i32
          %get3A_1249 = arith.index_cast %mul3A_1248 : i32 to index
          %get3A_1250 = tpu.vector_load %arg12[%get3A_1249] {strides = array<i32>} : memref<288xf32, #tpu.memory_space<vmem>>, vector<16xf32>,
          %mul3A_1251 = arith.constant 16 : i32
          %mul3A_1252 = arith.muli %while3A_1245, %mul3A_1251 : i32
          %get3A_1253 = arith.index_cast %mul3A_1252 : i32 to index
          %get3A_1254 = tpu.vector_load %arg13[%get3A_1253] {strides = array<i32>} : memref<288xi32, #tpu.memory_space<vmem>>, vector<16xi32>,
          %gt3A = arith.cmpf ogt, %get3A_1250, %gather3A_1227 : vector<16xf32>
          %eq3A_1255 = arith.cmpf oeq, %get3A_1250, %gather3A_1227 : vector<16xf32>
          %lt3A_1256 = arith.cmpi slt, %get3A_1254, %gather3A_1228 : vector<16xi32>
          %and3A_1257 = arith.andi %eq3A_1255, %lt3A_1256 : vector<16xi1>
          %or3A = arith.ori %gt3A, %and3A_1257 : vector<16xi1>
          %all_reduce_population_count3A = tpu.all_reduce %or3A {dim = 0 : i64, kind = #tpu.reduction_kind<sum>} : vector<16xi1> -> vector<16xi32>
          %add3A_1258 = arith.addi %while3A_1246, %all_reduce_population_count3A : vector<16xi32>
          scf.yield %add3A_1258 : vector<16xi32>
        }
        %lt3A_1240 = arith.constant 100 : i32
        %lt3A_1241 = vector.broadcast %lt3A_1240 : i32 to vector<16xi32>
        %lt3A_1242 = arith.cmpi slt, %while3A_1239, %lt3A_1241 : vector<16xi32>
        %and3A_1243 = arith.andi %eq3A_576, %lt3A_1242 : vector<16xi1>
        tpu.vector_store_idx %arg14[%while3A_1239], %gather3A_1227 masked %and3A_1243 : memref<112xf32, #tpu.memory_space<vmem>>[vector<16xi32>], vector<16xf32>, vector<16xi1>
        tpu.vector_store_idx %arg15[%while3A_1239], %gather3A_1228 masked %and3A_1243 : memref<112xi32, #tpu.memory_space<vmem>>[vector<16xi32>], vector<16xi32>, vector<16xi1>
        %while3A_1244 = arith.constant 0 : i32
        scf.yield %while3A_1244 : i32
      }
      %while3A_587 = arith.constant 1 : i32
      %while3A_588 = scf.for %while3A_1224 = %while3A_584 to %while3A_580 step %while3A_587 iter_args(%while3A_1225 = %while3A_586) -> (i32)  : i32 {
        %broadcast_in_dim3A_1226 = vector.broadcast %while3A_1224 : i32 to vector<16xi32>
        %gather3A_1227 = tpu.vector_load_idx %arg12[%broadcast_in_dim3A_1226] : memref<288xf32, #tpu.memory_space<vmem>>[vector<16xi32>], vector<16xf32>,
        %gather3A_1228 = tpu.vector_load_idx %arg13[%broadcast_in_dim3A_1226] : memref<288xi32, #tpu.memory_space<vmem>>[vector<16xi32>], vector<16xi32>,
        %while3A_1229 = arith.constant 0 : i32
        %while3A_1230 = arith.subi %select_n3A_572, %while3A_1229 : i32
        %while3A_1231 = arith.addi %while3A_1229, %while3A_1230 : i32
        %while3A_1232 = arith.constant 1 : i32
        %while3A_1233 = arith.divsi %while3A_1230, %while3A_1232 : i32
        %while3A_1234 = arith.muli %while3A_1233, %while3A_1232 : i32
        %while3A_1235 = arith.addi %while3A_1229, %while3A_1234 : i32
        %while3A_1236 = arith.constant 1 : i32
        %while3A_1237 = scf.for %while3A_1245 = %while3A_1229 to %while3A_1235 step %while3A_1236 iter_args(%while3A_1246 = %broadcast_in_dim3A_3) -> (vector<16xi32>)  : i32 {
          %mul3A_1247 = arith.constant 16 : i32
          %mul3A_1248 = arith.muli %while3A_1245, %mul3A_1247 : i32
          %get3A_1249 = arith.index_cast %mul3A_1248 : i32 to index
          %get3A_1250 = tpu.vector_load %arg12[%get3A_1249] {strides = array<i32>} : memref<288xf32, #tpu.memory_space<vmem>>, vector<16xf32>,
          %mul3A_1251 = arith.constant 16 : i32
          %mul3A_1252 = arith.muli %while3A_1245, %mul3A_1251 : i32
          %get3A_1253 = arith.index_cast %mul3A_1252 : i32 to index
          %get3A_1254 = tpu.vector_load %arg13[%get3A_1253] {strides = array<i32>} : memref<288xi32, #tpu.memory_space<vmem>>, vector<16xi32>,
          %gt3A = arith.cmpf ogt, %get3A_1250, %gather3A_1227 : vector<16xf32>
          %eq3A_1255 = arith.cmpf oeq, %get3A_1250, %gather3A_1227 : vector<16xf32>
          %lt3A_1256 = arith.cmpi slt, %get3A_1254, %gather3A_1228 : vector<16xi32>
          %and3A_1257 = arith.andi %eq3A_1255, %lt3A_1256 : vector<16xi1>
          %or3A = arith.ori %gt3A, %and3A_1257 : vector<16xi1>
          %all_reduce_population_count3A = tpu.all_reduce %or3A {dim = 0 : i64, kind = #tpu.reduction_kind<sum>} : vector<16xi1> -> vector<16xi32>
          %add3A_1258 = arith.addi %while3A_1246, %all_reduce_population_count3A : vector<16xi32>
          scf.yield %add3A_1258 : vector<16xi32>
        }
        %while3A_1238 = arith.constant 1 : i32
        %while3A_1239 = scf.for %while3A_1245 = %while3A_1235 to %while3A_1231 step %while3A_1238 iter_args(%while3A_1246 = %while3A_1237) -> (vector<16xi32>)  : i32 {
          %mul3A_1247 = arith.constant 16 : i32
          %mul3A_1248 = arith.muli %while3A_1245, %mul3A_1247 : i32
          %get3A_1249 = arith.index_cast %mul3A_1248 : i32 to index
          %get3A_1250 = tpu.vector_load %arg12[%get3A_1249] {strides = array<i32>} : memref<288xf32, #tpu.memory_space<vmem>>, vector<16xf32>,
          %mul3A_1251 = arith.constant 16 : i32
          %mul3A_1252 = arith.muli %while3A_1245, %mul3A_1251 : i32
          %get3A_1253 = arith.index_cast %mul3A_1252 : i32 to index
          %get3A_1254 = tpu.vector_load %arg13[%get3A_1253] {strides = array<i32>} : memref<288xi32, #tpu.memory_space<vmem>>, vector<16xi32>,
          %gt3A = arith.cmpf ogt, %get3A_1250, %gather3A_1227 : vector<16xf32>
          %eq3A_1255 = arith.cmpf oeq, %get3A_1250, %gather3A_1227 : vector<16xf32>
          %lt3A_1256 = arith.cmpi slt, %get3A_1254, %gather3A_1228 : vector<16xi32>
          %and3A_1257 = arith.andi %eq3A_1255, %lt3A_1256 : vector<16xi1>
          %or3A = arith.ori %gt3A, %and3A_1257 : vector<16xi1>
          %all_reduce_population_count3A = tpu.all_reduce %or3A {dim = 0 : i64, kind = #tpu.reduction_kind<sum>} : vector<16xi1> -> vector<16xi32>
          %add3A_1258 = arith.addi %while3A_1246, %all_reduce_population_count3A : vector<16xi32>
          scf.yield %add3A_1258 : vector<16xi32>
        }
        %lt3A_1240 = arith.constant 100 : i32
        %lt3A_1241 = vector.broadcast %lt3A_1240 : i32 to vector<16xi32>
        %lt3A_1242 = arith.cmpi slt, %while3A_1239, %lt3A_1241 : vector<16xi32>
        %and3A_1243 = arith.andi %eq3A_576, %lt3A_1242 : vector<16xi1>
        tpu.vector_store_idx %arg14[%while3A_1239], %gather3A_1227 masked %and3A_1243 : memref<112xf32, #tpu.memory_space<vmem>>[vector<16xi32>], vector<16xf32>, vector<16xi1>
        tpu.vector_store_idx %arg15[%while3A_1239], %gather3A_1228 masked %and3A_1243 : memref<112xi32, #tpu.memory_space<vmem>>[vector<16xi32>], vector<16xi32>, vector<16xi1>
        %while3A_1244 = arith.constant 0 : i32
        scf.yield %while3A_1244 : i32
      }
      %mul3A_589 = arith.constant 2 : i32
      %mul3A_590 = arith.muli %add3A, %mul3A_589 : i32
      %mul3A_591 = arith.constant 16384 : i32
      %mul3A_592 = arith.muli %mul3A_590, %mul3A_591 : i32
      %get3A = arith.constant 0 : index
      %get3A_593 = tpu.vector_load %arg15[%get3A] {strides = array<i32>} : memref<112xi32, #tpu.memory_space<vmem>>, vector<16xi32>,
      %add3A_594 = vector.broadcast %mul3A_592 : i32 to vector<16xi32>
      %add3A_595 = arith.addi %get3A_593, %add3A_594 : vector<16xi32>
      %swap3A_596 = arith.constant 0 : index
      %swap3A_597 = tpu.vector_load %arg16[%swap3A_596] {strides = array<i32>} : memref<112xi32, #tpu.memory_space<vmem>>, vector<16xi32>,
      tpu.vector_store %arg16[%swap3A_596], %add3A_595 {strides = array<i32>} : memref<112xi32, #tpu.memory_space<vmem>>, vector<16xi32>,
      %add3A_598 = arith.constant 16384 : i32
      %add3A_599 = arith.addi %mul3A_592, %add3A_598 : i32
      %add3A_600 = vector.broadcast %add3A_599 : i32 to vector<16xi32>
      %add3A_601 = arith.addi %get3A_593, %add3A_600 : vector<16xi32>
      %swap3A_602 = arith.constant 0 : index
      %swap3A_603 = tpu.vector_load %arg17[%swap3A_602] {strides = array<i32>} : memref<112xi32, #tpu.memory_space<vmem>>, vector<16xi32>,
      tpu.vector_store %arg17[%swap3A_602], %add3A_601 {strides = array<i32>} : memref<112xi32, #tpu.memory_space<vmem>>, vector<16xi32>,
      %add3A_604 = vector.broadcast %mul3A_592 : i32 to vector<16xi32>
      %add3A_605 = arith.addi %get3A_593, %add3A_604 : vector<16xi32>
      %swap3A_606 = arith.constant 0 : index
      %swap3A_607 = tpu.vector_load %arg18[%swap3A_606] {strides = array<i32>} : memref<112xi32, #tpu.memory_space<vmem>>, vector<16xi32>,
      tpu.vector_store %arg18[%swap3A_606], %add3A_605 {strides = array<i32>} : memref<112xi32, #tpu.memory_space<vmem>>, vector<16xi32>,
      %add3A_608 = arith.constant 16384 : i32
      %add3A_609 = arith.addi %mul3A_592, %add3A_608 : i32
      %add3A_610 = vector.broadcast %add3A_609 : i32 to vector<16xi32>
      %add3A_611 = arith.addi %get3A_593, %add3A_610 : vector<16xi32>
      %swap3A_612 = arith.constant 0 : index
      %swap3A_613 = tpu.vector_load %arg19[%swap3A_612] {strides = array<i32>} : memref<112xi32, #tpu.memory_space<vmem>>, vector<16xi32>,
      tpu.vector_store %arg19[%swap3A_612], %add3A_611 {strides = array<i32>} : memref<112xi32, #tpu.memory_space<vmem>>, vector<16xi32>,
      %get3A_614 = arith.constant 16 : index
      %get3A_615 = tpu.vector_load %arg15[%get3A_614] {strides = array<i32>} : memref<112xi32, #tpu.memory_space<vmem>>, vector<16xi32>,
      %add3A_616 = vector.broadcast %mul3A_592 : i32 to vector<16xi32>
      %add3A_617 = arith.addi %get3A_615, %add3A_616 : vector<16xi32>
      %swap3A_618 = arith.constant 16 : index
      %swap3A_619 = tpu.vector_load %arg16[%swap3A_618] {strides = array<i32>} : memref<112xi32, #tpu.memory_space<vmem>>, vector<16xi32>,
      tpu.vector_store %arg16[%swap3A_618], %add3A_617 {strides = array<i32>} : memref<112xi32, #tpu.memory_space<vmem>>, vector<16xi32>,
      %add3A_620 = arith.constant 16384 : i32
      %add3A_621 = arith.addi %mul3A_592, %add3A_620 : i32
      %add3A_622 = vector.broadcast %add3A_621 : i32 to vector<16xi32>
      %add3A_623 = arith.addi %get3A_615, %add3A_622 : vector<16xi32>
      %swap3A_624 = arith.constant 16 : index
      %swap3A_625 = tpu.vector_load %arg17[%swap3A_624] {strides = array<i32>} : memref<112xi32, #tpu.memory_space<vmem>>, vector<16xi32>,
      tpu.vector_store %arg17[%swap3A_624], %add3A_623 {strides = array<i32>} : memref<112xi32, #tpu.memory_space<vmem>>, vector<16xi32>,
      %add3A_626 = vector.broadcast %mul3A_592 : i32 to vector<16xi32>
      %add3A_627 = arith.addi %get3A_615, %add3A_626 : vector<16xi32>
      %swap3A_628 = arith.constant 16 : index
      %swap3A_629 = tpu.vector_load %arg18[%swap3A_628] {strides = array<i32>} : memref<112xi32, #tpu.memory_space<vmem>>, vector<16xi32>,
      tpu.vector_store %arg18[%swap3A_628], %add3A_627 {strides = array<i32>} : memref<112xi32, #tpu.memory_space<vmem>>, vector<16xi32>,
      %add3A_630 = arith.constant 16384 : i32
      %add3A_631 = arith.addi %mul3A_592, %add3A_630 : i32
      %add3A_632 = vector.broadcast %add3A_631 : i32 to vector<16xi32>
      %add3A_633 = arith.addi %get3A_615, %add3A_632 : vector<16xi32>
      %swap3A_634 = arith.constant 16 : index
      %swap3A_635 = tpu.vector_load %arg19[%swap3A_634] {strides = array<i32>} : memref<112xi32, #tpu.memory_space<vmem>>, vector<16xi32>,
      tpu.vector_store %arg19[%swap3A_634], %add3A_633 {strides = array<i32>} : memref<112xi32, #tpu.memory_space<vmem>>, vector<16xi32>,
      %get3A_636 = arith.constant 32 : index
      %get3A_637 = tpu.vector_load %arg15[%get3A_636] {strides = array<i32>} : memref<112xi32, #tpu.memory_space<vmem>>, vector<16xi32>,
      %add3A_638 = vector.broadcast %mul3A_592 : i32 to vector<16xi32>
      %add3A_639 = arith.addi %get3A_637, %add3A_638 : vector<16xi32>
      %swap3A_640 = arith.constant 32 : index
      %swap3A_641 = tpu.vector_load %arg16[%swap3A_640] {strides = array<i32>} : memref<112xi32, #tpu.memory_space<vmem>>, vector<16xi32>,
      tpu.vector_store %arg16[%swap3A_640], %add3A_639 {strides = array<i32>} : memref<112xi32, #tpu.memory_space<vmem>>, vector<16xi32>,
      %add3A_642 = arith.constant 16384 : i32
      %add3A_643 = arith.addi %mul3A_592, %add3A_642 : i32
      %add3A_644 = vector.broadcast %add3A_643 : i32 to vector<16xi32>
      %add3A_645 = arith.addi %get3A_637, %add3A_644 : vector<16xi32>
      %swap3A_646 = arith.constant 32 : index
      %swap3A_647 = tpu.vector_load %arg17[%swap3A_646] {strides = array<i32>} : memref<112xi32, #tpu.memory_space<vmem>>, vector<16xi32>,
      tpu.vector_store %arg17[%swap3A_646], %add3A_645 {strides = array<i32>} : memref<112xi32, #tpu.memory_space<vmem>>, vector<16xi32>,
      %add3A_648 = vector.broadcast %mul3A_592 : i32 to vector<16xi32>
      %add3A_649 = arith.addi %get3A_637, %add3A_648 : vector<16xi32>
      %swap3A_650 = arith.constant 32 : index
      %swap3A_651 = tpu.vector_load %arg18[%swap3A_650] {strides = array<i32>} : memref<112xi32, #tpu.memory_space<vmem>>, vector<16xi32>,
      tpu.vector_store %arg18[%swap3A_650], %add3A_649 {strides = array<i32>} : memref<112xi32, #tpu.memory_space<vmem>>, vector<16xi32>,
      %add3A_652 = arith.constant 16384 : i32
      %add3A_653 = arith.addi %mul3A_592, %add3A_652 : i32
      %add3A_654 = vector.broadcast %add3A_653 : i32 to vector<16xi32>
      %add3A_655 = arith.addi %get3A_637, %add3A_654 : vector<16xi32>
      %swap3A_656 = arith.constant 32 : index
      %swap3A_657 = tpu.vector_load %arg19[%swap3A_656] {strides = array<i32>} : memref<112xi32, #tpu.memory_space<vmem>>, vector<16xi32>,
      tpu.vector_store %arg19[%swap3A_656], %add3A_655 {strides = array<i32>} : memref<112xi32, #tpu.memory_space<vmem>>, vector<16xi32>,
      %get3A_658 = arith.constant 48 : index
      %get3A_659 = tpu.vector_load %arg15[%get3A_658] {strides = array<i32>} : memref<112xi32, #tpu.memory_space<vmem>>, vector<16xi32>,
      %add3A_660 = vector.broadcast %mul3A_592 : i32 to vector<16xi32>
      %add3A_661 = arith.addi %get3A_659, %add3A_660 : vector<16xi32>
      %swap3A_662 = arith.constant 48 : index
      %swap3A_663 = tpu.vector_load %arg16[%swap3A_662] {strides = array<i32>} : memref<112xi32, #tpu.memory_space<vmem>>, vector<16xi32>,
      tpu.vector_store %arg16[%swap3A_662], %add3A_661 {strides = array<i32>} : memref<112xi32, #tpu.memory_space<vmem>>, vector<16xi32>,
      %add3A_664 = arith.constant 16384 : i32
      %add3A_665 = arith.addi %mul3A_592, %add3A_664 : i32
      %add3A_666 = vector.broadcast %add3A_665 : i32 to vector<16xi32>
      %add3A_667 = arith.addi %get3A_659, %add3A_666 : vector<16xi32>
      %swap3A_668 = arith.constant 48 : index
      %swap3A_669 = tpu.vector_load %arg17[%swap3A_668] {strides = array<i32>} : memref<112xi32, #tpu.memory_space<vmem>>, vector<16xi32>,
      tpu.vector_store %arg17[%swap3A_668], %add3A_667 {strides = array<i32>} : memref<112xi32, #tpu.memory_space<vmem>>, vector<16xi32>,
      %add3A_670 = vector.broadcast %mul3A_592 : i32 to vector<16xi32>
      %add3A_671 = arith.addi %get3A_659, %add3A_670 : vector<16xi32>
      %swap3A_672 = arith.constant 48 : index
      %swap3A_673 = tpu.vector_load %arg18[%swap3A_672] {strides = array<i32>} : memref<112xi32, #tpu.memory_space<vmem>>, vector<16xi32>,
      tpu.vector_store %arg18[%swap3A_672], %add3A_671 {strides = array<i32>} : memref<112xi32, #tpu.memory_space<vmem>>, vector<16xi32>,
      %add3A_674 = arith.constant 16384 : i32
      %add3A_675 = arith.addi %mul3A_592, %add3A_674 : i32
      %add3A_676 = vector.broadcast %add3A_675 : i32 to vector<16xi32>
      %add3A_677 = arith.addi %get3A_659, %add3A_676 : vector<16xi32>
      %swap3A_678 = arith.constant 48 : index
      %swap3A_679 = tpu.vector_load %arg19[%swap3A_678] {strides = array<i32>} : memref<112xi32, #tpu.memory_space<vmem>>, vector<16xi32>,
      tpu.vector_store %arg19[%swap3A_678], %add3A_677 {strides = array<i32>} : memref<112xi32, #tpu.memory_space<vmem>>, vector<16xi32>,
      %get3A_680 = arith.constant 64 : index
      %get3A_681 = tpu.vector_load %arg15[%get3A_680] {strides = array<i32>} : memref<112xi32, #tpu.memory_space<vmem>>, vector<16xi32>,
      %add3A_682 = vector.broadcast %mul3A_592 : i32 to vector<16xi32>
      %add3A_683 = arith.addi %get3A_681, %add3A_682 : vector<16xi32>
      %swap3A_684 = arith.constant 64 : index
      %swap3A_685 = tpu.vector_load %arg16[%swap3A_684] {strides = array<i32>} : memref<112xi32, #tpu.memory_space<vmem>>, vector<16xi32>,
      tpu.vector_store %arg16[%swap3A_684], %add3A_683 {strides = array<i32>} : memref<112xi32, #tpu.memory_space<vmem>>, vector<16xi32>,
      %add3A_686 = arith.constant 16384 : i32
      %add3A_687 = arith.addi %mul3A_592, %add3A_686 : i32
      %add3A_688 = vector.broadcast %add3A_687 : i32 to vector<16xi32>
      %add3A_689 = arith.addi %get3A_681, %add3A_688 : vector<16xi32>
      %swap3A_690 = arith.constant 64 : index
      %swap3A_691 = tpu.vector_load %arg17[%swap3A_690] {strides = array<i32>} : memref<112xi32, #tpu.memory_space<vmem>>, vector<16xi32>,
      tpu.vector_store %arg17[%swap3A_690], %add3A_689 {strides = array<i32>} : memref<112xi32, #tpu.memory_space<vmem>>, vector<16xi32>,
      %add3A_692 = vector.broadcast %mul3A_592 : i32 to vector<16xi32>
      %add3A_693 = arith.addi %get3A_681, %add3A_692 : vector<16xi32>
      %swap3A_694 = arith.constant 64 : index
      %swap3A_695 = tpu.vector_load %arg18[%swap3A_694] {strides = array<i32>} : memref<112xi32, #tpu.memory_space<vmem>>, vector<16xi32>,
      tpu.vector_store %arg18[%swap3A_694], %add3A_693 {strides = array<i32>} : memref<112xi32, #tpu.memory_space<vmem>>, vector<16xi32>,
      %add3A_696 = arith.constant 16384 : i32
      %add3A_697 = arith.addi %mul3A_592, %add3A_696 : i32
      %add3A_698 = vector.broadcast %add3A_697 : i32 to vector<16xi32>
      %add3A_699 = arith.addi %get3A_681, %add3A_698 : vector<16xi32>
      %swap3A_700 = arith.constant 64 : index
      %swap3A_701 = tpu.vector_load %arg19[%swap3A_700] {strides = array<i32>} : memref<112xi32, #tpu.memory_space<vmem>>, vector<16xi32>,
      tpu.vector_store %arg19[%swap3A_700], %add3A_699 {strides = array<i32>} : memref<112xi32, #tpu.memory_space<vmem>>, vector<16xi32>,
      %get3A_702 = arith.constant 80 : index
      %get3A_703 = tpu.vector_load %arg15[%get3A_702] {strides = array<i32>} : memref<112xi32, #tpu.memory_space<vmem>>, vector<16xi32>,
      %add3A_704 = vector.broadcast %mul3A_592 : i32 to vector<16xi32>
      %add3A_705 = arith.addi %get3A_703, %add3A_704 : vector<16xi32>
      %swap3A_706 = arith.constant 80 : index
      %swap3A_707 = tpu.vector_load %arg16[%swap3A_706] {strides = array<i32>} : memref<112xi32, #tpu.memory_space<vmem>>, vector<16xi32>,
      tpu.vector_store %arg16[%swap3A_706], %add3A_705 {strides = array<i32>} : memref<112xi32, #tpu.memory_space<vmem>>, vector<16xi32>,
      %add3A_708 = arith.constant 16384 : i32
      %add3A_709 = arith.addi %mul3A_592, %add3A_708 : i32
      %add3A_710 = vector.broadcast %add3A_709 : i32 to vector<16xi32>
      %add3A_711 = arith.addi %get3A_703, %add3A_710 : vector<16xi32>
      %swap3A_712 = arith.constant 80 : index
      %swap3A_713 = tpu.vector_load %arg17[%swap3A_712] {strides = array<i32>} : memref<112xi32, #tpu.memory_space<vmem>>, vector<16xi32>,
      tpu.vector_store %arg17[%swap3A_712], %add3A_711 {strides = array<i32>} : memref<112xi32, #tpu.memory_space<vmem>>, vector<16xi32>,
      %add3A_714 = vector.broadcast %mul3A_592 : i32 to vector<16xi32>
      %add3A_715 = arith.addi %get3A_703, %add3A_714 : vector<16xi32>
      %swap3A_716 = arith.constant 80 : index
      %swap3A_717 = tpu.vector_load %arg18[%swap3A_716] {strides = array<i32>} : memref<112xi32, #tpu.memory_space<vmem>>, vector<16xi32>,
      tpu.vector_store %arg18[%swap3A_716], %add3A_715 {strides = array<i32>} : memref<112xi32, #tpu.memory_space<vmem>>, vector<16xi32>,
      %add3A_718 = arith.constant 16384 : i32
      %add3A_719 = arith.addi %mul3A_592, %add3A_718 : i32
      %add3A_720 = vector.broadcast %add3A_719 : i32 to vector<16xi32>
      %add3A_721 = arith.addi %get3A_703, %add3A_720 : vector<16xi32>
      %swap3A_722 = arith.constant 80 : index
      %swap3A_723 = tpu.vector_load %arg19[%swap3A_722] {strides = array<i32>} : memref<112xi32, #tpu.memory_space<vmem>>, vector<16xi32>,
      tpu.vector_store %arg19[%swap3A_722], %add3A_721 {strides = array<i32>} : memref<112xi32, #tpu.memory_space<vmem>>, vector<16xi32>,
      %get3A_724 = arith.constant 96 : index
      %get3A_725 = tpu.vector_load %arg15[%get3A_724] {strides = array<i32>} : memref<112xi32, #tpu.memory_space<vmem>>, vector<16xi32>,
      %add3A_726 = vector.broadcast %mul3A_592 : i32 to vector<16xi32>
      %add3A_727 = arith.addi %get3A_725, %add3A_726 : vector<16xi32>
      %swap3A_728 = arith.constant 96 : index
      %swap3A_729 = tpu.vector_load %arg16[%swap3A_728] {strides = array<i32>} : memref<112xi32, #tpu.memory_space<vmem>>, vector<16xi32>,
      tpu.vector_store %arg16[%swap3A_728], %add3A_727 {strides = array<i32>} : memref<112xi32, #tpu.memory_space<vmem>>, vector<16xi32>,
      %add3A_730 = arith.constant 16384 : i32
      %add3A_731 = arith.addi %mul3A_592, %add3A_730 : i32
      %add3A_732 = vector.broadcast %add3A_731 : i32 to vector<16xi32>
      %add3A_733 = arith.addi %get3A_725, %add3A_732 : vector<16xi32>
      %swap3A_734 = arith.constant 96 : index
      %swap3A_735 = tpu.vector_load %arg17[%swap3A_734] {strides = array<i32>} : memref<112xi32, #tpu.memory_space<vmem>>, vector<16xi32>,
      tpu.vector_store %arg17[%swap3A_734], %add3A_733 {strides = array<i32>} : memref<112xi32, #tpu.memory_space<vmem>>, vector<16xi32>,
      %add3A_736 = vector.broadcast %mul3A_592 : i32 to vector<16xi32>
      %add3A_737 = arith.addi %get3A_725, %add3A_736 : vector<16xi32>
      %swap3A_738 = arith.constant 96 : index
      %swap3A_739 = tpu.vector_load %arg18[%swap3A_738] {strides = array<i32>} : memref<112xi32, #tpu.memory_space<vmem>>, vector<16xi32>,
      tpu.vector_store %arg18[%swap3A_738], %add3A_737 {strides = array<i32>} : memref<112xi32, #tpu.memory_space<vmem>>, vector<16xi32>,
      %add3A_740 = arith.constant 16384 : i32
      %add3A_741 = arith.addi %mul3A_592, %add3A_740 : i32
      %add3A_742 = vector.broadcast %add3A_741 : i32 to vector<16xi32>
      %add3A_743 = arith.addi %get3A_725, %add3A_742 : vector<16xi32>
      %swap3A_744 = arith.constant 96 : index
      %swap3A_745 = tpu.vector_load %arg19[%swap3A_744] {strides = array<i32>} : memref<112xi32, #tpu.memory_space<vmem>>, vector<16xi32>,
      tpu.vector_store %arg19[%swap3A_744], %add3A_743 {strides = array<i32>} : memref<112xi32, #tpu.memory_space<vmem>>, vector<16xi32>,
      %dma_start3A = arith.constant 0 : i32
      %dma_start3A_746 = tpu.memref_slice %arg3[%dma_start3A] : memref<524288xf32, #tpu.memory_space<hbm>> -> memref<524288xf32, #tpu.memory_space<hbm>>
      tpu.enqueue_indirect_dma source(%dma_start3A_746 : memref<524288xf32, #tpu.memory_space<hbm>>) target(%arg20 : memref<112xf32, #tpu.memory_space<vmem>>) offsets(%arg16 : memref<112xi32, #tpu.memory_space<vmem>>) semaphore(%arg26 : memref<!tpu.dma_semaphore, #tpu.memory_space<semaphore_mem>>)
      %dma_start3A_747 = arith.constant 0 : i32
      %dma_start3A_748 = tpu.memref_slice %arg3[%dma_start3A_747] : memref<524288xf32, #tpu.memory_space<hbm>> -> memref<524288xf32, #tpu.memory_space<hbm>>
      tpu.enqueue_indirect_dma source(%dma_start3A_748 : memref<524288xf32, #tpu.memory_space<hbm>>) target(%arg21 : memref<112xf32, #tpu.memory_space<vmem>>) offsets(%arg17 : memref<112xi32, #tpu.memory_space<vmem>>) semaphore(%arg26 : memref<!tpu.dma_semaphore, #tpu.memory_space<semaphore_mem>>)
      %dma_start3A_749 = arith.constant 0 : i32
      %dma_start3A_750 = tpu.memref_slice %arg4[%dma_start3A_749] : memref<524288xf32, #tpu.memory_space<hbm>> -> memref<524288xf32, #tpu.memory_space<hbm>>
      tpu.enqueue_indirect_dma source(%dma_start3A_750 : memref<524288xf32, #tpu.memory_space<hbm>>) target(%arg22 : memref<112xf32, #tpu.memory_space<vmem>>) offsets(%arg18 : memref<112xi32, #tpu.memory_space<vmem>>) semaphore(%arg26 : memref<!tpu.dma_semaphore, #tpu.memory_space<semaphore_mem>>)
      %dma_start3A_751 = arith.constant 0 : i32
      %dma_start3A_752 = tpu.memref_slice %arg4[%dma_start3A_751] : memref<524288xf32, #tpu.memory_space<hbm>> -> memref<524288xf32, #tpu.memory_space<hbm>>
      tpu.enqueue_indirect_dma source(%dma_start3A_752 : memref<524288xf32, #tpu.memory_space<hbm>>) target(%arg23 : memref<112xf32, #tpu.memory_space<vmem>>) offsets(%arg19 : memref<112xi32, #tpu.memory_space<vmem>>) semaphore(%arg26 : memref<!tpu.dma_semaphore, #tpu.memory_space<semaphore_mem>>)
      %dma_wait3A = arith.constant 0 : i32
      %dma_wait3A_753 = tpu.memref_slice %arg3[%dma_wait3A] : memref<524288xf32, #tpu.memory_space<hbm>> -> memref<524288xf32, #tpu.memory_space<hbm>>
      tpu.wait_indirect_dma semaphore(%arg26 : memref<!tpu.dma_semaphore, #tpu.memory_space<semaphore_mem>>) src(%dma_wait3A_753 : memref<524288xf32, #tpu.memory_space<hbm>>) dst(%arg20 : memref<112xf32, #tpu.memory_space<vmem>>)
      %dma_wait3A_754 = arith.constant 0 : i32
      %dma_wait3A_755 = tpu.memref_slice %arg3[%dma_wait3A_754] : memref<524288xf32, #tpu.memory_space<hbm>> -> memref<524288xf32, #tpu.memory_space<hbm>>
      tpu.wait_indirect_dma semaphore(%arg26 : memref<!tpu.dma_semaphore, #tpu.memory_space<semaphore_mem>>) src(%dma_wait3A_755 : memref<524288xf32, #tpu.memory_space<hbm>>) dst(%arg21 : memref<112xf32, #tpu.memory_space<vmem>>)
      %dma_wait3A_756 = arith.constant 0 : i32
      %dma_wait3A_757 = tpu.memref_slice %arg4[%dma_wait3A_756] : memref<524288xf32, #tpu.memory_space<hbm>> -> memref<524288xf32, #tpu.memory_space<hbm>>
      tpu.wait_indirect_dma semaphore(%arg26 : memref<!tpu.dma_semaphore, #tpu.memory_space<semaphore_mem>>) src(%dma_wait3A_757 : memref<524288xf32, #tpu.memory_space<hbm>>) dst(%arg22 : memref<112xf32, #tpu.memory_space<vmem>>)
      %dma_wait3A_758 = arith.constant 0 : i32
      %dma_wait3A_759 = tpu.memref_slice %arg4[%dma_wait3A_758] : memref<524288xf32, #tpu.memory_space<hbm>> -> memref<524288xf32, #tpu.memory_space<hbm>>
      tpu.wait_indirect_dma semaphore(%arg26 : memref<!tpu.dma_semaphore, #tpu.memory_space<semaphore_mem>>) src(%dma_wait3A_759 : memref<524288xf32, #tpu.memory_space<hbm>>) dst(%arg23 : memref<112xf32, #tpu.memory_space<vmem>>)
      %broadcast_in_dim3A_760 = vector.broadcast %add3A : i32 to vector<16xi32>
      %gather3A = tpu.vector_load_idx %arg25[%broadcast_in_dim3A_760] : memref<16xf32, #tpu.memory_space<vmem>>[vector<16xi32>], vector<16xf32>,
      %add3A_761 = arith.constant 0 : i32
      %add3A_762 = vector.broadcast %add3A_761 : i32 to vector<16xi32>
      %add3A_763 = arith.addi %add3A_762, %iota3A : vector<16xi32>
      %lt3A_764 = arith.cmpi slt, %add3A_763, %min3A : vector<16xi32>
      %get3A_765 = arith.constant 0 : index
      %get3A_766 = tpu.vector_load %arg14[%get3A_765] {strides = array<i32>} : memref<112xf32, #tpu.memory_space<vmem>>, vector<16xf32>,
      %get3A_767 = arith.constant 0 : index
      %get3A_768 = tpu.vector_load %arg15[%get3A_767] {strides = array<i32>} : memref<112xi32, #tpu.memory_space<vmem>>, vector<16xi32>,
      %get3A_769 = arith.constant 0 : index
      %get3A_770 = tpu.vector_load %arg20[%get3A_769] {strides = array<i32>} : memref<112xf32, #tpu.memory_space<vmem>>, vector<16xf32>,
      %get3A_771 = arith.constant 0 : index
      %get3A_772 = tpu.vector_load %arg21[%get3A_771] {strides = array<i32>} : memref<112xf32, #tpu.memory_space<vmem>>, vector<16xf32>,
      %get3A_773 = arith.constant 0 : index
      %get3A_774 = tpu.vector_load %arg22[%get3A_773] {strides = array<i32>} : memref<112xf32, #tpu.memory_space<vmem>>, vector<16xf32>,
      %get3A_775 = arith.constant 0 : index
      %get3A_776 = tpu.vector_load %arg23[%get3A_775] {strides = array<i32>} : memref<112xf32, #tpu.memory_space<vmem>>, vector<16xf32>,
      %and3A_777 = arith.constant 127 : i32
      %and3A_778 = vector.broadcast %and3A_777 : i32 to vector<16xi32>
      %and3A_779 = arith.andi %get3A_768, %and3A_778 : vector<16xi32>
      %convert_element_type3A_780 = arith.sitofp %and3A_779 : vector<16xi32> to vector<16xf32>
      %add3A_781 = arith.addf %convert_element_type3A_780, %get3A_770 : vector<16xf32>
      %shift_right_logical3A = arith.constant 7 : i32
      %shift_right_logical3A_782 = vector.broadcast %shift_right_logical3A : i32 to vector<16xi32>
      %shift_right_logical3A_783 = arith.shrui %get3A_768, %shift_right_logical3A_782 : vector<16xi32>
      %convert_element_type3A_784 = arith.sitofp %shift_right_logical3A_783 : vector<16xi32> to vector<16xf32>
      %add3A_785 = arith.addf %convert_element_type3A_784, %get3A_772 : vector<16xf32>
      %mul3A_786 = arith.constant 5.000000e-01 : f32
      %mul3A_787 = vector.broadcast %mul3A_786 : f32 to vector<16xf32>
      %mul3A_788 = arith.mulf %get3A_774, %mul3A_787 : vector<16xf32>
      %mul3A_789 = arith.constant 5.000000e-01 : f32
      %mul3A_790 = vector.broadcast %mul3A_789 : f32 to vector<16xf32>
      %mul3A_791 = arith.mulf %get3A_776, %mul3A_790 : vector<16xf32>
      %mul3A_792 = arith.constant 7 : i32
      %mul3A_793 = vector.broadcast %mul3A_792 : i32 to vector<16xi32>
      %mul3A_794 = arith.muli %add3A_763, %mul3A_793 : vector<16xi32>
      tpu.vector_store_idx %arg24[%mul3A_794], %gather3A masked %lt3A_764 : memref<704xf32, #tpu.memory_space<vmem>>[vector<16xi32>], vector<16xf32>, vector<16xi1>
      %add3A_795 = arith.constant 1 : i32
      %add3A_796 = vector.broadcast %add3A_795 : i32 to vector<16xi32>
      %add3A_797 = arith.addi %mul3A_794, %add3A_796 : vector<16xi32>
      %sub3A_798 = arith.subf %add3A_781, %mul3A_788 : vector<16xf32>
      %mul3A_799 = arith.constant 4.000000e+00 : f32
      %mul3A_800 = vector.broadcast %mul3A_799 : f32 to vector<16xf32>
      %mul3A_801 = arith.mulf %sub3A_798, %mul3A_800 : vector<16xf32>
      tpu.vector_store_idx %arg24[%add3A_797], %mul3A_801 masked %lt3A_764 : memref<704xf32, #tpu.memory_space<vmem>>[vector<16xi32>], vector<16xf32>, vector<16xi1>
      %add3A_802 = arith.constant 2 : i32
      %add3A_803 = vector.broadcast %add3A_802 : i32 to vector<16xi32>
      %add3A_804 = arith.addi %mul3A_794, %add3A_803 : vector<16xi32>
      %sub3A_805 = arith.subf %add3A_785, %mul3A_791 : vector<16xf32>
      %mul3A_806 = arith.constant 4.000000e+00 : f32
      %mul3A_807 = vector.broadcast %mul3A_806 : f32 to vector<16xf32>
      %mul3A_808 = arith.mulf %sub3A_805, %mul3A_807 : vector<16xf32>
      tpu.vector_store_idx %arg24[%add3A_804], %mul3A_808 masked %lt3A_764 : memref<704xf32, #tpu.memory_space<vmem>>[vector<16xi32>], vector<16xf32>, vector<16xi1>
      %add3A_809 = arith.constant 3 : i32
      %add3A_810 = vector.broadcast %add3A_809 : i32 to vector<16xi32>
      %add3A_811 = arith.addi %mul3A_794, %add3A_810 : vector<16xi32>
      %add3A_812 = arith.addf %add3A_781, %mul3A_788 : vector<16xf32>
      %mul3A_813 = arith.constant 4.000000e+00 : f32
      %mul3A_814 = vector.broadcast %mul3A_813 : f32 to vector<16xf32>
      %mul3A_815 = arith.mulf %add3A_812, %mul3A_814 : vector<16xf32>
      tpu.vector_store_idx %arg24[%add3A_811], %mul3A_815 masked %lt3A_764 : memref<704xf32, #tpu.memory_space<vmem>>[vector<16xi32>], vector<16xf32>, vector<16xi1>
      %add3A_816 = arith.constant 4 : i32
      %add3A_817 = vector.broadcast %add3A_816 : i32 to vector<16xi32>
      %add3A_818 = arith.addi %mul3A_794, %add3A_817 : vector<16xi32>
      %add3A_819 = arith.addf %add3A_785, %mul3A_791 : vector<16xf32>
      %mul3A_820 = arith.constant 4.000000e+00 : f32
      %mul3A_821 = vector.broadcast %mul3A_820 : f32 to vector<16xf32>
      %mul3A_822 = arith.mulf %add3A_819, %mul3A_821 : vector<16xf32>
      tpu.vector_store_idx %arg24[%add3A_818], %mul3A_822 masked %lt3A_764 : memref<704xf32, #tpu.memory_space<vmem>>[vector<16xi32>], vector<16xf32>, vector<16xi1>
      %add3A_823 = arith.constant 5 : i32
      %add3A_824 = vector.broadcast %add3A_823 : i32 to vector<16xi32>
      %add3A_825 = arith.addi %mul3A_794, %add3A_824 : vector<16xi32>
      tpu.vector_store_idx %arg24[%add3A_825], %get3A_766 masked %lt3A_764 : memref<704xf32, #tpu.memory_space<vmem>>[vector<16xi32>], vector<16xf32>, vector<16xi1>
      %add3A_826 = arith.constant 16 : i32
      %add3A_827 = vector.broadcast %add3A_826 : i32 to vector<16xi32>
      %add3A_828 = arith.addi %add3A_827, %iota3A : vector<16xi32>
      %lt3A_829 = arith.cmpi slt, %add3A_828, %min3A : vector<16xi32>
      %get3A_830 = arith.constant 16 : index
      %get3A_831 = tpu.vector_load %arg14[%get3A_830] {strides = array<i32>} : memref<112xf32, #tpu.memory_space<vmem>>, vector<16xf32>,
      %get3A_832 = arith.constant 16 : index
      %get3A_833 = tpu.vector_load %arg15[%get3A_832] {strides = array<i32>} : memref<112xi32, #tpu.memory_space<vmem>>, vector<16xi32>,
      %get3A_834 = arith.constant 16 : index
      %get3A_835 = tpu.vector_load %arg20[%get3A_834] {strides = array<i32>} : memref<112xf32, #tpu.memory_space<vmem>>, vector<16xf32>,
      %get3A_836 = arith.constant 16 : index
      %get3A_837 = tpu.vector_load %arg21[%get3A_836] {strides = array<i32>} : memref<112xf32, #tpu.memory_space<vmem>>, vector<16xf32>,
      %get3A_838 = arith.constant 16 : index
      %get3A_839 = tpu.vector_load %arg22[%get3A_838] {strides = array<i32>} : memref<112xf32, #tpu.memory_space<vmem>>, vector<16xf32>,
      %get3A_840 = arith.constant 16 : index
      %get3A_841 = tpu.vector_load %arg23[%get3A_840] {strides = array<i32>} : memref<112xf32, #tpu.memory_space<vmem>>, vector<16xf32>,
      %and3A_842 = arith.constant 127 : i32
      %and3A_843 = vector.broadcast %and3A_842 : i32 to vector<16xi32>
      %and3A_844 = arith.andi %get3A_833, %and3A_843 : vector<16xi32>
      %convert_element_type3A_845 = arith.sitofp %and3A_844 : vector<16xi32> to vector<16xf32>
      %add3A_846 = arith.addf %convert_element_type3A_845, %get3A_835 : vector<16xf32>
      %shift_right_logical3A_847 = arith.constant 7 : i32
      %shift_right_logical3A_848 = vector.broadcast %shift_right_logical3A_847 : i32 to vector<16xi32>
      %shift_right_logical3A_849 = arith.shrui %get3A_833, %shift_right_logical3A_848 : vector<16xi32>
      %convert_element_type3A_850 = arith.sitofp %shift_right_logical3A_849 : vector<16xi32> to vector<16xf32>
      %add3A_851 = arith.addf %convert_element_type3A_850, %get3A_837 : vector<16xf32>
      %mul3A_852 = arith.constant 5.000000e-01 : f32
      %mul3A_853 = vector.broadcast %mul3A_852 : f32 to vector<16xf32>
      %mul3A_854 = arith.mulf %get3A_839, %mul3A_853 : vector<16xf32>
      %mul3A_855 = arith.constant 5.000000e-01 : f32
      %mul3A_856 = vector.broadcast %mul3A_855 : f32 to vector<16xf32>
      %mul3A_857 = arith.mulf %get3A_841, %mul3A_856 : vector<16xf32>
      %mul3A_858 = arith.constant 7 : i32
      %mul3A_859 = vector.broadcast %mul3A_858 : i32 to vector<16xi32>
      %mul3A_860 = arith.muli %add3A_828, %mul3A_859 : vector<16xi32>
      tpu.vector_store_idx %arg24[%mul3A_860], %gather3A masked %lt3A_829 : memref<704xf32, #tpu.memory_space<vmem>>[vector<16xi32>], vector<16xf32>, vector<16xi1>
      %add3A_861 = arith.constant 1 : i32
      %add3A_862 = vector.broadcast %add3A_861 : i32 to vector<16xi32>
      %add3A_863 = arith.addi %mul3A_860, %add3A_862 : vector<16xi32>
      %sub3A_864 = arith.subf %add3A_846, %mul3A_854 : vector<16xf32>
      %mul3A_865 = arith.constant 4.000000e+00 : f32
      %mul3A_866 = vector.broadcast %mul3A_865 : f32 to vector<16xf32>
      %mul3A_867 = arith.mulf %sub3A_864, %mul3A_866 : vector<16xf32>
      tpu.vector_store_idx %arg24[%add3A_863], %mul3A_867 masked %lt3A_829 : memref<704xf32, #tpu.memory_space<vmem>>[vector<16xi32>], vector<16xf32>, vector<16xi1>
      %add3A_868 = arith.constant 2 : i32
      %add3A_869 = vector.broadcast %add3A_868 : i32 to vector<16xi32>
      %add3A_870 = arith.addi %mul3A_860, %add3A_869 : vector<16xi32>
      %sub3A_871 = arith.subf %add3A_851, %mul3A_857 : vector<16xf32>
      %mul3A_872 = arith.constant 4.000000e+00 : f32
      %mul3A_873 = vector.broadcast %mul3A_872 : f32 to vector<16xf32>
      %mul3A_874 = arith.mulf %sub3A_871, %mul3A_873 : vector<16xf32>
      tpu.vector_store_idx %arg24[%add3A_870], %mul3A_874 masked %lt3A_829 : memref<704xf32, #tpu.memory_space<vmem>>[vector<16xi32>], vector<16xf32>, vector<16xi1>
      %add3A_875 = arith.constant 3 : i32
      %add3A_876 = vector.broadcast %add3A_875 : i32 to vector<16xi32>
      %add3A_877 = arith.addi %mul3A_860, %add3A_876 : vector<16xi32>
      %add3A_878 = arith.addf %add3A_846, %mul3A_854 : vector<16xf32>
      %mul3A_879 = arith.constant 4.000000e+00 : f32
      %mul3A_880 = vector.broadcast %mul3A_879 : f32 to vector<16xf32>
      %mul3A_881 = arith.mulf %add3A_878, %mul3A_880 : vector<16xf32>
      tpu.vector_store_idx %arg24[%add3A_877], %mul3A_881 masked %lt3A_829 : memref<704xf32, #tpu.memory_space<vmem>>[vector<16xi32>], vector<16xf32>, vector<16xi1>
      %add3A_882 = arith.constant 4 : i32
      %add3A_883 = vector.broadcast %add3A_882 : i32 to vector<16xi32>
      %add3A_884 = arith.addi %mul3A_860, %add3A_883 : vector<16xi32>
      %add3A_885 = arith.addf %add3A_851, %mul3A_857 : vector<16xf32>
      %mul3A_886 = arith.constant 4.000000e+00 : f32
      %mul3A_887 = vector.broadcast %mul3A_886 : f32 to vector<16xf32>
      %mul3A_888 = arith.mulf %add3A_885, %mul3A_887 : vector<16xf32>
      tpu.vector_store_idx %arg24[%add3A_884], %mul3A_888 masked %lt3A_829 : memref<704xf32, #tpu.memory_space<vmem>>[vector<16xi32>], vector<16xf32>, vector<16xi1>
      %add3A_889 = arith.constant 5 : i32
      %add3A_890 = vector.broadcast %add3A_889 : i32 to vector<16xi32>
      %add3A_891 = arith.addi %mul3A_860, %add3A_890 : vector<16xi32>
      tpu.vector_store_idx %arg24[%add3A_891], %get3A_831 masked %lt3A_829 : memref<704xf32, #tpu.memory_space<vmem>>[vector<16xi32>], vector<16xf32>, vector<16xi1>
      %add3A_892 = arith.constant 32 : i32
      %add3A_893 = vector.broadcast %add3A_892 : i32 to vector<16xi32>
      %add3A_894 = arith.addi %add3A_893, %iota3A : vector<16xi32>
      %lt3A_895 = arith.cmpi slt, %add3A_894, %min3A : vector<16xi32>
      %get3A_896 = arith.constant 32 : index
      %get3A_897 = tpu.vector_load %arg14[%get3A_896] {strides = array<i32>} : memref<112xf32, #tpu.memory_space<vmem>>, vector<16xf32>,
      %get3A_898 = arith.constant 32 : index
      %get3A_899 = tpu.vector_load %arg15[%get3A_898] {strides = array<i32>} : memref<112xi32, #tpu.memory_space<vmem>>, vector<16xi32>,
      %get3A_900 = arith.constant 32 : index
      %get3A_901 = tpu.vector_load %arg20[%get3A_900] {strides = array<i32>} : memref<112xf32, #tpu.memory_space<vmem>>, vector<16xf32>,
      %get3A_902 = arith.constant 32 : index
      %get3A_903 = tpu.vector_load %arg21[%get3A_902] {strides = array<i32>} : memref<112xf32, #tpu.memory_space<vmem>>, vector<16xf32>,
      %get3A_904 = arith.constant 32 : index
      %get3A_905 = tpu.vector_load %arg22[%get3A_904] {strides = array<i32>} : memref<112xf32, #tpu.memory_space<vmem>>, vector<16xf32>,
      %get3A_906 = arith.constant 32 : index
      %get3A_907 = tpu.vector_load %arg23[%get3A_906] {strides = array<i32>} : memref<112xf32, #tpu.memory_space<vmem>>, vector<16xf32>,
      %and3A_908 = arith.constant 127 : i32
      %and3A_909 = vector.broadcast %and3A_908 : i32 to vector<16xi32>
      %and3A_910 = arith.andi %get3A_899, %and3A_909 : vector<16xi32>
      %convert_element_type3A_911 = arith.sitofp %and3A_910 : vector<16xi32> to vector<16xf32>
      %add3A_912 = arith.addf %convert_element_type3A_911, %get3A_901 : vector<16xf32>
      %shift_right_logical3A_913 = arith.constant 7 : i32
      %shift_right_logical3A_914 = vector.broadcast %shift_right_logical3A_913 : i32 to vector<16xi32>
      %shift_right_logical3A_915 = arith.shrui %get3A_899, %shift_right_logical3A_914 : vector<16xi32>
      %convert_element_type3A_916 = arith.sitofp %shift_right_logical3A_915 : vector<16xi32> to vector<16xf32>
      %add3A_917 = arith.addf %convert_element_type3A_916, %get3A_903 : vector<16xf32>
      %mul3A_918 = arith.constant 5.000000e-01 : f32
      %mul3A_919 = vector.broadcast %mul3A_918 : f32 to vector<16xf32>
      %mul3A_920 = arith.mulf %get3A_905, %mul3A_919 : vector<16xf32>
      %mul3A_921 = arith.constant 5.000000e-01 : f32
      %mul3A_922 = vector.broadcast %mul3A_921 : f32 to vector<16xf32>
      %mul3A_923 = arith.mulf %get3A_907, %mul3A_922 : vector<16xf32>
      %mul3A_924 = arith.constant 7 : i32
      %mul3A_925 = vector.broadcast %mul3A_924 : i32 to vector<16xi32>
      %mul3A_926 = arith.muli %add3A_894, %mul3A_925 : vector<16xi32>
      tpu.vector_store_idx %arg24[%mul3A_926], %gather3A masked %lt3A_895 : memref<704xf32, #tpu.memory_space<vmem>>[vector<16xi32>], vector<16xf32>, vector<16xi1>
      %add3A_927 = arith.constant 1 : i32
      %add3A_928 = vector.broadcast %add3A_927 : i32 to vector<16xi32>
      %add3A_929 = arith.addi %mul3A_926, %add3A_928 : vector<16xi32>
      %sub3A_930 = arith.subf %add3A_912, %mul3A_920 : vector<16xf32>
      %mul3A_931 = arith.constant 4.000000e+00 : f32
      %mul3A_932 = vector.broadcast %mul3A_931 : f32 to vector<16xf32>
      %mul3A_933 = arith.mulf %sub3A_930, %mul3A_932 : vector<16xf32>
      tpu.vector_store_idx %arg24[%add3A_929], %mul3A_933 masked %lt3A_895 : memref<704xf32, #tpu.memory_space<vmem>>[vector<16xi32>], vector<16xf32>, vector<16xi1>
      %add3A_934 = arith.constant 2 : i32
      %add3A_935 = vector.broadcast %add3A_934 : i32 to vector<16xi32>
      %add3A_936 = arith.addi %mul3A_926, %add3A_935 : vector<16xi32>
      %sub3A_937 = arith.subf %add3A_917, %mul3A_923 : vector<16xf32>
      %mul3A_938 = arith.constant 4.000000e+00 : f32
      %mul3A_939 = vector.broadcast %mul3A_938 : f32 to vector<16xf32>
      %mul3A_940 = arith.mulf %sub3A_937, %mul3A_939 : vector<16xf32>
      tpu.vector_store_idx %arg24[%add3A_936], %mul3A_940 masked %lt3A_895 : memref<704xf32, #tpu.memory_space<vmem>>[vector<16xi32>], vector<16xf32>, vector<16xi1>
      %add3A_941 = arith.constant 3 : i32
      %add3A_942 = vector.broadcast %add3A_941 : i32 to vector<16xi32>
      %add3A_943 = arith.addi %mul3A_926, %add3A_942 : vector<16xi32>
      %add3A_944 = arith.addf %add3A_912, %mul3A_920 : vector<16xf32>
      %mul3A_945 = arith.constant 4.000000e+00 : f32
      %mul3A_946 = vector.broadcast %mul3A_945 : f32 to vector<16xf32>
      %mul3A_947 = arith.mulf %add3A_944, %mul3A_946 : vector<16xf32>
      tpu.vector_store_idx %arg24[%add3A_943], %mul3A_947 masked %lt3A_895 : memref<704xf32, #tpu.memory_space<vmem>>[vector<16xi32>], vector<16xf32>, vector<16xi1>
      %add3A_948 = arith.constant 4 : i32
      %add3A_949 = vector.broadcast %add3A_948 : i32 to vector<16xi32>
      %add3A_950 = arith.addi %mul3A_926, %add3A_949 : vector<16xi32>
      %add3A_951 = arith.addf %add3A_917, %mul3A_923 : vector<16xf32>
      %mul3A_952 = arith.constant 4.000000e+00 : f32
      %mul3A_953 = vector.broadcast %mul3A_952 : f32 to vector<16xf32>
      %mul3A_954 = arith.mulf %add3A_951, %mul3A_953 : vector<16xf32>
      tpu.vector_store_idx %arg24[%add3A_950], %mul3A_954 masked %lt3A_895 : memref<704xf32, #tpu.memory_space<vmem>>[vector<16xi32>], vector<16xf32>, vector<16xi1>
      %add3A_955 = arith.constant 5 : i32
      %add3A_956 = vector.broadcast %add3A_955 : i32 to vector<16xi32>
      %add3A_957 = arith.addi %mul3A_926, %add3A_956 : vector<16xi32>
      tpu.vector_store_idx %arg24[%add3A_957], %get3A_897 masked %lt3A_895 : memref<704xf32, #tpu.memory_space<vmem>>[vector<16xi32>], vector<16xf32>, vector<16xi1>
      %add3A_958 = arith.constant 48 : i32
      %add3A_959 = vector.broadcast %add3A_958 : i32 to vector<16xi32>
      %add3A_960 = arith.addi %add3A_959, %iota3A : vector<16xi32>
      %lt3A_961 = arith.cmpi slt, %add3A_960, %min3A : vector<16xi32>
      %get3A_962 = arith.constant 48 : index
      %get3A_963 = tpu.vector_load %arg14[%get3A_962] {strides = array<i32>} : memref<112xf32, #tpu.memory_space<vmem>>, vector<16xf32>,
      %get3A_964 = arith.constant 48 : index
      %get3A_965 = tpu.vector_load %arg15[%get3A_964] {strides = array<i32>} : memref<112xi32, #tpu.memory_space<vmem>>, vector<16xi32>,
      %get3A_966 = arith.constant 48 : index
      %get3A_967 = tpu.vector_load %arg20[%get3A_966] {strides = array<i32>} : memref<112xf32, #tpu.memory_space<vmem>>, vector<16xf32>,
      %get3A_968 = arith.constant 48 : index
      %get3A_969 = tpu.vector_load %arg21[%get3A_968] {strides = array<i32>} : memref<112xf32, #tpu.memory_space<vmem>>, vector<16xf32>,
      %get3A_970 = arith.constant 48 : index
      %get3A_971 = tpu.vector_load %arg22[%get3A_970] {strides = array<i32>} : memref<112xf32, #tpu.memory_space<vmem>>, vector<16xf32>,
      %get3A_972 = arith.constant 48 : index
      %get3A_973 = tpu.vector_load %arg23[%get3A_972] {strides = array<i32>} : memref<112xf32, #tpu.memory_space<vmem>>, vector<16xf32>,
      %and3A_974 = arith.constant 127 : i32
      %and3A_975 = vector.broadcast %and3A_974 : i32 to vector<16xi32>
      %and3A_976 = arith.andi %get3A_965, %and3A_975 : vector<16xi32>
      %convert_element_type3A_977 = arith.sitofp %and3A_976 : vector<16xi32> to vector<16xf32>
      %add3A_978 = arith.addf %convert_element_type3A_977, %get3A_967 : vector<16xf32>
      %shift_right_logical3A_979 = arith.constant 7 : i32
      %shift_right_logical3A_980 = vector.broadcast %shift_right_logical3A_979 : i32 to vector<16xi32>
      %shift_right_logical3A_981 = arith.shrui %get3A_965, %shift_right_logical3A_980 : vector<16xi32>
      %convert_element_type3A_982 = arith.sitofp %shift_right_logical3A_981 : vector<16xi32> to vector<16xf32>
      %add3A_983 = arith.addf %convert_element_type3A_982, %get3A_969 : vector<16xf32>
      %mul3A_984 = arith.constant 5.000000e-01 : f32
      %mul3A_985 = vector.broadcast %mul3A_984 : f32 to vector<16xf32>
      %mul3A_986 = arith.mulf %get3A_971, %mul3A_985 : vector<16xf32>
      %mul3A_987 = arith.constant 5.000000e-01 : f32
      %mul3A_988 = vector.broadcast %mul3A_987 : f32 to vector<16xf32>
      %mul3A_989 = arith.mulf %get3A_973, %mul3A_988 : vector<16xf32>
      %mul3A_990 = arith.constant 7 : i32
      %mul3A_991 = vector.broadcast %mul3A_990 : i32 to vector<16xi32>
      %mul3A_992 = arith.muli %add3A_960, %mul3A_991 : vector<16xi32>
      tpu.vector_store_idx %arg24[%mul3A_992], %gather3A masked %lt3A_961 : memref<704xf32, #tpu.memory_space<vmem>>[vector<16xi32>], vector<16xf32>, vector<16xi1>
      %add3A_993 = arith.constant 1 : i32
      %add3A_994 = vector.broadcast %add3A_993 : i32 to vector<16xi32>
      %add3A_995 = arith.addi %mul3A_992, %add3A_994 : vector<16xi32>
      %sub3A_996 = arith.subf %add3A_978, %mul3A_986 : vector<16xf32>
      %mul3A_997 = arith.constant 4.000000e+00 : f32
      %mul3A_998 = vector.broadcast %mul3A_997 : f32 to vector<16xf32>
      %mul3A_999 = arith.mulf %sub3A_996, %mul3A_998 : vector<16xf32>
      tpu.vector_store_idx %arg24[%add3A_995], %mul3A_999 masked %lt3A_961 : memref<704xf32, #tpu.memory_space<vmem>>[vector<16xi32>], vector<16xf32>, vector<16xi1>
      %add3A_1000 = arith.constant 2 : i32
      %add3A_1001 = vector.broadcast %add3A_1000 : i32 to vector<16xi32>
      %add3A_1002 = arith.addi %mul3A_992, %add3A_1001 : vector<16xi32>
      %sub3A_1003 = arith.subf %add3A_983, %mul3A_989 : vector<16xf32>
      %mul3A_1004 = arith.constant 4.000000e+00 : f32
      %mul3A_1005 = vector.broadcast %mul3A_1004 : f32 to vector<16xf32>
      %mul3A_1006 = arith.mulf %sub3A_1003, %mul3A_1005 : vector<16xf32>
      tpu.vector_store_idx %arg24[%add3A_1002], %mul3A_1006 masked %lt3A_961 : memref<704xf32, #tpu.memory_space<vmem>>[vector<16xi32>], vector<16xf32>, vector<16xi1>
      %add3A_1007 = arith.constant 3 : i32
      %add3A_1008 = vector.broadcast %add3A_1007 : i32 to vector<16xi32>
      %add3A_1009 = arith.addi %mul3A_992, %add3A_1008 : vector<16xi32>
      %add3A_1010 = arith.addf %add3A_978, %mul3A_986 : vector<16xf32>
      %mul3A_1011 = arith.constant 4.000000e+00 : f32
      %mul3A_1012 = vector.broadcast %mul3A_1011 : f32 to vector<16xf32>
      %mul3A_1013 = arith.mulf %add3A_1010, %mul3A_1012 : vector<16xf32>
      tpu.vector_store_idx %arg24[%add3A_1009], %mul3A_1013 masked %lt3A_961 : memref<704xf32, #tpu.memory_space<vmem>>[vector<16xi32>], vector<16xf32>, vector<16xi1>
      %add3A_1014 = arith.constant 4 : i32
      %add3A_1015 = vector.broadcast %add3A_1014 : i32 to vector<16xi32>
      %add3A_1016 = arith.addi %mul3A_992, %add3A_1015 : vector<16xi32>
      %add3A_1017 = arith.addf %add3A_983, %mul3A_989 : vector<16xf32>
      %mul3A_1018 = arith.constant 4.000000e+00 : f32
      %mul3A_1019 = vector.broadcast %mul3A_1018 : f32 to vector<16xf32>
      %mul3A_1020 = arith.mulf %add3A_1017, %mul3A_1019 : vector<16xf32>
      tpu.vector_store_idx %arg24[%add3A_1016], %mul3A_1020 masked %lt3A_961 : memref<704xf32, #tpu.memory_space<vmem>>[vector<16xi32>], vector<16xf32>, vector<16xi1>
      %add3A_1021 = arith.constant 5 : i32
      %add3A_1022 = vector.broadcast %add3A_1021 : i32 to vector<16xi32>
      %add3A_1023 = arith.addi %mul3A_992, %add3A_1022 : vector<16xi32>
      tpu.vector_store_idx %arg24[%add3A_1023], %get3A_963 masked %lt3A_961 : memref<704xf32, #tpu.memory_space<vmem>>[vector<16xi32>], vector<16xf32>, vector<16xi1>
      %add3A_1024 = arith.constant 64 : i32
      %add3A_1025 = vector.broadcast %add3A_1024 : i32 to vector<16xi32>
      %add3A_1026 = arith.addi %add3A_1025, %iota3A : vector<16xi32>
      %lt3A_1027 = arith.cmpi slt, %add3A_1026, %min3A : vector<16xi32>
      %get3A_1028 = arith.constant 64 : index
      %get3A_1029 = tpu.vector_load %arg14[%get3A_1028] {strides = array<i32>} : memref<112xf32, #tpu.memory_space<vmem>>, vector<16xf32>,
      %get3A_1030 = arith.constant 64 : index
      %get3A_1031 = tpu.vector_load %arg15[%get3A_1030] {strides = array<i32>} : memref<112xi32, #tpu.memory_space<vmem>>, vector<16xi32>,
      %get3A_1032 = arith.constant 64 : index
      %get3A_1033 = tpu.vector_load %arg20[%get3A_1032] {strides = array<i32>} : memref<112xf32, #tpu.memory_space<vmem>>, vector<16xf32>,
      %get3A_1034 = arith.constant 64 : index
      %get3A_1035 = tpu.vector_load %arg21[%get3A_1034] {strides = array<i32>} : memref<112xf32, #tpu.memory_space<vmem>>, vector<16xf32>,
      %get3A_1036 = arith.constant 64 : index
      %get3A_1037 = tpu.vector_load %arg22[%get3A_1036] {strides = array<i32>} : memref<112xf32, #tpu.memory_space<vmem>>, vector<16xf32>,
      %get3A_1038 = arith.constant 64 : index
      %get3A_1039 = tpu.vector_load %arg23[%get3A_1038] {strides = array<i32>} : memref<112xf32, #tpu.memory_space<vmem>>, vector<16xf32>,
      %and3A_1040 = arith.constant 127 : i32
      %and3A_1041 = vector.broadcast %and3A_1040 : i32 to vector<16xi32>
      %and3A_1042 = arith.andi %get3A_1031, %and3A_1041 : vector<16xi32>
      %convert_element_type3A_1043 = arith.sitofp %and3A_1042 : vector<16xi32> to vector<16xf32>
      %add3A_1044 = arith.addf %convert_element_type3A_1043, %get3A_1033 : vector<16xf32>
      %shift_right_logical3A_1045 = arith.constant 7 : i32
      %shift_right_logical3A_1046 = vector.broadcast %shift_right_logical3A_1045 : i32 to vector<16xi32>
      %shift_right_logical3A_1047 = arith.shrui %get3A_1031, %shift_right_logical3A_1046 : vector<16xi32>
      %convert_element_type3A_1048 = arith.sitofp %shift_right_logical3A_1047 : vector<16xi32> to vector<16xf32>
      %add3A_1049 = arith.addf %convert_element_type3A_1048, %get3A_1035 : vector<16xf32>
      %mul3A_1050 = arith.constant 5.000000e-01 : f32
      %mul3A_1051 = vector.broadcast %mul3A_1050 : f32 to vector<16xf32>
      %mul3A_1052 = arith.mulf %get3A_1037, %mul3A_1051 : vector<16xf32>
      %mul3A_1053 = arith.constant 5.000000e-01 : f32
      %mul3A_1054 = vector.broadcast %mul3A_1053 : f32 to vector<16xf32>
      %mul3A_1055 = arith.mulf %get3A_1039, %mul3A_1054 : vector<16xf32>
      %mul3A_1056 = arith.constant 7 : i32
      %mul3A_1057 = vector.broadcast %mul3A_1056 : i32 to vector<16xi32>
      %mul3A_1058 = arith.muli %add3A_1026, %mul3A_1057 : vector<16xi32>
      tpu.vector_store_idx %arg24[%mul3A_1058], %gather3A masked %lt3A_1027 : memref<704xf32, #tpu.memory_space<vmem>>[vector<16xi32>], vector<16xf32>, vector<16xi1>
      %add3A_1059 = arith.constant 1 : i32
      %add3A_1060 = vector.broadcast %add3A_1059 : i32 to vector<16xi32>
      %add3A_1061 = arith.addi %mul3A_1058, %add3A_1060 : vector<16xi32>
      %sub3A_1062 = arith.subf %add3A_1044, %mul3A_1052 : vector<16xf32>
      %mul3A_1063 = arith.constant 4.000000e+00 : f32
      %mul3A_1064 = vector.broadcast %mul3A_1063 : f32 to vector<16xf32>
      %mul3A_1065 = arith.mulf %sub3A_1062, %mul3A_1064 : vector<16xf32>
      tpu.vector_store_idx %arg24[%add3A_1061], %mul3A_1065 masked %lt3A_1027 : memref<704xf32, #tpu.memory_space<vmem>>[vector<16xi32>], vector<16xf32>, vector<16xi1>
      %add3A_1066 = arith.constant 2 : i32
      %add3A_1067 = vector.broadcast %add3A_1066 : i32 to vector<16xi32>
      %add3A_1068 = arith.addi %mul3A_1058, %add3A_1067 : vector<16xi32>
      %sub3A_1069 = arith.subf %add3A_1049, %mul3A_1055 : vector<16xf32>
      %mul3A_1070 = arith.constant 4.000000e+00 : f32
      %mul3A_1071 = vector.broadcast %mul3A_1070 : f32 to vector<16xf32>
      %mul3A_1072 = arith.mulf %sub3A_1069, %mul3A_1071 : vector<16xf32>
      tpu.vector_store_idx %arg24[%add3A_1068], %mul3A_1072 masked %lt3A_1027 : memref<704xf32, #tpu.memory_space<vmem>>[vector<16xi32>], vector<16xf32>, vector<16xi1>
      %add3A_1073 = arith.constant 3 : i32
      %add3A_1074 = vector.broadcast %add3A_1073 : i32 to vector<16xi32>
      %add3A_1075 = arith.addi %mul3A_1058, %add3A_1074 : vector<16xi32>
      %add3A_1076 = arith.addf %add3A_1044, %mul3A_1052 : vector<16xf32>
      %mul3A_1077 = arith.constant 4.000000e+00 : f32
      %mul3A_1078 = vector.broadcast %mul3A_1077 : f32 to vector<16xf32>
      %mul3A_1079 = arith.mulf %add3A_1076, %mul3A_1078 : vector<16xf32>
      tpu.vector_store_idx %arg24[%add3A_1075], %mul3A_1079 masked %lt3A_1027 : memref<704xf32, #tpu.memory_space<vmem>>[vector<16xi32>], vector<16xf32>, vector<16xi1>
      %add3A_1080 = arith.constant 4 : i32
      %add3A_1081 = vector.broadcast %add3A_1080 : i32 to vector<16xi32>
      %add3A_1082 = arith.addi %mul3A_1058, %add3A_1081 : vector<16xi32>
      %add3A_1083 = arith.addf %add3A_1049, %mul3A_1055 : vector<16xf32>
      %mul3A_1084 = arith.constant 4.000000e+00 : f32
      %mul3A_1085 = vector.broadcast %mul3A_1084 : f32 to vector<16xf32>
      %mul3A_1086 = arith.mulf %add3A_1083, %mul3A_1085 : vector<16xf32>
      tpu.vector_store_idx %arg24[%add3A_1082], %mul3A_1086 masked %lt3A_1027 : memref<704xf32, #tpu.memory_space<vmem>>[vector<16xi32>], vector<16xf32>, vector<16xi1>
      %add3A_1087 = arith.constant 5 : i32
      %add3A_1088 = vector.broadcast %add3A_1087 : i32 to vector<16xi32>
      %add3A_1089 = arith.addi %mul3A_1058, %add3A_1088 : vector<16xi32>
      tpu.vector_store_idx %arg24[%add3A_1089], %get3A_1029 masked %lt3A_1027 : memref<704xf32, #tpu.memory_space<vmem>>[vector<16xi32>], vector<16xf32>, vector<16xi1>
      %add3A_1090 = arith.constant 80 : i32
      %add3A_1091 = vector.broadcast %add3A_1090 : i32 to vector<16xi32>
      %add3A_1092 = arith.addi %add3A_1091, %iota3A : vector<16xi32>
      %lt3A_1093 = arith.cmpi slt, %add3A_1092, %min3A : vector<16xi32>
      %get3A_1094 = arith.constant 80 : index
      %get3A_1095 = tpu.vector_load %arg14[%get3A_1094] {strides = array<i32>} : memref<112xf32, #tpu.memory_space<vmem>>, vector<16xf32>,
      %get3A_1096 = arith.constant 80 : index
      %get3A_1097 = tpu.vector_load %arg15[%get3A_1096] {strides = array<i32>} : memref<112xi32, #tpu.memory_space<vmem>>, vector<16xi32>,
      %get3A_1098 = arith.constant 80 : index
      %get3A_1099 = tpu.vector_load %arg20[%get3A_1098] {strides = array<i32>} : memref<112xf32, #tpu.memory_space<vmem>>, vector<16xf32>,
      %get3A_1100 = arith.constant 80 : index
      %get3A_1101 = tpu.vector_load %arg21[%get3A_1100] {strides = array<i32>} : memref<112xf32, #tpu.memory_space<vmem>>, vector<16xf32>,
      %get3A_1102 = arith.constant 80 : index
      %get3A_1103 = tpu.vector_load %arg22[%get3A_1102] {strides = array<i32>} : memref<112xf32, #tpu.memory_space<vmem>>, vector<16xf32>,
      %get3A_1104 = arith.constant 80 : index
      %get3A_1105 = tpu.vector_load %arg23[%get3A_1104] {strides = array<i32>} : memref<112xf32, #tpu.memory_space<vmem>>, vector<16xf32>,
      %and3A_1106 = arith.constant 127 : i32
      %and3A_1107 = vector.broadcast %and3A_1106 : i32 to vector<16xi32>
      %and3A_1108 = arith.andi %get3A_1097, %and3A_1107 : vector<16xi32>
      %convert_element_type3A_1109 = arith.sitofp %and3A_1108 : vector<16xi32> to vector<16xf32>
      %add3A_1110 = arith.addf %convert_element_type3A_1109, %get3A_1099 : vector<16xf32>
      %shift_right_logical3A_1111 = arith.constant 7 : i32
      %shift_right_logical3A_1112 = vector.broadcast %shift_right_logical3A_1111 : i32 to vector<16xi32>
      %shift_right_logical3A_1113 = arith.shrui %get3A_1097, %shift_right_logical3A_1112 : vector<16xi32>
      %convert_element_type3A_1114 = arith.sitofp %shift_right_logical3A_1113 : vector<16xi32> to vector<16xf32>
      %add3A_1115 = arith.addf %convert_element_type3A_1114, %get3A_1101 : vector<16xf32>
      %mul3A_1116 = arith.constant 5.000000e-01 : f32
      %mul3A_1117 = vector.broadcast %mul3A_1116 : f32 to vector<16xf32>
      %mul3A_1118 = arith.mulf %get3A_1103, %mul3A_1117 : vector<16xf32>
      %mul3A_1119 = arith.constant 5.000000e-01 : f32
      %mul3A_1120 = vector.broadcast %mul3A_1119 : f32 to vector<16xf32>
      %mul3A_1121 = arith.mulf %get3A_1105, %mul3A_1120 : vector<16xf32>
      %mul3A_1122 = arith.constant 7 : i32
      %mul3A_1123 = vector.broadcast %mul3A_1122 : i32 to vector<16xi32>
      %mul3A_1124 = arith.muli %add3A_1092, %mul3A_1123 : vector<16xi32>
      tpu.vector_store_idx %arg24[%mul3A_1124], %gather3A masked %lt3A_1093 : memref<704xf32, #tpu.memory_space<vmem>>[vector<16xi32>], vector<16xf32>, vector<16xi1>
      %add3A_1125 = arith.constant 1 : i32
      %add3A_1126 = vector.broadcast %add3A_1125 : i32 to vector<16xi32>
      %add3A_1127 = arith.addi %mul3A_1124, %add3A_1126 : vector<16xi32>
      %sub3A_1128 = arith.subf %add3A_1110, %mul3A_1118 : vector<16xf32>
      %mul3A_1129 = arith.constant 4.000000e+00 : f32
      %mul3A_1130 = vector.broadcast %mul3A_1129 : f32 to vector<16xf32>
      %mul3A_1131 = arith.mulf %sub3A_1128, %mul3A_1130 : vector<16xf32>
      tpu.vector_store_idx %arg24[%add3A_1127], %mul3A_1131 masked %lt3A_1093 : memref<704xf32, #tpu.memory_space<vmem>>[vector<16xi32>], vector<16xf32>, vector<16xi1>
      %add3A_1132 = arith.constant 2 : i32
      %add3A_1133 = vector.broadcast %add3A_1132 : i32 to vector<16xi32>
      %add3A_1134 = arith.addi %mul3A_1124, %add3A_1133 : vector<16xi32>
      %sub3A_1135 = arith.subf %add3A_1115, %mul3A_1121 : vector<16xf32>
      %mul3A_1136 = arith.constant 4.000000e+00 : f32
      %mul3A_1137 = vector.broadcast %mul3A_1136 : f32 to vector<16xf32>
      %mul3A_1138 = arith.mulf %sub3A_1135, %mul3A_1137 : vector<16xf32>
      tpu.vector_store_idx %arg24[%add3A_1134], %mul3A_1138 masked %lt3A_1093 : memref<704xf32, #tpu.memory_space<vmem>>[vector<16xi32>], vector<16xf32>, vector<16xi1>
      %add3A_1139 = arith.constant 3 : i32
      %add3A_1140 = vector.broadcast %add3A_1139 : i32 to vector<16xi32>
      %add3A_1141 = arith.addi %mul3A_1124, %add3A_1140 : vector<16xi32>
      %add3A_1142 = arith.addf %add3A_1110, %mul3A_1118 : vector<16xf32>
      %mul3A_1143 = arith.constant 4.000000e+00 : f32
      %mul3A_1144 = vector.broadcast %mul3A_1143 : f32 to vector<16xf32>
      %mul3A_1145 = arith.mulf %add3A_1142, %mul3A_1144 : vector<16xf32>
      tpu.vector_store_idx %arg24[%add3A_1141], %mul3A_1145 masked %lt3A_1093 : memref<704xf32, #tpu.memory_space<vmem>>[vector<16xi32>], vector<16xf32>, vector<16xi1>
      %add3A_1146 = arith.constant 4 : i32
      %add3A_1147 = vector.broadcast %add3A_1146 : i32 to vector<16xi32>
      %add3A_1148 = arith.addi %mul3A_1124, %add3A_1147 : vector<16xi32>
      %add3A_1149 = arith.addf %add3A_1115, %mul3A_1121 : vector<16xf32>
      %mul3A_1150 = arith.constant 4.000000e+00 : f32
      %mul3A_1151 = vector.broadcast %mul3A_1150 : f32 to vector<16xf32>
      %mul3A_1152 = arith.mulf %add3A_1149, %mul3A_1151 : vector<16xf32>
      tpu.vector_store_idx %arg24[%add3A_1148], %mul3A_1152 masked %lt3A_1093 : memref<704xf32, #tpu.memory_space<vmem>>[vector<16xi32>], vector<16xf32>, vector<16xi1>
      %add3A_1153 = arith.constant 5 : i32
      %add3A_1154 = vector.broadcast %add3A_1153 : i32 to vector<16xi32>
      %add3A_1155 = arith.addi %mul3A_1124, %add3A_1154 : vector<16xi32>
      tpu.vector_store_idx %arg24[%add3A_1155], %get3A_1095 masked %lt3A_1093 : memref<704xf32, #tpu.memory_space<vmem>>[vector<16xi32>], vector<16xf32>, vector<16xi1>
      %add3A_1156 = arith.constant 96 : i32
      %add3A_1157 = vector.broadcast %add3A_1156 : i32 to vector<16xi32>
      %add3A_1158 = arith.addi %add3A_1157, %iota3A : vector<16xi32>
      %lt3A_1159 = arith.cmpi slt, %add3A_1158, %min3A : vector<16xi32>
      %get3A_1160 = arith.constant 96 : index
      %get3A_1161 = tpu.vector_load %arg14[%get3A_1160] {strides = array<i32>} : memref<112xf32, #tpu.memory_space<vmem>>, vector<16xf32>,
      %get3A_1162 = arith.constant 96 : index
      %get3A_1163 = tpu.vector_load %arg15[%get3A_1162] {strides = array<i32>} : memref<112xi32, #tpu.memory_space<vmem>>, vector<16xi32>,
      %get3A_1164 = arith.constant 96 : index
      %get3A_1165 = tpu.vector_load %arg20[%get3A_1164] {strides = array<i32>} : memref<112xf32, #tpu.memory_space<vmem>>, vector<16xf32>,
      %get3A_1166 = arith.constant 96 : index
      %get3A_1167 = tpu.vector_load %arg21[%get3A_1166] {strides = array<i32>} : memref<112xf32, #tpu.memory_space<vmem>>, vector<16xf32>,
      %get3A_1168 = arith.constant 96 : index
      %get3A_1169 = tpu.vector_load %arg22[%get3A_1168] {strides = array<i32>} : memref<112xf32, #tpu.memory_space<vmem>>, vector<16xf32>,
      %get3A_1170 = arith.constant 96 : index
      %get3A_1171 = tpu.vector_load %arg23[%get3A_1170] {strides = array<i32>} : memref<112xf32, #tpu.memory_space<vmem>>, vector<16xf32>,
      %and3A_1172 = arith.constant 127 : i32
      %and3A_1173 = vector.broadcast %and3A_1172 : i32 to vector<16xi32>
      %and3A_1174 = arith.andi %get3A_1163, %and3A_1173 : vector<16xi32>
      %convert_element_type3A_1175 = arith.sitofp %and3A_1174 : vector<16xi32> to vector<16xf32>
      %add3A_1176 = arith.addf %convert_element_type3A_1175, %get3A_1165 : vector<16xf32>
      %shift_right_logical3A_1177 = arith.constant 7 : i32
      %shift_right_logical3A_1178 = vector.broadcast %shift_right_logical3A_1177 : i32 to vector<16xi32>
      %shift_right_logical3A_1179 = arith.shrui %get3A_1163, %shift_right_logical3A_1178 : vector<16xi32>
      %convert_element_type3A_1180 = arith.sitofp %shift_right_logical3A_1179 : vector<16xi32> to vector<16xf32>
      %add3A_1181 = arith.addf %convert_element_type3A_1180, %get3A_1167 : vector<16xf32>
      %mul3A_1182 = arith.constant 5.000000e-01 : f32
      %mul3A_1183 = vector.broadcast %mul3A_1182 : f32 to vector<16xf32>
      %mul3A_1184 = arith.mulf %get3A_1169, %mul3A_1183 : vector<16xf32>
      %mul3A_1185 = arith.constant 5.000000e-01 : f32
      %mul3A_1186 = vector.broadcast %mul3A_1185 : f32 to vector<16xf32>
      %mul3A_1187 = arith.mulf %get3A_1171, %mul3A_1186 : vector<16xf32>
      %mul3A_1188 = arith.constant 7 : i32
      %mul3A_1189 = vector.broadcast %mul3A_1188 : i32 to vector<16xi32>
      %mul3A_1190 = arith.muli %add3A_1158, %mul3A_1189 : vector<16xi32>
      tpu.vector_store_idx %arg24[%mul3A_1190], %gather3A masked %lt3A_1159 : memref<704xf32, #tpu.memory_space<vmem>>[vector<16xi32>], vector<16xf32>, vector<16xi1>
      %add3A_1191 = arith.constant 1 : i32
      %add3A_1192 = vector.broadcast %add3A_1191 : i32 to vector<16xi32>
      %add3A_1193 = arith.addi %mul3A_1190, %add3A_1192 : vector<16xi32>
      %sub3A_1194 = arith.subf %add3A_1176, %mul3A_1184 : vector<16xf32>
      %mul3A_1195 = arith.constant 4.000000e+00 : f32
      %mul3A_1196 = vector.broadcast %mul3A_1195 : f32 to vector<16xf32>
      %mul3A_1197 = arith.mulf %sub3A_1194, %mul3A_1196 : vector<16xf32>
      tpu.vector_store_idx %arg24[%add3A_1193], %mul3A_1197 masked %lt3A_1159 : memref<704xf32, #tpu.memory_space<vmem>>[vector<16xi32>], vector<16xf32>, vector<16xi1>
      %add3A_1198 = arith.constant 2 : i32
      %add3A_1199 = vector.broadcast %add3A_1198 : i32 to vector<16xi32>
      %add3A_1200 = arith.addi %mul3A_1190, %add3A_1199 : vector<16xi32>
      %sub3A_1201 = arith.subf %add3A_1181, %mul3A_1187 : vector<16xf32>
      %mul3A_1202 = arith.constant 4.000000e+00 : f32
      %mul3A_1203 = vector.broadcast %mul3A_1202 : f32 to vector<16xf32>
      %mul3A_1204 = arith.mulf %sub3A_1201, %mul3A_1203 : vector<16xf32>
      tpu.vector_store_idx %arg24[%add3A_1200], %mul3A_1204 masked %lt3A_1159 : memref<704xf32, #tpu.memory_space<vmem>>[vector<16xi32>], vector<16xf32>, vector<16xi1>
      %add3A_1205 = arith.constant 3 : i32
      %add3A_1206 = vector.broadcast %add3A_1205 : i32 to vector<16xi32>
      %add3A_1207 = arith.addi %mul3A_1190, %add3A_1206 : vector<16xi32>
      %add3A_1208 = arith.addf %add3A_1176, %mul3A_1184 : vector<16xf32>
      %mul3A_1209 = arith.constant 4.000000e+00 : f32
      %mul3A_1210 = vector.broadcast %mul3A_1209 : f32 to vector<16xf32>
      %mul3A_1211 = arith.mulf %add3A_1208, %mul3A_1210 : vector<16xf32>
      tpu.vector_store_idx %arg24[%add3A_1207], %mul3A_1211 masked %lt3A_1159 : memref<704xf32, #tpu.memory_space<vmem>>[vector<16xi32>], vector<16xf32>, vector<16xi1>
      %add3A_1212 = arith.constant 4 : i32
      %add3A_1213 = vector.broadcast %add3A_1212 : i32 to vector<16xi32>
      %add3A_1214 = arith.addi %mul3A_1190, %add3A_1213 : vector<16xi32>
      %add3A_1215 = arith.addf %add3A_1181, %mul3A_1187 : vector<16xf32>
      %mul3A_1216 = arith.constant 4.000000e+00 : f32
      %mul3A_1217 = vector.broadcast %mul3A_1216 : f32 to vector<16xf32>
      %mul3A_1218 = arith.mulf %add3A_1215, %mul3A_1217 : vector<16xf32>
      tpu.vector_store_idx %arg24[%add3A_1214], %mul3A_1218 masked %lt3A_1159 : memref<704xf32, #tpu.memory_space<vmem>>[vector<16xi32>], vector<16xf32>, vector<16xi1>
      %add3A_1219 = arith.constant 5 : i32
      %add3A_1220 = vector.broadcast %add3A_1219 : i32 to vector<16xi32>
      %add3A_1221 = arith.addi %mul3A_1190, %add3A_1220 : vector<16xi32>
      tpu.vector_store_idx %arg24[%add3A_1221], %get3A_1161 masked %lt3A_1159 : memref<704xf32, #tpu.memory_space<vmem>>[vector<16xi32>], vector<16xf32>, vector<16xi1>
      %mul3A_1222 = arith.constant 704 : i32
      %mul3A_1223 = arith.muli %add3A, %mul3A_1222 : i32
      "tpu.region"() ({
        %run_scoped3A = tpu.sem_alloc : memref<!tpu.dma_semaphore, #tpu.memory_space<semaphore_mem>>
        %dma_start3A_1224 = tpu.memref_slice %arg6[%mul3A_1223] : memref<11264xf32, #tpu.memory_space<hbm>> -> memref<704xf32, #tpu.memory_space<hbm>>
        %dma_start3A_1225 = tpu.memref_slice %arg6[%mul3A_1223] : memref<11264xf32, #tpu.memory_space<hbm>> -> memref<704xf32, #tpu.memory_space<hbm>>
        tpu.enqueue_dma source(%arg24 : memref<704xf32, #tpu.memory_space<vmem>>) target(%dma_start3A_1225 : memref<704xf32, #tpu.memory_space<hbm>>) target_semaphore(%run_scoped3A : memref<!tpu.dma_semaphore, #tpu.memory_space<semaphore_mem>>)
        %dma_wait3A_1226 = tpu.memref_slice %arg6[%mul3A_1223] : memref<11264xf32, #tpu.memory_space<hbm>> -> memref<704xf32, #tpu.memory_space<hbm>>
        %dma_wait3A_1227 = tpu.memref_slice %arg6[%mul3A_1223] : memref<11264xf32, #tpu.memory_space<hbm>> -> memref<704xf32, #tpu.memory_space<hbm>>
        tpu.wait_dma2 semaphore(%run_scoped3A : memref<!tpu.dma_semaphore, #tpu.memory_space<semaphore_mem>>) src(%arg24 : memref<704xf32, #tpu.memory_space<vmem>>) dst(%dma_wait3A_1227 : memref<704xf32, #tpu.memory_space<hbm>>)
        tpu.yield
      }) : () -> ()
    } else {
    }
    return
  }
}

</mosaic_0001>

<sc_bundles>
// kernel: kernel.3.cloned.1.call-start
scs
__scs_entry_jumppad:
0x0: {  	(pc) =	sbr.rel $0x88, $3  }
0x1: {  	(tag) =	ssettag $0x0;
	lr =	simm.s32 $0x1  }
0x2: {  	[smem:$0x3F9D] =	sst lr;
	_ =	strace $0xD0000000  }
0x3: {  	_ = 	snop  }
0x4: {  	_ = 	snop  }
0x5: {  	_ = 	snop  }
0x6: {  	_ = 	snop  }
0x7: {  	_ = 	snop  }
__scs_overlays_trampoline_lowered:
0x8: {  	[smem:$0x3FAC] =	sst s0  }
0x9: {  	[smem:$0x3FAD] =	sst s1  }
0xa: {  	[smem:$0x3FAE] =	sst s2  }
0xb: {  	[smem:$0x3FAF] =	sst s3  }
0xc: {  	[smem:$0x3FB0] =	sst s4  }
0xd: {  	[smem:$0x3FB1] =	sst s5  }
0xe: {  	[smem:$0x3FB2] =	sst s6  }
0xf: {  	[smem:$0x3FB3] =	sst s7  }
0x10: {  	[smem:$0x3FB4] =	sst s8  }
0x11: {  	[smem:$0x3FB5] =	sst s9;
	s0 =	simm.s32 @!p0 $0x0  }
0x12: {  	s1 =	sld [smem:$0x3F9B];
	s0 =	simm.s32 @p0 $0x1  }
0x13: {  	[smem:$0x3FB6] =	sst s0;
	s0 =	simm.s32 @!p1 $0x0  }
0x14: {  	s2 =	sld [smem:$0x3F9A];
	s0 =	simm.s32 @p1 $0x1  }
0x15: {  	[smem:$0x3FB7] =	sst s0;
	s0 =	simm.s32 @!p2 $0x0  }
0x16: {  	s3 =	sld [smem:$0x3FDB];
	s0 =	simm.s32 @p2 $0x1  }
0x17: {  	s4 =	simm.s32 $0x1BF5;
	[smem:$0x3FB9] =	sst s0  }
0x18: {  	s0 =	sld [smem:$0x3F9C];
	_ =	swait.ge [sflag:s4], $0x0  }
0x19: {  	s7 =	sld [smem:$0x3F9D]  }
0x1a: {  	s8 =	sadd.s32 $0xFFFFE003, lr  }
0x1b: {  	s9 =	sadd.s32 $0xFFFFFEF7, lr;
	s5 =	simm.s32 $0xFFFFFFFF;
	p2 =	slt.u32 s8, $0xFFFFF086  }
0x1c: {  	p1 =	slt.u32 s9, $0xF7A;
	s5 =	simm.s32 @!p2 $0x0  }
0x1d: {  	s5 =	simm.s32 @p1 $0x1;
	p0 =	seq.s32 s7, s2  }
0x1e: {  	s7 =	smul.u32 @!p0 $0xF7A, s2;
	p2 =	seq.s32 @!p0 s5, $0x0  }
0x1f: {  	s9 =	smul.u32 $0xF7A, s1;
	s8 =	simm.s32 @!p0 $0x1BF5;
	p2 =	por !p2, p0  }
0x20: {  	[sflag:s8] =	ssyncset.s32 @!p0 $0xFFFFF086;
	s6 =	sadd.s32 @!p0 s3, s7;
	s7 =	simm.s32 @!p0 $0x108  }
0x21: {  	s3 =	sadd.s32 s3, s9;
	s6 =	sadd.s32 @!p0 $0x88, s6;
	s7 =	simm.s32 @p2 $0x1082  }
0x22: {  	[simem:s7], [sflag:s8] =	dma.local @!p0 [hbm:s6], $0xF7A  }
0x23: {  	s9 =	sor.u32 $0xD0000000, s2;
	s6 =	simm.s32 $0x108;
	_ =	swait.ge @!p0 [sflag:s8], $0x0  }
0x24: {  	s3 =	sadd.s32 $0x88, s3;
	s6 =	simm.s32 @!p1 $0x1082;
	[sflag:s4] =	ssyncset.s32 $0xFFFFF086  }
0x25: {  	[simem:s6], [sflag:s4] =	dma.local [hbm:s3], $0xF7A  }
0x26: {  	[smem:$0x3F9D] =	sst s1;
	(tag) =	ssettag s2;
	_ =	strace s9  }
0x27: {  	s1 =	sld [smem:$0x3FAD]  }
0x28: {  	s2 =	sld [smem:$0x3FAE]  }
0x29: {  	s4 =	sld [smem:$0x3FB0]  }
0x2a: {  	p0 =	seq.s32 s5, $0x0;
	s5 =	sld [smem:$0x3FB1]  }
0x2b: {  	s6 =	sld [smem:$0x3FB2]  }
0x2c: {  	s7 =	sld [smem:$0x3FB3]  }
0x2d: {  	s3 =	simm.s32 $0x108;
	s8 =	sld [smem:$0x3FB4]  }
0x2e: {  	s3 =	simm.s32 @!p0 $0x1082;
	s9 =	sld [smem:$0x3FB5]  }
0x2f: {  	lr =	sadd.s32 s0, s3;
	s0 =	sld [smem:$0x3FAC]  }
0x30: {  	s3 =	sld [smem:$0x3FAF]  }
0x31: {  	[smem:$0x3FB8] =	sst s10  }
0x32: {  	s10 =	sld [smem:$0x3FB6];
	_ =	sdelay $0x3  }
0x33: {  	p0 =	seq.s32 s10, $0x1;
	s10 =	sld [smem:$0x3FB8];
	_ =	sdelay $0x3  }
0x34: {  	[smem:$0x3FB8] =	sst s10  }
0x35: {  	s10 =	sld [smem:$0x3FB7];
	_ =	sdelay $0x3  }
0x36: {  	p1 =	seq.s32 s10, $0x1;
	s10 =	sld [smem:$0x3FB8];
	_ =	sdelay $0x3  }
0x37: {  	[smem:$0x3FB8] =	sst s10  }
0x38: {  	s10 =	sld [smem:$0x3FB9]  }
0x39: {  	_ = 	snop;
	(pc) =	sbr.ind lr, $3  }
0x3a: {  	_ = 	snop  }
0x3b: {  	_ = 	snop  }
0x3c: {  	p2 =	seq.s32 s10, $0x1;
	s10 =	sld [smem:$0x3FB8]  }
0x3d: {  	_ =	shalt  }
0x3e: {  	_ =	shalt  }
0x3f: {  	_ =	shalt  }
0x40: {  	_ =	shalt  }
0x41: {  	_ =	shalt  }
0x42: {  	_ =	shalt  }
0x43: {  	_ =	shalt  }
0x44: {  	_ =	shalt  }
0x45: {  	_ =	shalt  }
0x46: {  	_ =	shalt  }
0x47: {  	_ =	shalt  }
0x48: {  	_ =	shalt  }
0x49: {  	_ =	shalt  }
0x4a: {  	_ =	shalt  }
0x4b: {  	_ =	shalt  }
0x4c: {  	_ =	shalt  }
0x4d: {  	_ =	shalt  }
0x4e: {  	_ =	shalt  }
0x4f: {  	_ =	shalt  }
0x50: {  	_ =	shalt  }
0x51: {  	_ =	shalt  }
0x52: {  	_ =	shalt  }
0x53: {  	_ =	shalt  }
0x54: {  	_ =	shalt  }
0x55: {  	_ =	shalt  }
0x56: {  	_ =	shalt  }
0x57: {  	_ =	shalt  }
0x58: {  	_ =	shalt  }
0x59: {  	_ =	shalt  }
0x5a: {  	_ =	shalt  }
0x5b: {  	_ =	shalt  }
0x5c: {  	_ =	shalt  }
0x5d: {  	_ =	shalt  }
0x5e: {  	_ =	shalt  }
0x5f: {  	_ =	shalt  }
0x60: {  	_ =	shalt  }
0x61: {  	_ =	shalt  }
0x62: {  	_ =	shalt  }
0x63: {  	_ =	shalt  }
0x64: {  	_ =	shalt  }
0x65: {  	_ =	shalt  }
0x66: {  	_ =	shalt  }
0x67: {  	_ =	shalt  }
0x68: {  	_ =	shalt  }
0x69: {  	_ =	shalt  }
0x6a: {  	_ =	shalt  }
0x6b: {  	_ =	shalt  }
0x6c: {  	_ =	shalt  }
0x6d: {  	_ =	shalt  }
0x6e: {  	_ =	shalt  }
0x6f: {  	_ =	shalt  }
0x70: {  	_ =	shalt  }
0x71: {  	_ =	shalt  }
0x72: {  	_ =	shalt  }
0x73: {  	_ =	shalt  }
0x74: {  	_ =	shalt  }
0x75: {  	_ =	shalt  }
0x76: {  	_ =	shalt  }
0x77: {  	_ =	shalt  }
0x78: {  	_ =	shalt  }
0x79: {  	_ =	shalt  }
0x7a: {  	_ =	shalt  }
0x7b: {  	_ =	shalt  }
0x7c: {  	_ =	shalt  }
0x7d: {  	_ =	shalt  }
0x7e: {  	_ =	shalt  }
0x7f: {  	_ =	shalt  }
0x80: {  	_ =	shalt  }
0x81: {  	_ =	shalt  }
0x82: {  	_ =	shalt  }
0x83: {  	_ =	shalt  }
0x84: {  	_ =	shalt  }
0x85: {  	_ =	shalt  }
0x86: {  	_ =	shalt  }
0x87: {  	_ =	shalt  }
.Lfunc_end0:
.L_simem_size_0:
called_computation_lowered:
.L_overlay_start_0:
0x88: {  	s2 =	sld [smem:$0x3FD9]  }
0x89: {  	s3 =	sld [smem:$0x3FFE];
	_ =	sdelay $0x1  }
0x8a: {  	s1 =	srdreg.scid  }
0x8b: {  	s0 =	sand.u32 $0x1, s1  }
0x8c: {  	s17 =	sshll.u32 s0, $0xA;
	s2 =	sadd.s32 s3, s2  }
0x8d: {  	s2 =	sadd.s32 s2, s17  }
0x8e: {  	[smem:$0x3FC4] =	sst s2  }
0x8f: {  	_ = 	snop  }
0x90: {  	s2 =	sld [smem:$0x3FC9]  }
0x91: {  	s18 =	sld [smem:$0x3FC8]  }
0x92: {  	s4 =	sld [smem:$0x3FC7]  }
0x93: {  	s5 =	sld [smem:$0x3FD0];
	(tm) =	ssettm $0x1  }
0x94: {  	s6 =	sld [smem:$0x3FFB];
	_ =	sdelay $0x3  }
0x95: {  	_ =	strace s6  }
0x96: {  	s6 =	sld [smem:$0x3FFC];
	_ =	sdelay $0x3  }
0x97: {  	_ =	strace s6  }
0x98: {  	s6 =	sld [smem:$0x3FFD];
	_ =	sdelay $0x3  }
0x99: {  	_ =	strace s6  }
0x9a: {  	_ =	strace $0x8FFFFFFF  }
0x9b: {  	s19 =	sld [smem:$0x3FDB];
	_ =	sdelay $0x1  }
0x9c: {  	s7 =	simm.s32 $_scs_section_size  }
0x9d: {  	s8 =	simm.s32 $_size__tile_overlayer_lowered;
	s9 =	simm.s32 $_tile_overlayer_lowered  }
0x9e: {  	s22 =	simm.s32 $0x1BFF;
	s21 =	sshll.u32 s9, $0x1;
	s6 =	sadd.s32 s7, s19  }
0x9f: {  	s10 =	simm.s32 $0x0;
	s20 =	sshll.u32 s8, $0x1;
	s8 =	sadd.s32 s21, s6  }
0xa0: {  	[timem:s10], [sflag:s22] =	dma.local [hbm:s8], s20  }
0xa1: {  	_ =	swait.ge [sflag:s22], s20  }
0xa2: {  	s7 =	ssub.s32 $0x0, s20;
	[sflag:s22] =	ssyncset.done $0x0  }
0xa3: {  	[sflag:s22] =	ssyncadd.s32 s7;
	_ =	sdelay $0x1  }
0xa4: {  	s23 =	simm.s32 $0x1B8B  }
0xa5: {  	_ =	swait.ge [sflag:s23], $0x1  }
0xa6: {  	[sflag:s23] =	ssyncset.done $0x0  }
0xa7: {  	s25 =	simm.s32 $0x1B8E;
	s24 =	sld [smem:$0x3FFE];
	[sflag:s23] =	ssyncadd.s32 $0xFFFFFFFF  }
0xa8: {  	s26 =	simm.s32 $execute0_lowered;
	[smem:$0x3FD2] =	sst s25  }
0xa9: {  	s8 =	sshll.u32 s26, $0x1;
	_ =	strace $0x80000046;
	[dreg:$0x1] =	wrdreg $0xFFFFFFFF  }
0xaa: {  	s28 =	simm.s32 $_size_execute0_lowered;
	s6 =	sadd.s32 s6, s8;
	[dreg:$0x0] =	wrdreg $0x0  }
0xab: {  	s8 =	sshll.u32 s28, $0x1;
	[dreg:$0x2] =	wrdreg s6  }
0xac: {  	[dreg:$0x3] =	wrdreg s8  }
0xad: {  	[dreg:$0x4] =	wrdreg $0xC0  }
0xae: {  	_ =	task [dreg:s10], $0x5FFFF  }
0xaf: {  	[dreg:$0x1] =	wrdreg $0xFFFFFFFF  }
0xb0: {  	[dreg:$0x0] =	wrdreg $0x60  }
0xb1: {  	[dreg:$0x2] =	wrdreg s2  }
0xb2: {  	[dreg:$0x3] =	wrdreg s4  }
0xb3: {  	[dreg:$0x4] =	wrdreg s18  }
0xb4: {  	[dreg:$0x5] =	wrdreg s24  }
0xb5: {  	[dreg:$0x6] =	wrdreg s5  }
0xb6: {  	[dreg:$0x7] =	wrdreg $0x9  }
0xb7: {  	_ =	task.clear_ibuf [dreg:s10], $0x8FFFF;
	_ =	strace $0x90000046  }
0xb8: {  	s29 =	simm.s32 $0x9;
	_ =	strace $0x80000048  }
0xb9: {  	_ =	swait.ge [sflag:s29], $0x1  }
0xba: {  	[sflag:s29] =	ssyncadd.s32 $0xFFFFFFFF  }
0xbb: {  	_ =	strace $0x90000048  }
0xbc: {  	_ =	sfence  }
0xbd: {  	s30 =	sld [smem:$0x0];
	_ =	sdelay $0x2  }
0xbe: {  	s31 =	sshll.u32 s1, $0xD;
	s1 =	sshrl.u32 s1, $0x2  }
0xbf: {  	s3 =	sand.u32 $0x4000, s31;
	s1 =	sadd.s32 s1, s30  }
0xc0: {  	s0 =	sor.u32 s3, s0;
	s1 =	sshll.u32 s1, $0x11  }
0xc1: {  	s0 =	sor.u32 s1, s0  }
0xc2: {  	s0 =	sadd.s32 $0x8F2B, s0  }
0xc3: {  	[sflag:s0] =	ssyncadd.remote.s32 $0x1  }
0xc4: {  	_ =	sfence.sel $0xFFFF  }
0xc5: {  	[dreg:$0x0] =	wrdreg $0xFFFFFFFF;
	(pc) =	sbr.abs _section_cstart, $3  }
0xc6: {  	[dreg:$0x1] =	wrdreg $0xFFFFFFFF  }
0xc7: {  	_ =	task.clear_ibuf [dreg:s10], $0x2FFFF;
	_ =	strace $0x9FFFFFFF  }
0xc8: {  	(tm) =	ssettm $0x7FFFFFFF  }
0xc9: {  	_ =	shalt  }
tec
execute0_lowered:
.L_overlay_start_1:
0x0: {  	(tag) =	ssettag $0x1  }
0x1: {  	s6 =	stileid.u32  }
0x2: {  	s0 =	rddreg [dreg:$0x0];
	p0 =	sgt.u32 s6, $0x7  }
.Ltmp0:
0x3: {  	s1 =	rddreg [dreg:$0x1];
	(pc) =	sbr.rel @p0 .LBB2_33-.Ltmp0, $4  }
0x4: {  	s2 =	rddreg [dreg:$0x2]  }
0x5: {  	s5 =	rddreg [dreg:$0x3];
	s4 =	simm.s32 $0x0  }
0x6: {  	[smem:$0x7FF] =	sst s4  }
0x7: {  	s3 =	rddreg [dreg:$0x4];
	_ =	strace $0x80000047  }
0x8: {  	v1 =	vlaneseq.u32;
	v4 =	vimm.f32 $-Inf  }
0x9: {  	s6 =	srdreg.scid;
	s7 =	stileid.u32;
	v5 =	vimm.s32 $0x0;
	v6 =	vimm.f32 $0.0e+00;
	v7 =	vimm.f32 $-1.000000000e+00  }
0xa: {  	s5 =	sadd.s32 $0x400, s5;
	v10 =	vimm.s32 $0x1;
	vm0 =	vmmov $0x1;
	s6 =	sand.u32 $0x1, s6;
	s7 =	sshll.u32 s7, $0x1;
	v11 =	vmul.u32 $0xFFFFFFFF, v1  }
0xb: {  	s11 =	simm.s32 $0x11480;
	s12 =	simm.s32 $0x8180;
	v9 =	vmul.u32 $0x7, v1;
	v12 =	vor.u32 $0x80000000, v1;
	v18 =	vor.u32 $0x10, v1;
	s7 =	sor.u32 s6, s7  }
0xc: {  	s13 =	simm.s32 $0xC200;
	s14 =	simm.s32 $0x1;
	s15 =	simm.s32 $0x10280;
	v25 =	vor.u32 $0x20, v1;
	v32 =	vor.u32 $0x30, v1;
	v3 =	vmov s7  }
0xd: {  	s16 =	simm.s32 $0x10980;
	s17 =	simm.s32 $0x10B00;
	s18 =	simm.s32 $0x10C80;
	v8 =	vadd.s32 $0x7F, v11;
	v11 =	vadd.s32 $0xF, v11;
	v13 =	vadd.s32 $0x1, v9  }
0xe: {  	s19 =	simm.s32 $0x10D00;
	s20 =	simm.s32 $0x70;
	s24 =	simm.s32 $0x11000;
	v14 =	vadd.s32 $0x2, v9;
	v15 =	vadd.s32 $0x3, v9;
	v16 =	vadd.s32 $0x4, v9  }
0xf: {  	s28 =	simm.s32 $0x10F00;
	s29 =	simm.s32 $0x11100;
	s30 =	simm.s32 $0x11180;
	v17 =	vadd.s32 $0x5, v9;
	v19 =	vadd.s32 $0x70, v9;
	v20 =	vadd.s32 $0x71, v9  }
.Ltmp1:
0x10: {  	s31 =	simm.s32 $0x0;
	s9 =	ssub.s32 $0x2, s6;
	v21 =	vadd.s32 $0x72, v9;
	v22 =	vadd.s32 $0x73, v9;
	v23 =	vadd.s32 $0x74, v9;
	(pc) =	sbr.rel .LBB2_2-.Ltmp1, $4  }
0x11: {  	s8 =	sshll.u32 s7, $0xF;
	s25 =	smul.u32 $0x58, s7;
	s10 =	sshrl.u32 s9, $0x1;
	v24 =	vadd.s32 $0x75, v9;
	v26 =	vadd.s32 $0xE0, v9;
	v27 =	vadd.s32 $0xE1, v9  }
0x12: {  	s7 =	sshll.u32 s7, $0xB;
	v28 =	vadd.s32 $0xE2, v9;
	v29 =	vadd.s32 $0xE3, v9;
	v0 =	vmov s8;
	s8 =	sor.u32 $0x4000, s8;
	s26 =	ssub.s32 s9, s10  }
0x13: {  	v30 =	vadd.s32 $0xE4, v9;
	v31 =	vadd.s32 $0xE5, v9;
	v33 =	vadd.s32 $0x150, v9;
	s7 =	sadd.s32 s0, s7;
	s10 =	simm.s32 $0x2;
	s6 =	sadd.s32 s3, s25  }
0x14: {  	v34 =	vadd.s32 $0x151, v9;
	v35 =	vadd.s32 $0x152, v9;
	v2 =	vmov s8;
	s8 =	smax.u32 s26, $0x1;
	s25 =	simm.s32 $0x10E80;
	s26 =	simm.s32 $0x11080  }
.LBB2_32:
0x15: {  	v37 =	vld [tilespmem:$0x10D00];
	_ =	sdelay $0x3  }
0x16: {  	v38 =	vld [tilespmem:$0x10D10]  }
0x17: {  	v39 =	vadd.s32 v0, v37  }
0x18: {  	v37 =	vadd.s32 v2, v37;
	[tilespmem:$0x10D80] =	vst v39  }
0x19: {  	[tilespmem:$0x10E00] =	vst v37  }
0x1a: {  	v60 =	vld [tilespmem:$0x10D20];
	[tilespmem:$0x10E80] =	vst v39  }
0x1b: {  	v61 =	vadd.s32 v0, v38;
	[tilespmem:$0x10F00] =	vst v37  }
0x1c: {  	v62 =	vld [tilespmem:$0x10D30];
	v38 =	vadd.s32 v2, v38;
	[tilespmem:$0x10D90] =	vst v61  }
0x1d: {  	[tilespmem:$0x10E10] =	vst v38  }
0x1e: {  	v42 =	vld [tilespmem:$0x10D40];
	[tilespmem:$0x10E90] =	vst v61  }
0x1f: {  	v63 =	vadd.s32 v0, v60;
	[tilespmem:$0x10F10] =	vst v38  }
0x20: {  	v44 =	vld [tilespmem:$0x10D50];
	[tilespmem:$0x10DA0] =	vst v63  }
0x21: {  	v43 =	vadd.s32 v0, v62;
	[tilespmem:$0x10EA0] =	vst v63  }
0x22: {  	v46 =	vld [tilespmem:$0x10D60];
	[tilespmem:$0x10DB0] =	vst v43  }
0x23: {  	v45 =	vadd.s32 v0, v42;
	[tilespmem:$0x10EB0] =	vst v43  }
0x24: {  	[tilespmem:$0x10DC0] =	vst v45  }
0x25: {  	v47 =	vadd.s32 v0, v44;
	[tilespmem:$0x10EC0] =	vst v45  }
0x26: {  	[tilespmem:$0x10DD0] =	vst v47  }
0x27: {  	v48 =	vadd.s32 v0, v46;
	[tilespmem:$0x10ED0] =	vst v47  }
0x28: {  	[tilespmem:$0x10DE0] =	vst v48  }
0x29: {  	v39 =	vadd.s32 v2, v60;
	[tilespmem:$0x10EE0] =	vst v48  }
0x2a: {  	[tilespmem:$0x10E20] =	vst v39  }
0x2b: {  	v37 =	vadd.s32 v2, v62;
	[tilespmem:$0x10F20] =	vst v39  }
0x2c: {  	[tilespmem:$0x10E30] =	vst v37  }
0x2d: {  	v38 =	vadd.s32 v2, v42;
	[tilespmem:$0x10F30] =	vst v37  }
0x2e: {  	[tilespmem:$0x10E40] =	vst v38  }
0x2f: {  	[tilespmem:$0x10F40] =	vst v38;
	v39 =	vadd.s32 v2, v44  }
0x30: {  	[tilespmem:$0x10E50] =	vst v39  }
0x31: {  	v37 =	vadd.s32 v2, v46;
	[tilespmem:$0x10F50] =	vst v39  }
0x32: {  	[tilespmem:$0x10E60] =	vst v37  }
0x33: {  	s0 =	simm.s32 $0x10D80;
	s3 =	simm.s32 $0x10F80;
	[tilespmem:$0x10F60] =	vst v37  }
0x34: {  	[tilespmem:s3], [sflag:$0x1] =	stream.indirect.gather [hbm4b:s1+s20], $0x1, s0, s20, $0xb8;
	[tilespmem:$0x11500] =	vst v63  }
0x35: {  	s23 =	simm.s32 $0x10E00  }
0x36: {  	[tilespmem:s24], [sflag:$0x1] =	stream.indirect.gather [hbm4b:s1+s20], $0x1, s23, s20, $0xb8;
	[tilespmem:$0x11500] =	vst v63  }
0x37: {  	_ = 	snop  }
0x38: {  	[tilespmem:s26], [sflag:$0x1] =	stream.indirect.gather [hbm4b:s2+s20], $0x1, s25, s20, $0xb8;
	[tilespmem:$0x11500] =	vst v63  }
0x39: {  	_ = 	snop  }
0x3a: {  	[tilespmem:s29], [sflag:$0x1] =	stream.indirect.gather [hbm4b:s2+s20], $0x1, s28, s20, $0xb8;
	[tilespmem:$0x11500] =	vst v63  }
0x3b: {  	_ =	swait.ge [sflag:s14], $0x70  }
0x3c: {  	[sflag:s14] =	ssyncset.done $0x0  }
0x3d: {  	[sflag:s14] =	ssyncadd.s32 $0xFFFFFF90  }
0x3e: {  	_ =	swait.ge [sflag:s14], $0x70  }
0x3f: {  	[sflag:s14] =	ssyncset.done $0x0  }
0x40: {  	[sflag:s14] =	ssyncadd.s32 $0xFFFFFF90  }
0x41: {  	_ =	swait.ge [sflag:s14], $0x70  }
0x42: {  	[sflag:s14] =	ssyncset.done $0x0  }
0x43: {  	[sflag:s14] =	ssyncadd.s32 $0xFFFFFF90  }
0x44: {  	_ =	swait.ge [sflag:s14], $0x70  }
0x45: {  	[sflag:s14] =	ssyncset.done $0x0  }
0x46: {  	[sflag:s14] =	ssyncadd.s32 $0xFFFFFF90  }
0x47: {  	v49 =	vld [tilespmem:$0x10D00]  }
0x48: {  	v50 =	vld [tilespmem:$0x10F80]  }
0x49: {  	v51 =	vld [tilespmem:$0x11000]  }
0x4a: {  	v40 =	vld [tilespmem:$0x11080]  }
0x4b: {  	v41 =	vld [tilespmem:$0x11100]  }
0x4c: {  	v42 =	vand.u32 $0x7F, v49  }
0x4d: {  	v37 =	vshrl.u32 v49, $0x7;
	v42 =	vcvt.s32.f32 v42  }
0x4e: {  	vm1 =	vgt.s32 v36, v1;
	v43 =	vcvt.s32.f32 v37  }
0x4f: {  	v40 =	vmul.f32 $5.000000000e-01, v40;
	v37 =	vld.idx.msk [tilespmem:v3+s11+$0x0], $0xffff;
	v38 =	vadd.f32 v42, v50  }
0x50: {  	v41 =	vmul.f32 $5.000000000e-01, v41;
	v39 =	vadd.f32 v43, v51  }
0x51: {  	v42 =	vsub.f32 v38, v40  }
0x52: {  	v43 =	vsub.f32 v39, v41  }
0x53: {  	v38 =	vadd.f32 v40, v38;
	v42 =	vmul.f32 $4.000000000e+00, v42  }
0x54: {  	v44 =	vld [tilespmem:$0x10C80];
	v39 =	vadd.f32 v41, v39;
	[tilespmem:v9+s30+$0x0] =	vst.idx.msk vm1, v37;
	v52 =	vmul.f32 $4.000000000e+00, v43  }
0x55: {  	v38 =	vmul.f32 $4.000000000e+00, v38;
	[tilespmem:v13+s30+$0x0] =	vst.idx.msk vm1, v42  }
0x56: {  	v39 =	vmul.f32 $4.000000000e+00, v39;
	[tilespmem:v14+s30+$0x0] =	vst.idx.msk vm1, v52  }
0x57: {  	[tilespmem:v15+s30+$0x0] =	vst.idx.msk vm1, v38  }
0x58: {  	[tilespmem:v16+s30+$0x0] =	vst.idx.msk vm1, v39  }
0x59: {  	[tilespmem:v17+s30+$0x0] =	vst.idx.msk vm1, v44  }
0x5a: {  	v38 =	vld [tilespmem:$0x10D10]  }
0x5b: {  	v39 =	vld [tilespmem:$0x10F90]  }
0x5c: {  	v40 =	vld [tilespmem:$0x11010]  }
0x5d: {  	v53 =	vld [tilespmem:$0x11090]  }
0x5e: {  	v42 =	vld [tilespmem:$0x11110]  }
0x5f: {  	v54 =	vand.u32 $0x7F, v38  }
0x60: {  	v38 =	vshrl.u32 v38, $0x7;
	v43 =	vcvt.s32.f32 v54  }
0x61: {  	vm1 =	vgt.s32 v36, v18;
	v38 =	vcvt.s32.f32 v38  }
0x62: {  	v41 =	vmul.f32 $5.000000000e-01, v53;
	v39 =	vadd.f32 v43, v39  }
0x63: {  	v55 =	vmul.f32 $5.000000000e-01, v42;
	v38 =	vadd.f32 v38, v40  }
0x64: {  	v56 =	vsub.f32 v39, v41  }
0x65: {  	v57 =	vsub.f32 v38, v55  }
0x66: {  	v39 =	vadd.f32 v41, v39;
	v42 =	vmul.f32 $4.000000000e+00, v56  }
0x67: {  	v44 =	vld [tilespmem:$0x10C90];
	[tilespmem:v19+s30+$0x0] =	vst.idx.msk vm1, v37;
	v38 =	vadd.f32 v55, v38;
	v58 =	vmul.f32 $4.000000000e+00, v57  }
0x68: {  	v39 =	vmul.f32 $4.000000000e+00, v39;
	[tilespmem:v20+s30+$0x0] =	vst.idx.msk vm1, v42  }
0x69: {  	v38 =	vmul.f32 $4.000000000e+00, v38;
	[tilespmem:v21+s30+$0x0] =	vst.idx.msk vm1, v58  }
0x6a: {  	[tilespmem:v22+s30+$0x0] =	vst.idx.msk vm1, v39  }
0x6b: {  	[tilespmem:v23+s30+$0x0] =	vst.idx.msk vm1, v38  }
0x6c: {  	[tilespmem:v24+s30+$0x0] =	vst.idx.msk vm1, v44  }
0x6d: {  	v38 =	vld [tilespmem:$0x10D20]  }
0x6e: {  	v39 =	vld [tilespmem:$0x10FA0]  }
0x6f: {  	v59 =	vld [tilespmem:$0x11020]  }
0x70: {  	v41 =	vld [tilespmem:$0x110A0]  }
0x71: {  	v42 =	vld [tilespmem:$0x11120]  }
0x72: {  	v60 =	vand.u32 $0x7F, v38  }
0x73: {  	v38 =	vshrl.u32 v38, $0x7;
	v43 =	vcvt.s32.f32 v60  }
0x74: {  	vm1 =	vgt.s32 v36, v25;
	v38 =	vcvt.s32.f32 v38  }
0x75: {  	v41 =	vmul.f32 $5.000000000e-01, v41;
	v39 =	vadd.f32 v43, v39  }
0x76: {  	v61 =	vmul.f32 $5.000000000e-01, v42;
	v38 =	vadd.f32 v38, v59  }
0x77: {  	v62 =	vsub.f32 v39, v41  }
0x78: {  	v63 =	vsub.f32 v38, v61  }
0x79: {  	v39 =	vadd.f32 v41, v39;
	v42 =	vmul.f32 $4.000000000e+00, v62  }
0x7a: {  	v44 =	vld [tilespmem:$0x10CA0];
	[tilespmem:v26+s30+$0x0] =	vst.idx.msk vm1, v37;
	v38 =	vadd.f32 v61, v38;
	v48 =	vmul.f32 $4.000000000e+00, v63  }
0x7b: {  	v39 =	vmul.f32 $4.000000000e+00, v39;
	[tilespmem:v27+s30+$0x0] =	vst.idx.msk vm1, v42  }
0x7c: {  	v38 =	vmul.f32 $4.000000000e+00, v38;
	[tilespmem:v28+s30+$0x0] =	vst.idx.msk vm1, v48  }
0x7d: {  	[tilespmem:v29+s30+$0x0] =	vst.idx.msk vm1, v39  }
0x7e: {  	[tilespmem:v30+s30+$0x0] =	vst.idx.msk vm1, v38  }
0x7f: {  	[tilespmem:v31+s30+$0x0] =	vst.idx.msk vm1, v44  }
0x80: {  	v38 =	vld [tilespmem:$0x10D30]  }
0x81: {  	v39 =	vld [tilespmem:$0x10FB0]  }
0x82: {  	v49 =	vld [tilespmem:$0x11030]  }
0x83: {  	v41 =	vld [tilespmem:$0x110B0]  }
0x84: {  	v42 =	vld [tilespmem:$0x11130]  }
0x85: {  	v50 =	vand.u32 $0x7F, v38  }
0x86: {  	v38 =	vshrl.u32 v38, $0x7;
	v43 =	vcvt.s32.f32 v50  }
0x87: {  	vm1 =	vgt.s32 v36, v32;
	v38 =	vcvt.s32.f32 v38  }
0x88: {  	v41 =	vmul.f32 $5.000000000e-01, v41;
	v39 =	vadd.f32 v43, v39  }
0x89: {  	v51 =	vmul.f32 $5.000000000e-01, v42;
	v38 =	vadd.f32 v38, v49  }
0x8a: {  	v52 =	vsub.f32 v39, v41  }
0x8b: {  	v54 =	vadd.s32 $0x153, v9;
	v53 =	vsub.f32 v38, v51  }
0x8c: {  	v55 =	vadd.s32 $0x154, v9;
	v39 =	vadd.f32 v41, v39;
	v42 =	vmul.f32 $4.000000000e+00, v52  }
0x8d: {  	v56 =	vadd.s32 $0x155, v9;
	v45 =	vld [tilespmem:$0x10CB0];
	[tilespmem:v33+s30+$0x0] =	vst.idx.msk vm1, v37;
	v38 =	vadd.f32 v51, v38;
	v43 =	vmul.f32 $4.000000000e+00, v53  }
0x8e: {  	v39 =	vmul.f32 $4.000000000e+00, v39;
	[tilespmem:v34+s30+$0x0] =	vst.idx.msk vm1, v42  }
0x8f: {  	v38 =	vmul.f32 $4.000000000e+00, v38;
	[tilespmem:v35+s30+$0x0] =	vst.idx.msk vm1, v43  }
0x90: {  	[tilespmem:v54+s30+$0x0] =	vst.idx.msk vm1, v39  }
0x91: {  	[tilespmem:v55+s30+$0x0] =	vst.idx.msk vm1, v38  }
0x92: {  	[tilespmem:v56+s30+$0x0] =	vst.idx.msk vm1, v45  }
0x93: {  	v38 =	vld [tilespmem:$0x10D40]  }
0x94: {  	v39 =	vld [tilespmem:$0x10FC0]  }
0x95: {  	v40 =	vld [tilespmem:$0x11040]  }
0x96: {  	v41 =	vld [tilespmem:$0x110C0]  }
0x97: {  	v42 =	vld [tilespmem:$0x11140]  }
0x98: {  	v57 =	vand.u32 $0x7F, v38  }
0x99: {  	v58 =	vor.u32 $0x40, v1;
	v38 =	vshrl.u32 v38, $0x7;
	v43 =	vcvt.s32.f32 v57  }
0x9a: {  	vm1 =	vgt.s32 v36, v58;
	v38 =	vcvt.s32.f32 v38  }
0x9b: {  	v59 =	vadd.s32 $0x1C0, v9;
	v41 =	vmul.f32 $5.000000000e-01, v41;
	v39 =	vadd.f32 v43, v39  }
0x9c: {  	v61 =	vadd.s32 $0x1C1, v9;
	v60 =	vmul.f32 $5.000000000e-01, v42;
	v38 =	vadd.f32 v38, v40  }
0x9d: {  	v63 =	vadd.s32 $0x1C2, v9;
	v62 =	vsub.f32 v39, v41  }
0x9e: {  	v47 =	vadd.s32 $0x1C3, v9;
	v46 =	vsub.f32 v38, v60  }
0x9f: {  	v51 =	vadd.s32 $0x1C4, v9;
	v39 =	vadd.f32 v41, v39;
	v44 =	vmul.f32 $4.000000000e+00, v62  }
0xa0: {  	v53 =	vadd.s32 $0x1C5, v9;
	v48 =	vld [tilespmem:$0x10CC0];
	[tilespmem:v59+s30+$0x0] =	vst.idx.msk vm1, v37;
	v38 =	vadd.f32 v60, v38;
	v52 =	vmul.f32 $4.000000000e+00, v46  }
0xa1: {  	v39 =	vmul.f32 $4.000000000e+00, v39;
	[tilespmem:v61+s30+$0x0] =	vst.idx.msk vm1, v44  }
0xa2: {  	v38 =	vmul.f32 $4.000000000e+00, v38;
	[tilespmem:v63+s30+$0x0] =	vst.idx.msk vm1, v52  }
0xa3: {  	[tilespmem:v47+s30+$0x0] =	vst.idx.msk vm1, v39  }
0xa4: {  	[tilespmem:v51+s30+$0x0] =	vst.idx.msk vm1, v38  }
0xa5: {  	[tilespmem:v53+s30+$0x0] =	vst.idx.msk vm1, v48  }
0xa6: {  	v38 =	vld [tilespmem:$0x10D50]  }
0xa7: {  	v39 =	vld [tilespmem:$0x10FD0]  }
0xa8: {  	v40 =	vld [tilespmem:$0x11050]  }
0xa9: {  	v41 =	vld [tilespmem:$0x110D0]  }
0xaa: {  	v42 =	vld [tilespmem:$0x11150]  }
0xab: {  	v54 =	vand.u32 $0x7F, v38  }
0xac: {  	v55 =	vor.u32 $0x50, v1;
	v38 =	vshrl.u32 v38, $0x7;
	v43 =	vcvt.s32.f32 v54  }
0xad: {  	vm1 =	vgt.s32 v36, v55;
	v38 =	vcvt.s32.f32 v38  }
0xae: {  	v56 =	vadd.s32 $0x230, v9;
	v41 =	vmul.f32 $5.000000000e-01, v41;
	v39 =	vadd.f32 v43, v39  }
0xaf: {  	v58 =	vadd.s32 $0x231, v9;
	v57 =	vmul.f32 $5.000000000e-01, v42;
	v38 =	vadd.f32 v38, v40  }
0xb0: {  	v60 =	vadd.s32 $0x232, v9;
	v59 =	vsub.f32 v39, v41  }
0xb1: {  	v62 =	vadd.s32 $0x233, v9;
	v61 =	vsub.f32 v38, v57  }
0xb2: {  	v63 =	vadd.s32 $0x234, v9;
	v39 =	vadd.f32 v41, v39;
	v44 =	vmul.f32 $4.000000000e+00, v59  }
0xb3: {  	v49 =	vadd.s32 $0x235, v9;
	v48 =	vld [tilespmem:$0x10CD0];
	[tilespmem:v56+s30+$0x0] =	vst.idx.msk vm1, v37;
	v38 =	vadd.f32 v57, v38;
	v46 =	vmul.f32 $4.000000000e+00, v61  }
0xb4: {  	v39 =	vmul.f32 $4.000000000e+00, v39;
	[tilespmem:v58+s30+$0x0] =	vst.idx.msk vm1, v44  }
0xb5: {  	v38 =	vmul.f32 $4.000000000e+00, v38;
	[tilespmem:v60+s30+$0x0] =	vst.idx.msk vm1, v46  }
0xb6: {  	[tilespmem:v62+s30+$0x0] =	vst.idx.msk vm1, v39  }
0xb7: {  	[tilespmem:v63+s30+$0x0] =	vst.idx.msk vm1, v38  }
0xb8: {  	[tilespmem:v49+s30+$0x0] =	vst.idx.msk vm1, v48  }
0xb9: {  	v38 =	vld [tilespmem:$0x10D60]  }
0xba: {  	v39 =	vld [tilespmem:$0x10FE0]  }
0xbb: {  	v40 =	vld [tilespmem:$0x11060]  }
0xbc: {  	v41 =	vld [tilespmem:$0x110E0]  }
0xbd: {  	v42 =	vld [tilespmem:$0x11160]  }
0xbe: {  	v51 =	vor.u32 $0x60, v1;
	vm1 =	vlt.s32 v36, $0x64;
	v50 =	vand.u32 $0x7F, v38  }
0xbf: {  	v36 =	vnsel vm1, $0x64, v36;
	v38 =	vshrl.u32 v38, $0x7;
	v43 =	vcvt.s32.f32 v50  }
0xc0: {  	vm1 =	vgt.s32 v36, v51;
	v52 =	vcvt.s32.f32 v38  }
0xc1: {  	v55 =	vadd.s32 $0x2A0, v9;
	v54 =	vmul.f32 $5.000000000e-01, v41;
	v53 =	vadd.f32 v43, v39  }
0xc2: {  	v57 =	vadd.s32 $0x2A1, v9;
	v56 =	vmul.f32 $5.000000000e-01, v42;
	v36 =	vadd.f32 v52, v40  }
0xc3: {  	v58 =	vadd.s32 $0x2A2, v9;
	v43 =	vsub.f32 v53, v54  }
0xc4: {  	v60 =	vadd.s32 $0x2A3, v9;
	v59 =	vsub.f32 v36, v56  }
0xc5: {  	v61 =	vadd.s32 $0x2A4, v9;
	v38 =	vadd.f32 v54, v53;
	v43 =	vmul.f32 $4.000000000e+00, v43  }
0xc6: {  	v63 =	vadd.s32 $0x2A5, v9;
	v47 =	vld [tilespmem:$0x10CE0];
	[tilespmem:v55+s30+$0x0] =	vst.idx.msk vm1, v37;
	v36 =	vadd.f32 v56, v36;
	v62 =	vmul.f32 $4.000000000e+00, v59  }
0xc7: {  	v38 =	vmul.f32 $4.000000000e+00, v38;
	[tilespmem:v57+s30+$0x0] =	vst.idx.msk vm1, v43  }
0xc8: {  	v36 =	vmul.f32 $4.000000000e+00, v36;
	[tilespmem:v58+s30+$0x0] =	vst.idx.msk vm1, v62  }
0xc9: {  	s31 =	sadd.s32 $0x1, s31;
	[tilespmem:v60+s30+$0x0] =	vst.idx.msk vm1, v38  }
0xca: {  	p0 =	sne.s32 s31, s8;
	[tilespmem:v61+s30+$0x0] =	vst.idx.msk vm1, v36  }
.Ltmp2:
0xcb: {  	[tilespmem:v63+s30+$0x0] =	vst.idx.msk vm1, v47;
	(pc) =	sbr.rel @!p0 .LBB2_33-.Ltmp2, $4  }
0xcc: {  	[hbm4b:s6+s4] =	stream.linear.scatter [tilespmem:s30], [sflag:$0x2], $0x2C0, $0x38;
	[tilespmem:$0x11500] =	vst v63  }
0xcd: {  	_ =	swait.ge [sflag:s10], $0x2C0  }
0xce: {  	[sflag:s10] =	ssyncset.done $0x0  }
0xcf: {  	[sflag:s10] =	ssyncadd.s32 $0xFFFFFD40  }
.LBB2_2:
0xd0: {  	s0 =	simm.s32 $0x0;
	s3 =	simm.s32 $0x10  }
0xd1: {  	[tilespmem:s3], [sflag:$0x2] =	stream.linear.gather [hbm4b:s7+s0], $0x4000, $0x38;
	[tilespmem:$0x11500] =	vst v63  }
0xd2: {  	_ =	swait.ge [sflag:s10], $0x4000  }
0xd3: {  	[sflag:s10] =	ssyncset.done $0x0  }
0xd4: {  	[sflag:s10] =	ssyncadd.s32 $0xFFFFC000  }
0xd5: {  	[tilespmem:s11], [sflag:$0x2] =	stream.linear.gather [hbm4b:s5+s0], $0x80, $0x38;
	[tilespmem:$0x11500] =	vst v63  }
0xd6: {  	_ =	swait.ge [sflag:s10], $0x80  }
0xd7: {  	[sflag:s10] =	ssyncset.done $0x0  }
0xd8: {  	[sflag:s10] =	ssyncadd.s32 $0xFFFFFF80  }
0xd9: {  	[tilespmem:$0x4080] =	vst v4  }
0xda: {  	[tilespmem:$0x8100] =	vst v4  }
0xdb: {  	[tilespmem:$0x4090] =	vst v4  }
0xdc: {  	[tilespmem:$0x8110] =	vst v4  }
0xdd: {  	[tilespmem:$0x40A0] =	vst v4  }
0xde: {  	[tilespmem:$0x8120] =	vst v4  }
0xdf: {  	[tilespmem:$0x40B0] =	vst v4  }
0xe0: {  	[tilespmem:$0x8130] =	vst v4  }
0xe1: {  	[tilespmem:$0x40C0] =	vst v4  }
0xe2: {  	[tilespmem:$0x8140] =	vst v4  }
0xe3: {  	[tilespmem:$0x40D0] =	vst v4  }
0xe4: {  	[tilespmem:$0x8150] =	vst v4  }
0xe5: {  	[tilespmem:$0x40E0] =	vst v4  }
0xe6: {  	[tilespmem:$0x8160] =	vst v4  }
0xe7: {  	[tilespmem:$0x40F0] =	vst v4  }
0xe8: {  	[tilespmem:$0x8170] =	vst v4  }
0xe9: {  	[tilespmem:$0x10280] =	vst v5  }
0xea: {  	[tilespmem:$0x10290] =	vst v5  }
0xeb: {  	[tilespmem:$0x102A0] =	vst v5  }
0xec: {  	[tilespmem:$0x102B0] =	vst v5  }
0xed: {  	[tilespmem:$0x102C0] =	vst v5  }
0xee: {  	[tilespmem:$0x102D0] =	vst v5  }
0xef: {  	[tilespmem:$0x102E0] =	vst v5  }
0xf0: {  	[tilespmem:$0x102F0] =	vst v5  }
0xf1: {  	[tilespmem:$0x10300] =	vst v5  }
0xf2: {  	[tilespmem:$0x10310] =	vst v5  }
0xf3: {  	[tilespmem:$0x10320] =	vst v5  }
0xf4: {  	[tilespmem:$0x10330] =	vst v5  }
0xf5: {  	[tilespmem:$0x10340] =	vst v5  }
0xf6: {  	[tilespmem:$0x10350] =	vst v5  }
0xf7: {  	[tilespmem:$0x10360] =	vst v5  }
0xf8: {  	[tilespmem:$0x10370] =	vst v5  }
0xf9: {  	[tilespmem:$0x10380] =	vst v5  }
0xfa: {  	[tilespmem:$0x10390] =	vst v5  }
0xfb: {  	[tilespmem:$0x103A0] =	vst v5  }
0xfc: {  	[tilespmem:$0x103B0] =	vst v5  }
0xfd: {  	[tilespmem:$0x103C0] =	vst v5  }
0xfe: {  	[tilespmem:$0x103D0] =	vst v5  }
0xff: {  	[tilespmem:$0x103E0] =	vst v5  }
0x100: {  	[tilespmem:$0x103F0] =	vst v5  }
0x101: {  	[tilespmem:$0x10400] =	vst v5  }
0x102: {  	[tilespmem:$0x10410] =	vst v5  }
0x103: {  	[tilespmem:$0x10420] =	vst v5  }
0x104: {  	[tilespmem:$0x10430] =	vst v5  }
0x105: {  	[tilespmem:$0x10440] =	vst v5  }
0x106: {  	[tilespmem:$0x10450] =	vst v5  }
0x107: {  	[tilespmem:$0x10460] =	vst v5  }
0x108: {  	[tilespmem:$0x10470] =	vst v5  }
0x109: {  	[tilespmem:$0x10480] =	vst v5  }
0x10a: {  	[tilespmem:$0x10490] =	vst v5  }
0x10b: {  	[tilespmem:$0x104A0] =	vst v5  }
0x10c: {  	[tilespmem:$0x104B0] =	vst v5  }
0x10d: {  	[tilespmem:$0x104C0] =	vst v5  }
0x10e: {  	[tilespmem:$0x104D0] =	vst v5  }
0x10f: {  	[tilespmem:$0x104E0] =	vst v5  }
0x110: {  	[tilespmem:$0x104F0] =	vst v5  }
0x111: {  	[tilespmem:$0x10500] =	vst v5  }
0x112: {  	[tilespmem:$0x10510] =	vst v5  }
0x113: {  	[tilespmem:$0x10520] =	vst v5  }
0x114: {  	[tilespmem:$0x10530] =	vst v5  }
0x115: {  	[tilespmem:$0x10540] =	vst v5  }
0x116: {  	[tilespmem:$0x10550] =	vst v5  }
0x117: {  	[tilespmem:$0x10560] =	vst v5  }
0x118: {  	[tilespmem:$0x10570] =	vst v5  }
0x119: {  	[tilespmem:$0x10580] =	vst v5  }
0x11a: {  	[tilespmem:$0x10590] =	vst v5  }
0x11b: {  	[tilespmem:$0x105A0] =	vst v5  }
0x11c: {  	[tilespmem:$0x105B0] =	vst v5  }
0x11d: {  	[tilespmem:$0x105C0] =	vst v5  }
0x11e: {  	[tilespmem:$0x105D0] =	vst v5  }
0x11f: {  	[tilespmem:$0x105E0] =	vst v5  }
0x120: {  	[tilespmem:$0x105F0] =	vst v5  }
0x121: {  	[tilespmem:$0x10600] =	vst v5  }
0x122: {  	[tilespmem:$0x10610] =	vst v5  }
0x123: {  	[tilespmem:$0x10620] =	vst v5  }
0x124: {  	[tilespmem:$0x10630] =	vst v5  }
0x125: {  	[tilespmem:$0x10640] =	vst v5  }
0x126: {  	[tilespmem:$0x10650] =	vst v5  }
0x127: {  	[tilespmem:$0x10660] =	vst v5  }
0x128: {  	[tilespmem:$0x10670] =	vst v5  }
0x129: {  	[tilespmem:$0x10680] =	vst v5  }
0x12a: {  	[tilespmem:$0x10690] =	vst v5  }
0x12b: {  	[tilespmem:$0x106A0] =	vst v5  }
0x12c: {  	[tilespmem:$0x106B0] =	vst v5  }
0x12d: {  	[tilespmem:$0x106C0] =	vst v5  }
0x12e: {  	[tilespmem:$0x106D0] =	vst v5  }
0x12f: {  	[tilespmem:$0x106E0] =	vst v5  }
0x130: {  	[tilespmem:$0x106F0] =	vst v5  }
0x131: {  	[tilespmem:$0x10700] =	vst v5  }
0x132: {  	[tilespmem:$0x10710] =	vst v5  }
0x133: {  	[tilespmem:$0x10720] =	vst v5  }
0x134: {  	[tilespmem:$0x10730] =	vst v5  }
0x135: {  	[tilespmem:$0x10740] =	vst v5  }
0x136: {  	[tilespmem:$0x10750] =	vst v5  }
0x137: {  	[tilespmem:$0x10760] =	vst v5  }
0x138: {  	[tilespmem:$0x10770] =	vst v5  }
0x139: {  	[tilespmem:$0x10780] =	vst v5  }
0x13a: {  	[tilespmem:$0x10790] =	vst v5  }
0x13b: {  	[tilespmem:$0x107A0] =	vst v5  }
0x13c: {  	[tilespmem:$0x107B0] =	vst v5  }
0x13d: {  	[tilespmem:$0x107C0] =	vst v5  }
0x13e: {  	[tilespmem:$0x107D0] =	vst v5  }
0x13f: {  	[tilespmem:$0x107E0] =	vst v5  }
0x140: {  	[tilespmem:$0x107F0] =	vst v5  }
0x141: {  	[tilespmem:$0x10800] =	vst v5  }
0x142: {  	[tilespmem:$0x10810] =	vst v5  }
0x143: {  	[tilespmem:$0x10820] =	vst v5  }
0x144: {  	[tilespmem:$0x10830] =	vst v5  }
0x145: {  	[tilespmem:$0x10840] =	vst v5  }
0x146: {  	[tilespmem:$0x10850] =	vst v5  }
0x147: {  	[tilespmem:$0x10860] =	vst v5  }
0x148: {  	[tilespmem:$0x10870] =	vst v5  }
0x149: {  	[tilespmem:$0x10880] =	vst v5  }
0x14a: {  	[tilespmem:$0x10890] =	vst v5  }
0x14b: {  	[tilespmem:$0x108A0] =	vst v5  }
0x14c: {  	[tilespmem:$0x108B0] =	vst v5  }
0x14d: {  	[tilespmem:$0x108C0] =	vst v5  }
0x14e: {  	[tilespmem:$0x108D0] =	vst v5  }
0x14f: {  	[tilespmem:$0x108E0] =	vst v5  }
0x150: {  	[tilespmem:$0x108F0] =	vst v5  }
0x151: {  	[tilespmem:$0x10900] =	vst v5  }
0x152: {  	[tilespmem:$0x10910] =	vst v5  }
0x153: {  	[tilespmem:$0x10920] =	vst v5  }
0x154: {  	[tilespmem:$0x10930] =	vst v5  }
0x155: {  	[tilespmem:$0x10940] =	vst v5  }
0x156: {  	[tilespmem:$0x10950] =	vst v5  }
0x157: {  	[tilespmem:$0x11180] =	vst v6  }
0x158: {  	[tilespmem:$0x11190] =	vst v6  }
0x159: {  	[tilespmem:$0x111A0] =	vst v6  }
0x15a: {  	[tilespmem:$0x111B0] =	vst v6  }
0x15b: {  	[tilespmem:$0x111C0] =	vst v6  }
0x15c: {  	[tilespmem:$0x111D0] =	vst v6  }
0x15d: {  	[tilespmem:$0x111E0] =	vst v6  }
0x15e: {  	[tilespmem:$0x111F0] =	vst v6  }
0x15f: {  	[tilespmem:$0x11200] =	vst v6  }
0x160: {  	[tilespmem:$0x11210] =	vst v6  }
0x161: {  	[tilespmem:$0x11220] =	vst v6  }
0x162: {  	[tilespmem:$0x11230] =	vst v6  }
0x163: {  	[tilespmem:$0x11240] =	vst v6  }
0x164: {  	[tilespmem:$0x11250] =	vst v6  }
0x165: {  	[tilespmem:$0x11260] =	vst v6  }
0x166: {  	[tilespmem:$0x11270] =	vst v6  }
0x167: {  	[tilespmem:$0x11280] =	vst v6  }
0x168: {  	[tilespmem:$0x11290] =	vst v6  }
0x169: {  	[tilespmem:$0x112A0] =	vst v6  }
0x16a: {  	[tilespmem:$0x112B0] =	vst v6  }
0x16b: {  	[tilespmem:$0x112C0] =	vst v6  }
0x16c: {  	[tilespmem:$0x112D0] =	vst v6  }
0x16d: {  	[tilespmem:$0x112E0] =	vst v6  }
0x16e: {  	[tilespmem:$0x112F0] =	vst v6  }
0x16f: {  	[tilespmem:$0x11300] =	vst v6  }
0x170: {  	[tilespmem:$0x11310] =	vst v6  }
0x171: {  	[tilespmem:$0x11320] =	vst v6  }
0x172: {  	[tilespmem:$0x11330] =	vst v6  }
0x173: {  	[tilespmem:$0x11340] =	vst v6  }
0x174: {  	[tilespmem:$0x11350] =	vst v6  }
0x175: {  	[tilespmem:$0x11360] =	vst v6  }
0x176: {  	[tilespmem:$0x11370] =	vst v6  }
0x177: {  	[tilespmem:$0x11380] =	vst v6  }
0x178: {  	[tilespmem:$0x11390] =	vst v6  }
0x179: {  	[tilespmem:$0x113A0] =	vst v6  }
0x17a: {  	[tilespmem:$0x113B0] =	vst v6  }
0x17b: {  	[tilespmem:$0x113C0] =	vst v6  }
0x17c: {  	[tilespmem:$0x113D0] =	vst v6  }
0x17d: {  	[tilespmem:$0x113E0] =	vst v6  }
0x17e: {  	[tilespmem:$0x113F0] =	vst v6  }
0x17f: {  	[tilespmem:$0x11400] =	vst v6  }
0x180: {  	[tilespmem:$0x11410] =	vst v6  }
0x181: {  	[tilespmem:$0x11420] =	vst v6  }
0x182: {  	[tilespmem:$0x11430] =	vst v6  }
0x183: {  	[tilespmem:$0x10980] =	vst v7  }
0x184: {  	[tilespmem:$0x10990] =	vst v7  }
0x185: {  	[tilespmem:$0x109A0] =	vst v7  }
0x186: {  	[tilespmem:$0x109B0] =	vst v7  }
0x187: {  	[tilespmem:$0x109C0] =	vst v7  }
0x188: {  	[tilespmem:$0x109D0] =	vst v7  }
0x189: {  	[tilespmem:$0x109E0] =	vst v7  }
0x18a: {  	[tilespmem:$0x109F0] =	vst v7  }
0x18b: {  	[tilespmem:$0x10A00] =	vst v7  }
0x18c: {  	[tilespmem:$0x10A10] =	vst v7  }
0x18d: {  	[tilespmem:$0x10A20] =	vst v7  }
0x18e: {  	[tilespmem:$0x10A30] =	vst v7  }
0x18f: {  	[tilespmem:$0x10A40] =	vst v7  }
0x190: {  	[tilespmem:$0x10A50] =	vst v7  }
0x191: {  	[tilespmem:$0x10A60] =	vst v7  }
0x192: {  	[tilespmem:$0x10A70] =	vst v7  }
0x193: {  	[tilespmem:$0x10A80] =	vst v7  }
0x194: {  	[tilespmem:$0x10D00] =	vst v5  }
0x195: {  	[tilespmem:$0x10C80] =	vst v6  }
0x196: {  	[tilespmem:$0x10D10] =	vst v5  }
0x197: {  	[tilespmem:$0x10C90] =	vst v6  }
0x198: {  	[tilespmem:$0x10D20] =	vst v5  }
0x199: {  	[tilespmem:$0x10CA0] =	vst v6  }
0x19a: {  	[tilespmem:$0x10D30] =	vst v5  }
0x19b: {  	[tilespmem:$0x10CB0] =	vst v6  }
0x19c: {  	[tilespmem:$0x10D40] =	vst v5  }
0x19d: {  	[tilespmem:$0x10CC0] =	vst v6  }
0x19e: {  	[tilespmem:$0x10D50] =	vst v5  }
0x19f: {  	[tilespmem:$0x10CD0] =	vst v6  }
0x1a0: {  	[tilespmem:$0x10D60] =	vst v5  }
0x1a1: {  	s9 =	simm.s32 $0x11;
	[tilespmem:$0x10CE0] =	vst v6  }
0x1a2: {  	v36 =	vld [tilespmem:s9+$0xFFFFFFFE]  }
0x1a3: {  	s21 =	simm.s32 $0x10;
	s3 =	simm.s32 $0x0;
	v37 =	vld [tilespmem:s9+$0x0]  }
.LBB2_3:
0x1a4: {  	p0 =	sne.s32 s21, $0x3FF0;
	_ =	sdelay $0x1  }
0x1a5: {  	s22 =	sand.u32 $0x70, s3;
	v38 =	vld [tilespmem:s9+$0xFFFFFFFF]  }
0x1a6: {  	v39 =	vmov s22  }
0x1a7: {  	vm1 =	veq.s32 v39, v8;
	v40 =	vmax.f32 v36, v37  }
0x1a8: {  	vm2 =	veq.s32 v39, v1;
	v36 =	vsel vm1, v36, v40  }
.Ltmp3:
0x1a9: {  	v36 =	vsel vm2, v37, v36;
	(pc) =	sbr.rel @p0 .LBB2_3-.Ltmp3, $4  }
0x1aa: {  	s22 =	sand.u32 $0x3FF0, s3;
	s3 =	smov.u32 s21;
	v36 =	vmax.f32 v38, v36  }
0x1ab: {  	s9 =	sadd.s32 $0x10, s9;
	[tilespmem:s22+$0x4100] =	vst v36  }
0x1ac: {  	v36 =	vld [tilespmem:s9+$0xFFFFFFFE]  }
0x1ad: {  	s21 =	sadd.s32 $0x10, s21;
	v37 =	vld [tilespmem:s9+$0x0]  }
0x1ae: {  	_ =	sdelay $0x1  }
0x1af: {  	s21 =	sand.u32 $0x70, s3;
	v38 =	vld [tilespmem:s9+$0xFFFFFFFF]  }
0x1b0: {  	v39 =	vmov s21  }
0x1b1: {  	vm1 =	veq.s32 v39, v8;
	v40 =	vmax.f32 v36, v37  }
0x1b2: {  	vm2 =	veq.s32 v39, v1;
	v36 =	vsel vm1, v36, v40  }
0x1b3: {  	v36 =	vsel vm2, v37, v36  }
0x1b4: {  	s21 =	sand.u32 $0x3FF0, s3;
	v36 =	vmax.f32 v38, v36  }
0x1b5: {  	s22 =	simm.s32 $0x4080;
	[tilespmem:s21+$0x4100] =	vst v36  }
0x1b6: {  	s23 =	sand.u32 $0x3FF0, s0;
	v36 =	vld [tilespmem:s22+$0x0]  }
0x1b7: {  	v56 =	vld [tilespmem:s23+$0x4180]  }
0x1b8: {  	s9 =	simm.s32 $0x10;
	v57 =	vld [tilespmem:s23+$0x4100]  }
0x1b9: {  	v58 =	vld [tilespmem:s9+$0x0];
	_ =	sdelay $0x2  }
0x1ba: {  	v36 =	vmax.f32 v36, v56  }
0x1bb: {  	v36 =	vmax.f32 v57, v36  }
0x1bc: {  	vm2 =	vgt.f32 v58, $1.000000010e-01;
	vm1 =	veq.f32 v58, v36  }
0x1bd: {  	vm1 =	vmand vm2, vm1  }
0x1be: {  	v59 =	vsel vm1, $0x1, v5  }
0x1bf: {  	(xrf0) =	vadd.scan.msk.s32 $0xffff, v59;
	_ =	sdelay $0x5  }
0x1c0: {  	v60 =	vimm.s32 $0x0;
	v61, _, _ =	vpop (xrf0)  }
0x1c1: {  	v37 =	vadd.s32 v61, v60  }
0x1c2: {  	v37 =	vadd.s32 $0xFFFFFFFF, v37;
	_ =	sdelay $0x4  }
0x1c3: {  	v63 =	vor.u32 s0, v1;
	v62 =	vmpcnt.ones.xlane vm1;
	[tilespmem:v37+s12+$0x0] =	vst.idx.msk vm1, v58  }
0x1c4: {  	s0 =	simm.s32 $0x4090;
	s3 =	simm.s32 $0x10;
	[tilespmem:v37+s13+$0x0] =	vst.idx.msk vm1, v63  }
0x1c5: {  	s22 =	sand.u32 $0x3FF0, s3;
	v37 =	vadd.s32 v60, v62;
	v38 =	vld [tilespmem:s0+$0x0]  }
0x1c6: {  	s21 =	simm.s32 $0x20;
	v39 =	vld [tilespmem:s22+$0x4180];
	v36 =	vmov v37  }
.LBB2_5:
0x1c7: {  	p0 =	sne.s32 s21, $0x3FF0;
	v40 =	vld [tilespmem:s22+$0x4100];
	s9 =	sadd.s32 $0x10, s9  }
0x1c8: {  	v41 =	vld [tilespmem:s9+$0x0];
	_ =	sdelay $0x2  }
0x1c9: {  	v38 =	vmax.f32 v38, v39  }
0x1ca: {  	v38 =	vmax.f32 v40, v38  }
0x1cb: {  	vm1 =	veq.f32 v41, v38;
	vm2 =	vgt.f32 v41, $1.000000010e-01  }
0x1cc: {  	vm1 =	vmand vm2, vm1  }
0x1cd: {  	v38 =	vsel vm1, $0x1, v5;
	v39 =	vmpcnt.ones.xlane vm1  }
0x1ce: {  	(xrf0) =	vadd.scan.msk.s32 $0xffff, v38  }
0x1cf: {  	v37 =	vadd.s32 v37, v39;
	_ =	sdelay $0x4  }
0x1d0: {  	v38, _, _ =	vpop (xrf0)  }
0x1d1: {  	v38 =	vadd.s32 v38, v36;
	v36 =	vmov v37  }
0x1d2: {  	v38 =	vadd.s32 $0xFFFFFFFF, v38;
	_ =	sdelay $0x3  }
.Ltmp4:
0x1d3: {  	(pc) =	sbr.rel @p0 .LBB2_5-.Ltmp4, $4  }
0x1d4: {  	v39 =	vor.u32 s3, v1;
	s3 =	smov.u32 s21;
	[tilespmem:v38+s12+$0x0] =	vst.idx.msk vm1, v41  }
0x1d5: {  	s0 =	sadd.s32 $0x10, s0;
	[tilespmem:v38+s13+$0x0] =	vst.idx.msk vm1, v39  }
0x1d6: {  	s22 =	sand.u32 $0x3FF0, s21;
	v38 =	vld [tilespmem:s0+$0x0]  }
0x1d7: {  	s21 =	sadd.s32 $0x10, s21;
	v39 =	vld [tilespmem:s22+$0x4180]  }
0x1d8: {  	v40 =	vld [tilespmem:s22+$0x4100];
	s0 =	sadd.s32 $0x10, s9  }
0x1d9: {  	v41 =	vld [tilespmem:s0+$0x0];
	_ =	sdelay $0x2  }
0x1da: {  	v38 =	vmax.f32 v38, v39  }
0x1db: {  	v38 =	vmax.f32 v40, v38  }
0x1dc: {  	vm1 =	veq.f32 v41, v38;
	vm2 =	vgt.f32 v41, $1.000000010e-01  }
0x1dd: {  	vm1 =	vmand vm2, vm1  }
0x1de: {  	v59 =	vmpcnt.ones.xlane vm1;
	_ =	sdelay $0x1  }
0x1df: {  	v60 =	vsel vm1, $0x1, v5;
	v37 =	vadd.s32 v37, v59  }
0x1e0: {  	(xrf0) =	vadd.scan.msk.s32 $0xffff, v60;
	v38 =	vxor.u32 $0x80000000, v37  }
0x1e1: {  	(xrf0) =	vmax.scan.msk.u32 $0xffff, v38;
	_ =	sdelay $0x4  }
0x1e2: {  	v61, _, _ =	vpop (xrf0)  }
0x1e3: {  	v62, _, _ =	vpop (xrf0)  }
0x1e4: {  	(v2sf) =	vpush v62, $0xF;
	_ =	sdelay $0xe  }
0x1e5: {  	s21 =	spop (v2sf)  }
0x1e6: {  	s0 =	sadd.s32 $0x8000000F, s21  }
0x1e7: {  	s22 =	sand.u32 $0xF, s0  }
0x1e8: {  	s23 =	sshra.s32 s0, $0x1F;
	p1 =	slt.s32 s0, $0x1;
	p0 =	sne.s32 s22, $0x0  }
0x1e9: {  	s9 =	sshrl.u32 s23, $0x1C;
	p0 =	por !p1, !p0  }
0x1ea: {  	s0 =	sadd.s32 s9, s0;
	s9 =	simm.s32 $0x1;
	p0 =	por !p0, !p0  }
0x1eb: {  	v36 =	vadd.s32 v61, v36;
	s0 =	sshra.s32 s0, $0x4;
	s9 =	simm.s32 @!p0 $0x0  }
0x1ec: {  	v36 =	vadd.s32 $0xFFFFFFFF, v36;
	s0 =	ssub.s32 s0, s9  }
0x1ed: {  	p0 =	slt.s32 s0, $0x1  }
.Ltmp5:
0x1ee: {  	_ = 	snop;
	(pc) =	sbr.rel @p0 .LBB2_13-.Ltmp5, $3  }
0x1ef: {  	_ =	sdelay $0x1  }
0x1f0: {  	v63 =	vor.u32 s3, v1;
	[tilespmem:v36+s12+$0x0] =	vst.idx.msk vm1, v41  }
0x1f1: {  	[tilespmem:v36+s13+$0x0] =	vst.idx.msk vm1, v63  }
0x1f2: {  	p2 =	sne.s32 s0, $0x1  }
.Ltmp6:
0x1f3: {  	_ = 	snop;
	(pc) =	sbr.rel @!p2 .LBB2_8-.Ltmp6, $3  }
0x1f4: {  	_ =	sdelay $0x1  }
0x1f5: {  	s9 =	simm.s32 $0x8180  }
0x1f6: {  	s3 =	simm.s32 $0x0;
	p1 =	por $0x0, $0x0;
	v36 =	vld [tilespmem:s9+$0x0];
	s9 =	sadd.s32 $0xFFFFFFFF, s0  }
0x1f7: {  	_ =	sdelay $0x2  }
0x1f8: {  	v38 =	vor.u32 s3, v1  }
0x1f9: {  	vm1 =	vlt.s32 v38, v37;
	v36 =	vshrl.u32 v36, $0xE  }
0x1fa: {  	v36 =	vadd.s32 $0xFFFF08D0, v36  }
0x1fb: {  	p2 =	sne.s32 s9, $0x1  }
.Ltmp7:
0x1fc: {  	_ = 	snop;
	(pc) =	sbr.rel @!p2 .LBB2_10-.Ltmp7, $3  }
0x1fd: {  	_ =	sdelay $0x1  }
0x1fe: {  	s21 =	simm.s32 $0x8190;
	[tilespmem:v36+s15+$0x0] =	vst.idx.add.s32.msk vm1, v10  }
0x1ff: {  	s22 =	sadd.s32 $0xFFFFFFFF, s9;
	p1 =	por $0x1, $0x1;
	s9 =	simm.s32 $0x0;
	v36 =	vld [tilespmem:s21+$0x0]  }
.LBB2_11:
0x200: {  	p2 =	sne.s32 s22, $0x1;
	_ =	sdelay $0x1  }
0x201: {  	s9 =	sadd.s32 $0x10, s9  }
0x202: {  	v38 =	vor.u32 s9, v1  }
0x203: {  	vm1 =	vlt.s32 v38, v37;
	v36 =	vshrl.u32 v36, $0xE  }
0x204: {  	v36 =	vadd.s32 $0xFFFF08D0, v36;
	_ =	sdelay $0x1  }
.Ltmp8:
0x205: {  	(pc) =	sbr.rel @p2 .LBB2_11-.Ltmp8, $3  }
0x206: {  	_ =	sdelay $0x1  }
0x207: {  	s21 =	sadd.s32 $0x10, s21;
	[tilespmem:v36+s15+$0x0] =	vst.idx.add.s32.msk vm1, v10  }
0x208: {  	s22 =	sadd.s32 $0xFFFFFFFF, s22;
	v36 =	vld [tilespmem:s21+$0x0]  }
.LBB2_12:
0x209: {  	_ = 	snop  }
0x20a: {  	s9 =	sadd.s32 @p1 $0x10, s9  }
0x20b: {  	s3 =	smov.u32 @p1 s9  }
0x20c: {  	v38 =	vor.u32 s3, v1  }
0x20d: {  	vm1 =	vlt.s32 v38, v37;
	v36 =	vshrl.u32 v36, $0xE  }
0x20e: {  	v36 =	vadd.s32 $0xFFFF08D0, v36;
	_ =	sdelay $0x4  }
0x20f: {  	[tilespmem:v36+s15+$0x0] =	vst.idx.add.s32.msk vm1, v10  }
.LBB2_13:
0x210: {  	s9 =	simm.s32 $0x0;
	s3 =	simm.s32 $0xFFFF0200;
	s21 =	simm.s32 $0x10950  }
.LBB2_14:
0x211: {  	v36 =	vld [tilespmem:s21+$0x0];
	_ =	sdelay $0x4  }
0x212: {  	(xrf0) =	vadd.scan.msk.s32 $0xffff, v36;
	_ =	sdelay $0x5  }
0x213: {  	v38, _, _ =	vpop (xrf0)  }
0x214: {  	(v2sf) =	vpush v38, $0xF;
	_ =	sdelay $0xe  }
0x215: {  	s22 =	spop (v2sf)  }
0x216: {  	s22 =	sadd.s32 s9, s22  }
0x217: {  	p1 =	slt.s32 s22, $0x64  }
.Ltmp9:
0x218: {  	_ = 	snop;
	(pc) =	sbr.rel @!p1 .LBB2_15-.Ltmp9, $1  }
0x219: {  	_ =	sdelay $0x3  }
0x21a: {  	s3 =	sadd.s32 $0x10, s3  }
0x21b: {  	p1 =	sne.s32 s3, $0xFFFF08E0  }
.Ltmp10:
0x21c: {  	_ = 	snop;
	(pc) =	sbr.rel @p1 .LBB2_14-.Ltmp10, $2  }
0x21d: {  	_ =	sdelay $0x2  }
0x21e: {  	s21 =	sadd.s32 $0xFFFFFFF0, s21;
	s9 =	smov.u32 s22  }
.Ltmp11:
0x21f: {  	(pc) =	sbr.rel .LBB2_18-.Ltmp11, $2  }
0x220: {  	_ =	sdelay $0x2  }
0x221: {  	s3 =	simm.s32 $0x0  }
.LBB2_15:
0x222: {  	v38 =	vperm.xlane v36, v11;
	_ =	sdelay $0x1  }
0x223: {  	(xrf0) =	vadd.scan.msk.s32 $0xffff, v38;
	_ =	sdelay $0x5  }
0x224: {  	v38, _, _ =	vpop (xrf0)  }
0x225: {  	v38 =	vperm.xlane v38, v11;
	_ =	sdelay $0x1  }
0x226: {  	v38 =	vadd.s32 s9, v38  }
0x227: {  	v62 =	vsub.s32 v38, v36  }
0x228: {  	vm2 =	vgt.s32 v38, $0x63;
	vm1 =	vlt.s32 v62, $0x64  }
0x229: {  	vm1 =	vmand vm2, vm1  }
0x22a: {  	v63 =	vnsel vm1, $0x80000000, v12  }
0x22b: {  	(xrf0) =	vmax.scan.msk.u32 $0xffff, v63;
	_ =	sdelay $0x5  }
0x22c: {  	v36, _, _ =	vpop (xrf0)  }
0x22d: {  	(v2sf) =	vpush v36, $0xF;
	_ =	sdelay $0xe  }
0x22e: {  	s23 =	spop (v2sf)  }
0x22f: {  	s3 =	ssub.s32 s23, s3  }
0x230: {  	s3 =	sshll.u32 s3, $0xE  }
.LBB2_18:
.Ltmp12:
0x231: {  	(pc) =	sbr.rel @p0 .LBB2_25-.Ltmp12, $2  }
0x232: {  	_ =	sdelay $0x2  }
0x233: {  	v36 =	vimm.s32 $0x0  }
0x234: {  	p1 =	sne.s32 s0, $0x1  }
.Ltmp13:
0x235: {  	_ = 	snop;
	(pc) =	sbr.rel @!p1 .LBB2_20-.Ltmp13, $3  }
0x236: {  	_ =	sdelay $0x1  }
0x237: {  	v38 =	vmov s3;
	s21 =	simm.s32 $0x8180;
	s3 =	simm.s32 $0xC200  }
0x238: {  	s9 =	simm.s32 $0x0;
	s0 =	sadd.s32 $0xFFFFFFFF, s0;
	p0 =	por $0x0, $0x0;
	v38 =	vbroadcast v38, $0x0;
	v39 =	vld [tilespmem:s21+$0x0]  }
0x239: {  	_ =	sdelay $0x2  }
0x23a: {  	v40 =	vor.u32 s9, v1  }
0x23b: {  	vm1 =	vlt.s32 v40, v37;
	vm2 =	vge.f32 v39, v38  }
0x23c: {  	vm1 =	vmand vm1, vm2  }
0x23d: {  	v63 =	vsel vm1, $0x1, v5  }
0x23e: {  	(xrf0) =	vadd.scan.msk.s32 $0xffff, v63;
	_ =	sdelay $0x5  }
0x23f: {  	v40, _, _ =	vpop (xrf0)  }
0x240: {  	v40 =	vadd.s32 v40, v36  }
0x241: {  	v40 =	vadd.s32 $0xFFFFFFFF, v40  }
0x242: {  	vm2 =	vlt.s32 v40, $0x110  }
0x243: {  	vm1 =	vmand vm1, vm2;
	_ =	sdelay $0x1  }
0x244: {  	v41 =	vld [tilespmem:s3+$0x0];
	_ =	sdelay $0x1  }
0x245: {  	p1 =	sne.s32 s0, $0x1  }
.Ltmp14:
0x246: {  	_ = 	snop;
	(pc) =	sbr.rel @!p1 .LBB2_22-.Ltmp14, $4  }
0x247: {  	[tilespmem:v40+s16+$0x0] =	vst.idx.msk vm1, v39  }
0x248: {  	s22 =	simm.s32 $0x8190;
	v42 =	vmpcnt.ones.xlane vm1;
	[tilespmem:v40+s17+$0x0] =	vst.idx.msk vm1, v41  }
0x249: {  	s23 =	sadd.s32 $0xFFFFFFFF, s0;
	v39 =	vld [tilespmem:s22+$0x0]  }
0x24a: {  	p0 =	por $0x1, $0x1;
	s21 =	simm.s32 $0x0;
	s0 =	simm.s32 $0xC200;
	v36 =	vadd.s32 v36, v42  }
.LBB2_23:
0x24b: {  	p1 =	sne.s32 s23, $0x1  }
0x24c: {  	s21 =	sadd.s32 $0x10, s21  }
0x24d: {  	v40 =	vor.u32 s21, v1  }
0x24e: {  	vm1 =	vlt.s32 v40, v37;
	vm2 =	vge.f32 v39, v38  }
0x24f: {  	vm1 =	vmand vm1, vm2  }
0x250: {  	v40 =	vsel vm1, $0x1, v5  }
0x251: {  	(xrf0) =	vadd.scan.msk.s32 $0xffff, v40;
	_ =	sdelay $0x5  }
0x252: {  	v40, _, _ =	vpop (xrf0)  }
0x253: {  	v40 =	vadd.s32 v40, v36  }
0x254: {  	v40 =	vadd.s32 $0xFFFFFFFF, v40  }
0x255: {  	vm2 =	vlt.s32 v40, $0x110  }
0x256: {  	vm1 =	vmand vm1, vm2  }
0x257: {  	s0 =	sadd.s32 $0x10, s0;
	v41 =	vmpcnt.ones.xlane vm1  }
0x258: {  	v42 =	vld [tilespmem:s0+$0x0]  }
0x259: {  	v36 =	vadd.s32 v36, v41;
	_ =	sdelay $0x1  }
.Ltmp15:
0x25a: {  	(pc) =	sbr.rel @p1 .LBB2_23-.Ltmp15, $4  }
0x25b: {  	[tilespmem:v40+s16+$0x0] =	vst.idx.msk vm1, v39  }
0x25c: {  	s22 =	sadd.s32 $0x10, s22;
	[tilespmem:v40+s17+$0x0] =	vst.idx.msk vm1, v42  }
0x25d: {  	v39 =	vld [tilespmem:s22+$0x0]  }
0x25e: {  	s23 =	sadd.s32 $0xFFFFFFFF, s23  }
.LBB2_24:
0x25f: {  	s21 =	sadd.s32 @p0 $0x10, s21  }
0x260: {  	s9 =	smov.u32 @p0 s21  }
0x261: {  	v40 =	vor.u32 s9, v1  }
0x262: {  	vm1 =	vlt.s32 v40, v37;
	vm2 =	vge.f32 v39, v38  }
0x263: {  	vm1 =	vmand vm1, vm2  }
0x264: {  	v61 =	vsel vm1, $0x1, v5  }
0x265: {  	(xrf0) =	vadd.scan.msk.s32 $0xffff, v61;
	_ =	sdelay $0x5  }
0x266: {  	v37, _, _ =	vpop (xrf0)  }
0x267: {  	v37 =	vadd.s32 v37, v36  }
0x268: {  	v37 =	vadd.s32 $0xFFFFFFFF, v37  }
0x269: {  	vm2 =	vlt.s32 v37, $0x110  }
0x26a: {  	s0 =	sadd.s32 @p0 $0x10, s0;
	vm1 =	vmand vm1, vm2  }
0x26b: {  	s3 =	smov.u32 @p0 s0  }
0x26c: {  	v62 =	vld [tilespmem:s3+$0x0];
	_ =	sdelay $0x2  }
0x26d: {  	v63 =	vmpcnt.ones.xlane vm1  }
0x26e: {  	[tilespmem:v37+s16+$0x0] =	vst.idx.msk vm1, v39  }
0x26f: {  	v36 =	vadd.s32 v36, v63;
	[tilespmem:v37+s17+$0x0] =	vst.idx.msk vm1, v62  }
.LBB2_25:
0x270: {  	v37 =	vxor.u32 $0x80000000, v36  }
0x271: {  	(xrf0) =	vmax.scan.msk.u32 $0xffff, v37;
	_ =	sdelay $0x5  }
0x272: {  	v37, _, _ =	vpop (xrf0)  }
0x273: {  	(v2sf) =	vpush v37, $0xF;
	_ =	sdelay $0xe  }
0x274: {  	s3 =	spop (v2sf)  }
0x275: {  	s0 =	sxor.u32 $0x80000000, s3  }
0x276: {  	p0 =	slt.s32 s0, $0x1  }
.Ltmp16:
0x277: {  	_ = 	snop;
	(pc) =	sbr.rel @p0 .LBB2_32-.Ltmp16, $1  }
0x278: {  	_ =	sdelay $0x3  }
0x279: {  	s3 =	sadd.s32 $0x8000000F, s3  }
0x27a: {  	s9 =	sand.u32 $0xF, s3;
	s21 =	sshra.s32 s3, $0x1F  }
.Ltmp17:
0x27b: {  	p0 =	slt.s32 s3, $0x1;
	p1 =	sne.s32 s9, $0x0;
	(pc) =	sbr.rel .LBB2_27-.Ltmp17, $4  }
0x27c: {  	s23 =	sshrl.u32 s21, $0x1C;
	p0 =	por !p0, !p1  }
0x27d: {  	s9 =	simm.s32 $0x1;
	s3 =	sadd.s32 s23, s3;
	p0 =	por !p0, !p0  }
0x27e: {  	s3 =	sshra.s32 s3, $0x4;
	s9 =	simm.s32 @!p0 $0x0  }
0x27f: {  	s3 =	ssub.s32 s3, s9;
	s9 =	simm.s32 $0x0  }
.LBB2_30:
0x280: {  	vm1 =	veq.f32 v41, v37;
	vm2 =	vlt.s32 v40, v38  }
0x281: {  	vm3 =	vgt.f32 v41, v37;
	vm1 =	vmand vm1, vm2  }
0x282: {  	vm1 =	vmor vm3, vm1  }
0x283: {  	v63 =	vmpcnt.ones.xlane vm1;
	_ =	sdelay $0x1  }
0x284: {  	v39 =	vadd.s32 v39, v63  }
.LBB2_31:
0x285: {  	vm1 =	vlt.s32 v39, $0x64  }
0x286: {  	vm1 =	vmand vm1, vm0  }
0x287: {  	s9 =	sadd.s32 $0x1, s9  }
0x288: {  	p0 =	sne.s32 s9, s0  }
.Ltmp18:
0x289: {  	_ = 	snop;
	(pc) =	sbr.rel @!p0 .LBB2_32-.Ltmp18, $3  }
0x28a: {  	_ =	sdelay $0x1  }
0x28b: {  	[tilespmem:v39+s18+$0x0] =	vst.idx.msk vm1, v37  }
0x28c: {  	[tilespmem:v39+s19+$0x0] =	vst.idx.msk vm1, v38  }
.LBB2_27:
0x28d: {  	v38 =	vmov s9;
	_ =	sdelay $0x3  }
0x28e: {  	s22 =	simm.s32 $0x10980  }
0x28f: {  	p0 =	slt.s32 s3, $0x1;
	s21 =	simm.s32 $0x10B00;
	v37 =	vld.idx.msk [tilespmem:v38+s22+$0x0], $0xffff  }
.Ltmp19:
0x290: {  	v38 =	vld.idx.msk [tilespmem:v38+s21+$0x0], $0xffff;
	(pc) =	sbr.rel @p0 .LBB2_31-.Ltmp19, $2  }
0x291: {  	_ =	sdelay $0x2  }
0x292: {  	v39 =	vimm.s32 $0x0  }
0x293: {  	v41 =	vld [tilespmem:s22+$0x0];
	p0 =	sne.s32 s3, $0x1  }
.Ltmp20:
0x294: {  	v40 =	vld [tilespmem:s21+$0x0];
	(pc) =	sbr.rel @!p0 .LBB2_30-.Ltmp20, $2  }
0x295: {  	_ =	sdelay $0x2  }
0x296: {  	s22 =	sadd.s32 $0xFFFFFFFF, s3;
	s23 =	simm.s32 $0x10990  }
.LBB2_29:
0x297: {  	v42 =	vld [tilespmem:s23+$0x0];
	vm1 =	veq.f32 v41, v37;
	vm2 =	vlt.s32 v40, v38;
	s21 =	sadd.s32 $0x10, s21;
	p0 =	sne.s32 s22, $0x1  }
.Ltmp21:
0x298: {  	s22 =	sadd.s32 $0xFFFFFFFF, s22;
	vm3 =	vgt.f32 v41, v37;
	v40 =	vld [tilespmem:s21+$0x0];
	vm1 =	vmand vm1, vm2;
	(pc) =	sbr.rel @p0 .LBB2_29-.Ltmp21, $3  }
0x299: {  	vm1 =	vmor vm3, vm1  }
0x29a: {  	v43 =	vmpcnt.ones.xlane vm1;
	_ =	sdelay $0x1  }
0x29b: {  	s23 =	sadd.s32 $0x10, s23;
	v39 =	vadd.s32 v39, v43;
	v41 =	vmov v42  }
.Ltmp22:
0x29c: {  	_ = 	snop;
	(pc) =	sbr.rel .LBB2_30-.Ltmp22, $1  }
0x29d: {  	_ =	sdelay $0x3  }
.LBB2_8:
.Ltmp23:
0x29e: {  	(pc) =	sbr.rel .LBB2_12-.Ltmp23, $2  }
0x29f: {  	_ =	sdelay $0x2  }
0x2a0: {  	s9 =	simm.s32 $0x0  }
.LBB2_20:
.Ltmp24:
0x2a1: {  	(pc) =	sbr.rel .LBB2_24-.Ltmp24, $2  }
0x2a2: {  	_ =	sdelay $0x2  }
0x2a3: {  	s21 =	simm.s32 $0x0;
	s0 =	simm.s32 $0xC200  }
.LBB2_10:
.Ltmp25:
0x2a4: {  	(pc) =	sbr.rel .LBB2_12-.Ltmp25, $2  }
0x2a5: {  	_ =	sdelay $0x2  }
0x2a6: {  	s9 =	simm.s32 $0x0  }
.LBB2_22:
.Ltmp26:
0x2a7: {  	(pc) =	sbr.rel .LBB2_24-.Ltmp26, $2  }
0x2a8: {  	_ =	sdelay $0x2  }
0x2a9: {  	s21 =	simm.s32 $0x0;
	s0 =	simm.s32 $0xC200  }
.LBB2_33:
0x2aa: {  	_ =	sfence.sel $0x180000  }
0x2ab: {  	[bflag:$0x0] =	sbarrier.arrive $0xFFFF  }
0x2ac: {  	_ =	strace $0x90000047  }
0x2ad: {  	s0 =	stileid.u32;
	[bflag:$0x2] =	sbarrier.arrive $0xFFFF  }
0x2ae: {  	p0 =	sne.s32 s0, $0x0;
	s0 =	rddreg [dreg:$0x5]  }
0x2af: {  	s0 =	sadd.s32 @!p0 $0x100000, s0  }
0x2b0: {  	[sflag:s0] =	ssyncadd.tile.s32 @!p0 $0x1;
	_ =	shalt  }
.Lfunc_end2:
_tile_overlayer_lowered:
.L_overlay_start_2:
0x2b1: {  	(tag) =	ssettag $0x2  }
0x2b2: {  	s0 =	rddreg [dreg:$0x0];
	s2 =	stileid.u32  }
0x2b3: {  	s1 =	rddreg [dreg:$0x1];
	p0 =	sne.s32 s2, $0x0  }
0x2b4: {  	s3 =	rddreg [dreg:$0x2];
	[bflag:$0x3] =	sbarrier.arrive $0xFFFF;
	s2 =	simm.s32 @!p0 $0x1C02  }
0x2b5: {  	[timem:s3], [sflag:s2] =	dma.local @!p0 [hbm:s0], s1  }
0x2b6: {  	s0 =	simm.s32 @!p0 $0x2  }
0x2b7: {  	_ =	swait.ge @!p0 [sflag:s0], s1  }
0x2b8: {  	s1 =	ssub.s32 @!p0 $0x0, s1;
	[sflag:s0] =	ssyncset.done @!p0 $0x0  }
0x2b9: {  	[sflag:s0] =	ssyncadd.s32 @!p0 s1  }
0x2ba: {  	[bflag:$0x3] =	sbarrier.arrive $0xFFFF  }
0x2bb: {  	_ =	shalt  }

</sc_bundles>
